<compile_context>
chip_gen: v7x
topology: tpu7x:2x2x1
jax: 0.10.2.dev20260603
libtpu: 0.0.44.dev20260713+nightly
codegen_flags: <defaults>
</compile_context>

<pallas_src>
import functools

import jax
import jax.numpy as jnp
from jax import lax
from jax.experimental import pallas as pl
from jax.experimental.pallas import tpu as pltpu
from jax.experimental.pallas import tpu_sc as plsc

B = 16384
EMB = 16
NROWS = 1000000
NCOLS = 100000
NC = 2
NS = 16
NW = NC * NS
BPW = B // NW
CHUNK = 128
NCH = BPW // CHUNK


def _delane_body(*refs):
    x = refs[0][...]
    for j in range(EMB):
        refs[-EMB + j][...] = x[j, :]


def _delane(tabT, n, ch, dep=None):
    grid = ((n + ch - 1) // ch,)
    in_specs = [pl.BlockSpec((EMB, ch), lambda i: (0, i))]
    args = [tabT]
    if dep is not None:
        in_specs.append(pl.BlockSpec((1024,), lambda i: (0,)))
        args.append(dep)
    return pl.pallas_call(
        _delane_body,
        grid=grid,
        in_specs=in_specs,
        out_specs=[pl.BlockSpec((ch,), lambda i: (i,))] * EMB,
        out_shape=[jax.ShapeDtypeStruct((n,), jnp.float32)] * EMB,
    )(*args)


@functools.lru_cache(maxsize=None)
def _make_sc_gather():
    mesh = plsc.VectorSubcoreMesh(
        core_axis_name="c", subcore_axis_name="s", num_cores=NC, num_subcores=NS
    )

    @functools.partial(
        pl.kernel,
        out_type=jax.ShapeDtypeStruct((EMB, B), jnp.float32),
        mesh=mesh,
        scratch_types=[
            pltpu.VMEM((NCH, CHUNK), jnp.int32),
            pltpu.VMEM((EMB, BPW), jnp.float32),
            pltpu.SemaphoreType.DMA,
        ],
        compiler_params=pltpu.CompilerParams(use_tc_tiling_on_sc=False),
    )
    def sc_gather(*refs):
        tab = refs[0:EMB]
        idx, out = refs[EMB], refs[EMB + 1]
        idx_v, rows_v, sem = refs[EMB + 2:]
        wid = lax.axis_index("s") * NC + lax.axis_index("c")
        base = wid * BPW
        pltpu.sync_copy(idx.at[wid], idx_v)

        def chunk_body(ch, _):
            for j in range(EMB):
                pltpu.async_copy(
                    tab[j].at[idx_v.at[ch]],
                    rows_v.at[j, pl.ds(ch * CHUNK, CHUNK)], sem)
            return 0

        lax.fori_loop(0, NCH, chunk_body, 0)
        for j in range(EMB):
            pltpu.make_async_copy(
                tab[j].at[pl.ds(0, BPW)], rows_v.at[j], sem).wait()
        pltpu.sync_copy(rows_v, out.at[:, pl.ds(base, BPW)])

    return sc_gather


BLK = 2048


def _mlp_body(xT_ref, reT_ref, ceT_ref,
              W1T_ref, b1_ref, g1_ref, be1_ref,
              W2T_ref, b2_ref, g2_ref, be2_ref, W3_ref, b3_ref, o_ref):
    xT = xT_ref[...]
    reT = reT_ref[...]
    ceT = ceT_ref[...]
    W1T = W1T_ref[...]
    h = (W1T[:, 0:1] * xT[0:1, :] + W1T[:, 1:2] * xT[1:2, :]
         + jnp.dot(W1T[:, 2:2 + EMB], reT, preferred_element_type=jnp.float32,
                   precision=lax.Precision.HIGHEST)
         + jnp.dot(W1T[:, 2 + EMB:], ceT, preferred_element_type=jnp.float32,
                   precision=lax.Precision.HIGHEST)
         + b1_ref[...])
    h = _layernorm_gelu_t(h, g1_ref[...], be1_ref[...])
    h = jnp.dot(W2T_ref[...], h, preferred_element_type=jnp.float32,
                precision=lax.Precision.HIGHEST) + b2_ref[...]
    h = _layernorm_gelu_t(h, g2_ref[...], be2_ref[...])
    o_ref[...] = jnp.sum(h * W3_ref[...], axis=0, keepdims=True) + b3_ref[...]


def _layernorm_gelu_t(h, g, b, eps=1e-5):
    mu = jnp.mean(h, axis=0, keepdims=True)
    var = jnp.mean((h - mu) ** 2, axis=0, keepdims=True)
    h = (h - mu) / jnp.sqrt(var + eps) * g + b
    return h * 0.5 * (1.0 + lax.erf(h * (2.0 ** -0.5)))


def kernel(x, row_idx, col_idx, row_table, col_table,
           W1, b1, g1, be1, W2, b2, g2, be2, W3, b3):
    ridx = row_idx.astype(jnp.int32).reshape(NW, NCH, CHUNK)
    cidx = col_idx.astype(jnp.int32).reshape(NW, NCH, CHUNK)
    cts = _delane(col_table.T, NCOLS, 50176)
    ceT = _make_sc_gather()(*cts, cidx)
    rts = _delane(row_table.T, NROWS, 102400, dep=cts[0])
    reT = _make_sc_gather()(*rts, ridx)

    grid = (B // BLK,)
    full = lambda i: (0, 0)
    batch = lambda i: (0, i)
    outT = pl.pallas_call(
        _mlp_body,
        grid=grid,
        in_specs=[
            pl.BlockSpec((2, BLK), batch),
            pl.BlockSpec((EMB, BLK), batch),
            pl.BlockSpec((EMB, BLK), batch),
            pl.BlockSpec((32, 2 + 2 * EMB), full),
            pl.BlockSpec((32, 1), full),
            pl.BlockSpec((32, 1), full),
            pl.BlockSpec((32, 1), full),
            pl.BlockSpec((16, 32), full),
            pl.BlockSpec((16, 1), full),
            pl.BlockSpec((16, 1), full),
            pl.BlockSpec((16, 1), full),
            pl.BlockSpec((16, 1), full),
            pl.BlockSpec((1, 1), full),
        ],
        out_specs=pl.BlockSpec((1, BLK), batch),
        out_shape=jax.ShapeDtypeStruct((1, B), jnp.float32),
    )(x.T, reT, ceT, W1.T,
      b1.reshape(32, 1), g1.reshape(32, 1), be1.reshape(32, 1),
      W2.T, b2.reshape(16, 1), g2.reshape(16, 1), be2.reshape(16, 1),
      W3, b3.reshape(1, 1))
    return outT.reshape(B, 1)

# --- scband reference (transcript-rebuilt; emitter-appended) ---
"""Pipeline reference for scband-compact-table-predictor-81260781240947 (READ-ONLY COPY).

The authoritative reference and input builder live on the scoring server;
editing this copy changes nothing except your own understanding.
"""

import jax, jax.numpy as jnp
import numpy as np

NUM_ROWS = 1000000
NUM_COLS = 100000
EMB = 16
B = 16384


def _layernorm(h, g, b, eps=1e-5):
    mu = jnp.mean(h, axis=-1, keepdims=True)
    var = jnp.mean((h - mu) ** 2, axis=-1, keepdims=True)
    return (h - mu) / jnp.sqrt(var + eps) * g + b


def setup_inputs(seed: int = 0) -> dict:
    key = jax.random.key(seed)
    ks = jax.random.split(key, 12)
    x = jax.random.normal(ks[0], (B, 2), dtype=jnp.float32)
    row_idx = jax.random.randint(ks[1], (B,), 0, NUM_ROWS)
    col_idx = jax.random.randint(ks[2], (B,), 0, NUM_COLS)
    row_table = jax.random.normal(ks[3], (NUM_ROWS, EMB), dtype=jnp.float32) * 0.02
    col_table = jax.random.normal(ks[4], (NUM_COLS, EMB), dtype=jnp.float32) * 0.02
    d_in = 2 + 2 * EMB
    W1 = jax.random.normal(ks[5], (d_in, 32), dtype=jnp.float32) * (2.0 / d_in) ** 0.5
    b1 = jnp.zeros((32,), dtype=jnp.float32)
    g1 = jnp.ones((32,), dtype=jnp.float32)
    be1 = jnp.zeros((32,), dtype=jnp.float32)
    W2 = jax.random.normal(ks[6], (32, 16), dtype=jnp.float32) * (2.0 / 32) ** 0.5
    b2 = jnp.zeros((16,), dtype=jnp.float32)
    g2 = jnp.ones((16,), dtype=jnp.float32)
    be2 = jnp.zeros((16,), dtype=jnp.float32)
    W3 = jax.random.normal(ks[7], (16, 1), dtype=jnp.float32) * (2.0 / 16) ** 0.5
    b3 = jnp.zeros((1,), dtype=jnp.float32)
    return {"x": x, "row_idx": row_idx, "col_idx": col_idx,
            "row_table": row_table, "col_table": col_table,
            "W1": W1, "b1": b1, "g1": g1, "be1": be1,
            "W2": W2, "b2": b2, "g2": g2, "be2": be2,
            "W3": W3, "b3": b3}


def reference(x, row_idx, col_idx, row_table, col_table,
              W1, b1, g1, be1, W2, b2, g2, be2, W3, b3):
    row_emb = jnp.take(row_table, row_idx, axis=0)
    col_emb = jnp.take(col_table, col_idx, axis=0)
    h = jnp.concatenate([x, row_emb, col_emb], axis=1)
    h = h @ W1 + b1
    h = _layernorm(h, g1, be1)
    h = jax.nn.gelu(h, approximate=False)
    h = h @ W2 + b2
    h = _layernorm(h, g2, be2)
    h = jax.nn.gelu(h, approximate=False)
    out = h @ W3 + b3
    return out

if __name__ == "__main__":
    import jax
    _d = setup_inputs()
    print(jax.jit(kernel)(*tuple(_d.values())))

</pallas_src>

<mosaic_0001>
#map = affine_map<(d0, d1) -> (0)>
#map1 = affine_map<(d0, d1) -> (0, 0, 0)>
#map2 = affine_map<(d0, d1) -> (0, 0)>
module attributes {stable_mosaic.version = 14 : i64} {
  func.func @sc_gather(%arg0: i32, %arg1: i32, %arg2: memref<1000000xf32, #tpu.memory_space<hbm>>, %arg3: memref<1000000xf32, #tpu.memory_space<hbm>>, %arg4: memref<1000000xf32, #tpu.memory_space<hbm>>, %arg5: memref<1000000xf32, #tpu.memory_space<hbm>>, %arg6: memref<1000000xf32, #tpu.memory_space<hbm>>, %arg7: memref<1000000xf32, #tpu.memory_space<hbm>>, %arg8: memref<1000000xf32, #tpu.memory_space<hbm>>, %arg9: memref<1000000xf32, #tpu.memory_space<hbm>>, %arg10: memref<1000000xf32, #tpu.memory_space<hbm>>, %arg11: memref<1000000xf32, #tpu.memory_space<hbm>>, %arg12: memref<1000000xf32, #tpu.memory_space<hbm>>, %arg13: memref<1000000xf32, #tpu.memory_space<hbm>>, %arg14: memref<1000000xf32, #tpu.memory_space<hbm>>, %arg15: memref<1000000xf32, #tpu.memory_space<hbm>>, %arg16: memref<1000000xf32, #tpu.memory_space<hbm>>, %arg17: memref<1000000xf32, #tpu.memory_space<hbm>>, %arg18: memref<32x4x128xi32, #tpu.memory_space<hbm>>, %arg19: memref<16x16384xf32, #tpu.memory_space<hbm>>, %arg20: memref<4x128xi32, #tpu.memory_space<vmem>>, %arg21: memref<16x512xf32, #tpu.memory_space<vmem>>, %arg22: memref<!tpu.dma_semaphore, #tpu.memory_space<semaphore_mem>>) attributes {dimension_semantics = [#tpu.dimension_semantics<core_parallel>, #tpu.dimension_semantics<subcore_parallel>], iteration_bounds = array<i64: 2, 16>, scalar_prefetch = 0 : i64, scratch_operands = 3 : i64, tpu.core_type = #tpu.core_type<sc_vector_subcore>, window_params = [{transform_indices = #map}, {transform_indices = #map}, {transform_indices = #map}, {transform_indices = #map}, {transform_indices = #map}, {transform_indices = #map}, {transform_indices = #map}, {transform_indices = #map}, {transform_indices = #map}, {transform_indices = #map}, {transform_indices = #map}, {transform_indices = #map}, {transform_indices = #map}, {transform_indices = #map}, {transform_indices = #map}, {transform_indices = #map}, {transform_indices = #map1}, {transform_indices = #map2}]} {
    %mul3A = arith.constant 2 : i32
    %mul3A_0 = arith.muli %arg1, %mul3A : i32
    %add3A = arith.addi %mul3A_0, %arg0 : i32
    %mul3A_1 = arith.constant 512 : i32
    %mul3A_2 = arith.muli %add3A, %mul3A_1 : i32
    "tpu.region"() ({
      %run_scoped3A = tpu.sem_alloc : memref<!tpu.dma_semaphore, #tpu.memory_space<semaphore_mem>>
      %dma_start3A = arith.constant 0 : i32
      %dma_start3A_184 = arith.constant 0 : i32
      %dma_start3A_185 = tpu.memref_slice %arg18[%add3A, %dma_start3A, %dma_start3A_184] : memref<32x4x128xi32, #tpu.memory_space<hbm>> -> memref<1x4x128xi32, #tpu.memory_space<hbm>>
      %dma_start3A_186 = tpu.memref_squeeze %dma_start3A_185 : memref<1x4x128xi32, #tpu.memory_space<hbm>> -> memref<4x128xi32, #tpu.memory_space<hbm>>
      %dma_start3A_187 = arith.constant 0 : i32
      %dma_start3A_188 = arith.constant 0 : i32
      %dma_start3A_189 = tpu.memref_slice %arg18[%add3A, %dma_start3A_187, %dma_start3A_188] : memref<32x4x128xi32, #tpu.memory_space<hbm>> -> memref<1x4x128xi32, #tpu.memory_space<hbm>>
      %dma_start3A_190 = tpu.memref_squeeze %dma_start3A_189 : memref<1x4x128xi32, #tpu.memory_space<hbm>> -> memref<4x128xi32, #tpu.memory_space<hbm>>
      tpu.enqueue_dma source(%dma_start3A_190 : memref<4x128xi32, #tpu.memory_space<hbm>>) target(%arg20 : memref<4x128xi32, #tpu.memory_space<vmem>>) target_semaphore(%run_scoped3A : memref<!tpu.dma_semaphore, #tpu.memory_space<semaphore_mem>>)
      %dma_wait3A_191 = arith.constant 0 : i32
      %dma_wait3A_192 = arith.constant 0 : i32
      %dma_wait3A_193 = tpu.memref_slice %arg18[%add3A, %dma_wait3A_191, %dma_wait3A_192] : memref<32x4x128xi32, #tpu.memory_space<hbm>> -> memref<1x4x128xi32, #tpu.memory_space<hbm>>
      %dma_wait3A_194 = tpu.memref_squeeze %dma_wait3A_193 : memref<1x4x128xi32, #tpu.memory_space<hbm>> -> memref<4x128xi32, #tpu.memory_space<hbm>>
      %dma_wait3A_195 = arith.constant 0 : i32
      %dma_wait3A_196 = arith.constant 0 : i32
      %dma_wait3A_197 = tpu.memref_slice %arg18[%add3A, %dma_wait3A_195, %dma_wait3A_196] : memref<32x4x128xi32, #tpu.memory_space<hbm>> -> memref<1x4x128xi32, #tpu.memory_space<hbm>>
      %dma_wait3A_198 = tpu.memref_squeeze %dma_wait3A_197 : memref<1x4x128xi32, #tpu.memory_space<hbm>> -> memref<4x128xi32, #tpu.memory_space<hbm>>
      tpu.wait_dma2 semaphore(%run_scoped3A : memref<!tpu.dma_semaphore, #tpu.memory_space<semaphore_mem>>) src(%dma_wait3A_198 : memref<4x128xi32, #tpu.memory_space<hbm>>) dst(%arg20 : memref<4x128xi32, #tpu.memory_space<vmem>>)
      tpu.yield
    }) : () -> ()
    %scan3A = arith.constant 0 : i32
    %scan3A_3 = arith.constant 0 : i32
    %scan3A_4 = arith.constant 4 : i32
    %scan3A_5 = arith.addi %scan3A_3, %scan3A_4 : i32
    %scan3A_6 = arith.constant 1 : i32
    %scan3A_7 = scf.for %scan3A_184 = %scan3A_3 to %scan3A_5 step %scan3A_6 iter_args(%scan3A_185 = %scan3A) -> (i32)  : i32 {
      %mul3A_186 = arith.constant 128 : i32
      %mul3A_187 = arith.muli %scan3A_184, %mul3A_186 : i32
      %dma_start3A = arith.constant 0 : i32
      %dma_start3A_188 = tpu.memref_slice %arg21[%dma_start3A, %mul3A_187] : memref<16x512xf32, #tpu.memory_space<vmem>> -> memref<1x128xf32, #tpu.memory_space<vmem>>
      %dma_start3A_189 = tpu.memref_squeeze %dma_start3A_188 : memref<1x128xf32, #tpu.memory_space<vmem>> -> memref<128xf32, #tpu.memory_space<vmem>>
      %dma_start3A_190 = arith.constant 0 : i32
      %dma_start3A_191 = tpu.memref_slice %arg20[%scan3A_184, %dma_start3A_190] : memref<4x128xi32, #tpu.memory_space<vmem>> -> memref<1x128xi32, #tpu.memory_space<vmem>>
      %dma_start3A_192 = tpu.memref_squeeze %dma_start3A_191 : memref<1x128xi32, #tpu.memory_space<vmem>> -> memref<128xi32, #tpu.memory_space<vmem>>
      %dma_start3A_193 = arith.constant 0 : i32
      %dma_start3A_194 = tpu.memref_slice %arg2[%dma_start3A_193] : memref<1000000xf32, #tpu.memory_space<hbm>> -> memref<1000000xf32, #tpu.memory_space<hbm>>
      tpu.enqueue_indirect_dma source(%dma_start3A_194 : memref<1000000xf32, #tpu.memory_space<hbm>>) target(%dma_start3A_189 : memref<128xf32, #tpu.memory_space<vmem>>) offsets(%dma_start3A_192 : memref<128xi32, #tpu.memory_space<vmem>>) semaphore(%arg22 : memref<!tpu.dma_semaphore, #tpu.memory_space<semaphore_mem>>)
      %mul3A_195 = arith.constant 128 : i32
      %mul3A_196 = arith.muli %scan3A_184, %mul3A_195 : i32
      %dma_start3A_197 = arith.constant 1 : i32
      %dma_start3A_198 = tpu.memref_slice %arg21[%dma_start3A_197, %mul3A_196] : memref<16x512xf32, #tpu.memory_space<vmem>> -> memref<1x128xf32, #tpu.memory_space<vmem>>
      %dma_start3A_199 = tpu.memref_squeeze %dma_start3A_198 : memref<1x128xf32, #tpu.memory_space<vmem>> -> memref<128xf32, #tpu.memory_space<vmem>>
      %dma_start3A_200 = arith.constant 0 : i32
      %dma_start3A_201 = tpu.memref_slice %arg20[%scan3A_184, %dma_start3A_200] : memref<4x128xi32, #tpu.memory_space<vmem>> -> memref<1x128xi32, #tpu.memory_space<vmem>>
      %dma_start3A_202 = tpu.memref_squeeze %dma_start3A_201 : memref<1x128xi32, #tpu.memory_space<vmem>> -> memref<128xi32, #tpu.memory_space<vmem>>
      %dma_start3A_203 = arith.constant 0 : i32
      %dma_start3A_204 = tpu.memref_slice %arg3[%dma_start3A_203] : memref<1000000xf32, #tpu.memory_space<hbm>> -> memref<1000000xf32, #tpu.memory_space<hbm>>
      tpu.enqueue_indirect_dma source(%dma_start3A_204 : memref<1000000xf32, #tpu.memory_space<hbm>>) target(%dma_start3A_199 : memref<128xf32, #tpu.memory_space<vmem>>) offsets(%dma_start3A_202 : memref<128xi32, #tpu.memory_space<vmem>>) semaphore(%arg22 : memref<!tpu.dma_semaphore, #tpu.memory_space<semaphore_mem>>)
      %mul3A_205 = arith.constant 128 : i32
      %mul3A_206 = arith.muli %scan3A_184, %mul3A_205 : i32
      %dma_start3A_207 = arith.constant 2 : i32
      %dma_start3A_208 = tpu.memref_slice %arg21[%dma_start3A_207, %mul3A_206] : memref<16x512xf32, #tpu.memory_space<vmem>> -> memref<1x128xf32, #tpu.memory_space<vmem>>
      %dma_start3A_209 = tpu.memref_squeeze %dma_start3A_208 : memref<1x128xf32, #tpu.memory_space<vmem>> -> memref<128xf32, #tpu.memory_space<vmem>>
      %dma_start3A_210 = arith.constant 0 : i32
      %dma_start3A_211 = tpu.memref_slice %arg20[%scan3A_184, %dma_start3A_210] : memref<4x128xi32, #tpu.memory_space<vmem>> -> memref<1x128xi32, #tpu.memory_space<vmem>>
      %dma_start3A_212 = tpu.memref_squeeze %dma_start3A_211 : memref<1x128xi32, #tpu.memory_space<vmem>> -> memref<128xi32, #tpu.memory_space<vmem>>
      %dma_start3A_213 = arith.constant 0 : i32
      %dma_start3A_214 = tpu.memref_slice %arg4[%dma_start3A_213] : memref<1000000xf32, #tpu.memory_space<hbm>> -> memref<1000000xf32, #tpu.memory_space<hbm>>
      tpu.enqueue_indirect_dma source(%dma_start3A_214 : memref<1000000xf32, #tpu.memory_space<hbm>>) target(%dma_start3A_209 : memref<128xf32, #tpu.memory_space<vmem>>) offsets(%dma_start3A_212 : memref<128xi32, #tpu.memory_space<vmem>>) semaphore(%arg22 : memref<!tpu.dma_semaphore, #tpu.memory_space<semaphore_mem>>)
      %mul3A_215 = arith.constant 128 : i32
      %mul3A_216 = arith.muli %scan3A_184, %mul3A_215 : i32
      %dma_start3A_217 = arith.constant 3 : i32
      %dma_start3A_218 = tpu.memref_slice %arg21[%dma_start3A_217, %mul3A_216] : memref<16x512xf32, #tpu.memory_space<vmem>> -> memref<1x128xf32, #tpu.memory_space<vmem>>
      %dma_start3A_219 = tpu.memref_squeeze %dma_start3A_218 : memref<1x128xf32, #tpu.memory_space<vmem>> -> memref<128xf32, #tpu.memory_space<vmem>>
      %dma_start3A_220 = arith.constant 0 : i32
      %dma_start3A_221 = tpu.memref_slice %arg20[%scan3A_184, %dma_start3A_220] : memref<4x128xi32, #tpu.memory_space<vmem>> -> memref<1x128xi32, #tpu.memory_space<vmem>>
      %dma_start3A_222 = tpu.memref_squeeze %dma_start3A_221 : memref<1x128xi32, #tpu.memory_space<vmem>> -> memref<128xi32, #tpu.memory_space<vmem>>
      %dma_start3A_223 = arith.constant 0 : i32
      %dma_start3A_224 = tpu.memref_slice %arg5[%dma_start3A_223] : memref<1000000xf32, #tpu.memory_space<hbm>> -> memref<1000000xf32, #tpu.memory_space<hbm>>
      tpu.enqueue_indirect_dma source(%dma_start3A_224 : memref<1000000xf32, #tpu.memory_space<hbm>>) target(%dma_start3A_219 : memref<128xf32, #tpu.memory_space<vmem>>) offsets(%dma_start3A_222 : memref<128xi32, #tpu.memory_space<vmem>>) semaphore(%arg22 : memref<!tpu.dma_semaphore, #tpu.memory_space<semaphore_mem>>)
      %mul3A_225 = arith.constant 128 : i32
      %mul3A_226 = arith.muli %scan3A_184, %mul3A_225 : i32
      %dma_start3A_227 = arith.constant 4 : i32
      %dma_start3A_228 = tpu.memref_slice %arg21[%dma_start3A_227, %mul3A_226] : memref<16x512xf32, #tpu.memory_space<vmem>> -> memref<1x128xf32, #tpu.memory_space<vmem>>
      %dma_start3A_229 = tpu.memref_squeeze %dma_start3A_228 : memref<1x128xf32, #tpu.memory_space<vmem>> -> memref<128xf32, #tpu.memory_space<vmem>>
      %dma_start3A_230 = arith.constant 0 : i32
      %dma_start3A_231 = tpu.memref_slice %arg20[%scan3A_184, %dma_start3A_230] : memref<4x128xi32, #tpu.memory_space<vmem>> -> memref<1x128xi32, #tpu.memory_space<vmem>>
      %dma_start3A_232 = tpu.memref_squeeze %dma_start3A_231 : memref<1x128xi32, #tpu.memory_space<vmem>> -> memref<128xi32, #tpu.memory_space<vmem>>
      %dma_start3A_233 = arith.constant 0 : i32
      %dma_start3A_234 = tpu.memref_slice %arg6[%dma_start3A_233] : memref<1000000xf32, #tpu.memory_space<hbm>> -> memref<1000000xf32, #tpu.memory_space<hbm>>
      tpu.enqueue_indirect_dma source(%dma_start3A_234 : memref<1000000xf32, #tpu.memory_space<hbm>>) target(%dma_start3A_229 : memref<128xf32, #tpu.memory_space<vmem>>) offsets(%dma_start3A_232 : memref<128xi32, #tpu.memory_space<vmem>>) semaphore(%arg22 : memref<!tpu.dma_semaphore, #tpu.memory_space<semaphore_mem>>)
      %mul3A_235 = arith.constant 128 : i32
      %mul3A_236 = arith.muli %scan3A_184, %mul3A_235 : i32
      %dma_start3A_237 = arith.constant 5 : i32
      %dma_start3A_238 = tpu.memref_slice %arg21[%dma_start3A_237, %mul3A_236] : memref<16x512xf32, #tpu.memory_space<vmem>> -> memref<1x128xf32, #tpu.memory_space<vmem>>
      %dma_start3A_239 = tpu.memref_squeeze %dma_start3A_238 : memref<1x128xf32, #tpu.memory_space<vmem>> -> memref<128xf32, #tpu.memory_space<vmem>>
      %dma_start3A_240 = arith.constant 0 : i32
      %dma_start3A_241 = tpu.memref_slice %arg20[%scan3A_184, %dma_start3A_240] : memref<4x128xi32, #tpu.memory_space<vmem>> -> memref<1x128xi32, #tpu.memory_space<vmem>>
      %dma_start3A_242 = tpu.memref_squeeze %dma_start3A_241 : memref<1x128xi32, #tpu.memory_space<vmem>> -> memref<128xi32, #tpu.memory_space<vmem>>
      %dma_start3A_243 = arith.constant 0 : i32
      %dma_start3A_244 = tpu.memref_slice %arg7[%dma_start3A_243] : memref<1000000xf32, #tpu.memory_space<hbm>> -> memref<1000000xf32, #tpu.memory_space<hbm>>
      tpu.enqueue_indirect_dma source(%dma_start3A_244 : memref<1000000xf32, #tpu.memory_space<hbm>>) target(%dma_start3A_239 : memref<128xf32, #tpu.memory_space<vmem>>) offsets(%dma_start3A_242 : memref<128xi32, #tpu.memory_space<vmem>>) semaphore(%arg22 : memref<!tpu.dma_semaphore, #tpu.memory_space<semaphore_mem>>)
      %mul3A_245 = arith.constant 128 : i32
      %mul3A_246 = arith.muli %scan3A_184, %mul3A_245 : i32
      %dma_start3A_247 = arith.constant 6 : i32
      %dma_start3A_248 = tpu.memref_slice %arg21[%dma_start3A_247, %mul3A_246] : memref<16x512xf32, #tpu.memory_space<vmem>> -> memref<1x128xf32, #tpu.memory_space<vmem>>
      %dma_start3A_249 = tpu.memref_squeeze %dma_start3A_248 : memref<1x128xf32, #tpu.memory_space<vmem>> -> memref<128xf32, #tpu.memory_space<vmem>>
      %dma_start3A_250 = arith.constant 0 : i32
      %dma_start3A_251 = tpu.memref_slice %arg20[%scan3A_184, %dma_start3A_250] : memref<4x128xi32, #tpu.memory_space<vmem>> -> memref<1x128xi32, #tpu.memory_space<vmem>>
      %dma_start3A_252 = tpu.memref_squeeze %dma_start3A_251 : memref<1x128xi32, #tpu.memory_space<vmem>> -> memref<128xi32, #tpu.memory_space<vmem>>
      %dma_start3A_253 = arith.constant 0 : i32
      %dma_start3A_254 = tpu.memref_slice %arg8[%dma_start3A_253] : memref<1000000xf32, #tpu.memory_space<hbm>> -> memref<1000000xf32, #tpu.memory_space<hbm>>
      tpu.enqueue_indirect_dma source(%dma_start3A_254 : memref<1000000xf32, #tpu.memory_space<hbm>>) target(%dma_start3A_249 : memref<128xf32, #tpu.memory_space<vmem>>) offsets(%dma_start3A_252 : memref<128xi32, #tpu.memory_space<vmem>>) semaphore(%arg22 : memref<!tpu.dma_semaphore, #tpu.memory_space<semaphore_mem>>)
      %mul3A_255 = arith.constant 128 : i32
      %mul3A_256 = arith.muli %scan3A_184, %mul3A_255 : i32
      %dma_start3A_257 = arith.constant 7 : i32
      %dma_start3A_258 = tpu.memref_slice %arg21[%dma_start3A_257, %mul3A_256] : memref<16x512xf32, #tpu.memory_space<vmem>> -> memref<1x128xf32, #tpu.memory_space<vmem>>
      %dma_start3A_259 = tpu.memref_squeeze %dma_start3A_258 : memref<1x128xf32, #tpu.memory_space<vmem>> -> memref<128xf32, #tpu.memory_space<vmem>>
      %dma_start3A_260 = arith.constant 0 : i32
      %dma_start3A_261 = tpu.memref_slice %arg20[%scan3A_184, %dma_start3A_260] : memref<4x128xi32, #tpu.memory_space<vmem>> -> memref<1x128xi32, #tpu.memory_space<vmem>>
      %dma_start3A_262 = tpu.memref_squeeze %dma_start3A_261 : memref<1x128xi32, #tpu.memory_space<vmem>> -> memref<128xi32, #tpu.memory_space<vmem>>
      %dma_start3A_263 = arith.constant 0 : i32
      %dma_start3A_264 = tpu.memref_slice %arg9[%dma_start3A_263] : memref<1000000xf32, #tpu.memory_space<hbm>> -> memref<1000000xf32, #tpu.memory_space<hbm>>
      tpu.enqueue_indirect_dma source(%dma_start3A_264 : memref<1000000xf32, #tpu.memory_space<hbm>>) target(%dma_start3A_259 : memref<128xf32, #tpu.memory_space<vmem>>) offsets(%dma_start3A_262 : memref<128xi32, #tpu.memory_space<vmem>>) semaphore(%arg22 : memref<!tpu.dma_semaphore, #tpu.memory_space<semaphore_mem>>)
      %mul3A_265 = arith.constant 128 : i32
      %mul3A_266 = arith.muli %scan3A_184, %mul3A_265 : i32
      %dma_start3A_267 = arith.constant 8 : i32
      %dma_start3A_268 = tpu.memref_slice %arg21[%dma_start3A_267, %mul3A_266] : memref<16x512xf32, #tpu.memory_space<vmem>> -> memref<1x128xf32, #tpu.memory_space<vmem>>
      %dma_start3A_269 = tpu.memref_squeeze %dma_start3A_268 : memref<1x128xf32, #tpu.memory_space<vmem>> -> memref<128xf32, #tpu.memory_space<vmem>>
      %dma_start3A_270 = arith.constant 0 : i32
      %dma_start3A_271 = tpu.memref_slice %arg20[%scan3A_184, %dma_start3A_270] : memref<4x128xi32, #tpu.memory_space<vmem>> -> memref<1x128xi32, #tpu.memory_space<vmem>>
      %dma_start3A_272 = tpu.memref_squeeze %dma_start3A_271 : memref<1x128xi32, #tpu.memory_space<vmem>> -> memref<128xi32, #tpu.memory_space<vmem>>
      %dma_start3A_273 = arith.constant 0 : i32
      %dma_start3A_274 = tpu.memref_slice %arg10[%dma_start3A_273] : memref<1000000xf32, #tpu.memory_space<hbm>> -> memref<1000000xf32, #tpu.memory_space<hbm>>
      tpu.enqueue_indirect_dma source(%dma_start3A_274 : memref<1000000xf32, #tpu.memory_space<hbm>>) target(%dma_start3A_269 : memref<128xf32, #tpu.memory_space<vmem>>) offsets(%dma_start3A_272 : memref<128xi32, #tpu.memory_space<vmem>>) semaphore(%arg22 : memref<!tpu.dma_semaphore, #tpu.memory_space<semaphore_mem>>)
      %mul3A_275 = arith.constant 128 : i32
      %mul3A_276 = arith.muli %scan3A_184, %mul3A_275 : i32
      %dma_start3A_277 = arith.constant 9 : i32
      %dma_start3A_278 = tpu.memref_slice %arg21[%dma_start3A_277, %mul3A_276] : memref<16x512xf32, #tpu.memory_space<vmem>> -> memref<1x128xf32, #tpu.memory_space<vmem>>
      %dma_start3A_279 = tpu.memref_squeeze %dma_start3A_278 : memref<1x128xf32, #tpu.memory_space<vmem>> -> memref<128xf32, #tpu.memory_space<vmem>>
      %dma_start3A_280 = arith.constant 0 : i32
      %dma_start3A_281 = tpu.memref_slice %arg20[%scan3A_184, %dma_start3A_280] : memref<4x128xi32, #tpu.memory_space<vmem>> -> memref<1x128xi32, #tpu.memory_space<vmem>>
      %dma_start3A_282 = tpu.memref_squeeze %dma_start3A_281 : memref<1x128xi32, #tpu.memory_space<vmem>> -> memref<128xi32, #tpu.memory_space<vmem>>
      %dma_start3A_283 = arith.constant 0 : i32
      %dma_start3A_284 = tpu.memref_slice %arg11[%dma_start3A_283] : memref<1000000xf32, #tpu.memory_space<hbm>> -> memref<1000000xf32, #tpu.memory_space<hbm>>
      tpu.enqueue_indirect_dma source(%dma_start3A_284 : memref<1000000xf32, #tpu.memory_space<hbm>>) target(%dma_start3A_279 : memref<128xf32, #tpu.memory_space<vmem>>) offsets(%dma_start3A_282 : memref<128xi32, #tpu.memory_space<vmem>>) semaphore(%arg22 : memref<!tpu.dma_semaphore, #tpu.memory_space<semaphore_mem>>)
      %mul3A_285 = arith.constant 128 : i32
      %mul3A_286 = arith.muli %scan3A_184, %mul3A_285 : i32
      %dma_start3A_287 = arith.constant 10 : i32
      %dma_start3A_288 = tpu.memref_slice %arg21[%dma_start3A_287, %mul3A_286] : memref<16x512xf32, #tpu.memory_space<vmem>> -> memref<1x128xf32, #tpu.memory_space<vmem>>
      %dma_start3A_289 = tpu.memref_squeeze %dma_start3A_288 : memref<1x128xf32, #tpu.memory_space<vmem>> -> memref<128xf32, #tpu.memory_space<vmem>>
      %dma_start3A_290 = arith.constant 0 : i32
      %dma_start3A_291 = tpu.memref_slice %arg20[%scan3A_184, %dma_start3A_290] : memref<4x128xi32, #tpu.memory_space<vmem>> -> memref<1x128xi32, #tpu.memory_space<vmem>>
      %dma_start3A_292 = tpu.memref_squeeze %dma_start3A_291 : memref<1x128xi32, #tpu.memory_space<vmem>> -> memref<128xi32, #tpu.memory_space<vmem>>
      %dma_start3A_293 = arith.constant 0 : i32
      %dma_start3A_294 = tpu.memref_slice %arg12[%dma_start3A_293] : memref<1000000xf32, #tpu.memory_space<hbm>> -> memref<1000000xf32, #tpu.memory_space<hbm>>
      tpu.enqueue_indirect_dma source(%dma_start3A_294 : memref<1000000xf32, #tpu.memory_space<hbm>>) target(%dma_start3A_289 : memref<128xf32, #tpu.memory_space<vmem>>) offsets(%dma_start3A_292 : memref<128xi32, #tpu.memory_space<vmem>>) semaphore(%arg22 : memref<!tpu.dma_semaphore, #tpu.memory_space<semaphore_mem>>)
      %mul3A_295 = arith.constant 128 : i32
      %mul3A_296 = arith.muli %scan3A_184, %mul3A_295 : i32
      %dma_start3A_297 = arith.constant 11 : i32
      %dma_start3A_298 = tpu.memref_slice %arg21[%dma_start3A_297, %mul3A_296] : memref<16x512xf32, #tpu.memory_space<vmem>> -> memref<1x128xf32, #tpu.memory_space<vmem>>
      %dma_start3A_299 = tpu.memref_squeeze %dma_start3A_298 : memref<1x128xf32, #tpu.memory_space<vmem>> -> memref<128xf32, #tpu.memory_space<vmem>>
      %dma_start3A_300 = arith.constant 0 : i32
      %dma_start3A_301 = tpu.memref_slice %arg20[%scan3A_184, %dma_start3A_300] : memref<4x128xi32, #tpu.memory_space<vmem>> -> memref<1x128xi32, #tpu.memory_space<vmem>>
      %dma_start3A_302 = tpu.memref_squeeze %dma_start3A_301 : memref<1x128xi32, #tpu.memory_space<vmem>> -> memref<128xi32, #tpu.memory_space<vmem>>
      %dma_start3A_303 = arith.constant 0 : i32
      %dma_start3A_304 = tpu.memref_slice %arg13[%dma_start3A_303] : memref<1000000xf32, #tpu.memory_space<hbm>> -> memref<1000000xf32, #tpu.memory_space<hbm>>
      tpu.enqueue_indirect_dma source(%dma_start3A_304 : memref<1000000xf32, #tpu.memory_space<hbm>>) target(%dma_start3A_299 : memref<128xf32, #tpu.memory_space<vmem>>) offsets(%dma_start3A_302 : memref<128xi32, #tpu.memory_space<vmem>>) semaphore(%arg22 : memref<!tpu.dma_semaphore, #tpu.memory_space<semaphore_mem>>)
      %mul3A_305 = arith.constant 128 : i32
      %mul3A_306 = arith.muli %scan3A_184, %mul3A_305 : i32
      %dma_start3A_307 = arith.constant 12 : i32
      %dma_start3A_308 = tpu.memref_slice %arg21[%dma_start3A_307, %mul3A_306] : memref<16x512xf32, #tpu.memory_space<vmem>> -> memref<1x128xf32, #tpu.memory_space<vmem>>
      %dma_start3A_309 = tpu.memref_squeeze %dma_start3A_308 : memref<1x128xf32, #tpu.memory_space<vmem>> -> memref<128xf32, #tpu.memory_space<vmem>>
      %dma_start3A_310 = arith.constant 0 : i32
      %dma_start3A_311 = tpu.memref_slice %arg20[%scan3A_184, %dma_start3A_310] : memref<4x128xi32, #tpu.memory_space<vmem>> -> memref<1x128xi32, #tpu.memory_space<vmem>>
      %dma_start3A_312 = tpu.memref_squeeze %dma_start3A_311 : memref<1x128xi32, #tpu.memory_space<vmem>> -> memref<128xi32, #tpu.memory_space<vmem>>
      %dma_start3A_313 = arith.constant 0 : i32
      %dma_start3A_314 = tpu.memref_slice %arg14[%dma_start3A_313] : memref<1000000xf32, #tpu.memory_space<hbm>> -> memref<1000000xf32, #tpu.memory_space<hbm>>
      tpu.enqueue_indirect_dma source(%dma_start3A_314 : memref<1000000xf32, #tpu.memory_space<hbm>>) target(%dma_start3A_309 : memref<128xf32, #tpu.memory_space<vmem>>) offsets(%dma_start3A_312 : memref<128xi32, #tpu.memory_space<vmem>>) semaphore(%arg22 : memref<!tpu.dma_semaphore, #tpu.memory_space<semaphore_mem>>)
      %mul3A_315 = arith.constant 128 : i32
      %mul3A_316 = arith.muli %scan3A_184, %mul3A_315 : i32
      %dma_start3A_317 = arith.constant 13 : i32
      %dma_start3A_318 = tpu.memref_slice %arg21[%dma_start3A_317, %mul3A_316] : memref<16x512xf32, #tpu.memory_space<vmem>> -> memref<1x128xf32, #tpu.memory_space<vmem>>
      %dma_start3A_319 = tpu.memref_squeeze %dma_start3A_318 : memref<1x128xf32, #tpu.memory_space<vmem>> -> memref<128xf32, #tpu.memory_space<vmem>>
      %dma_start3A_320 = arith.constant 0 : i32
      %dma_start3A_321 = tpu.memref_slice %arg20[%scan3A_184, %dma_start3A_320] : memref<4x128xi32, #tpu.memory_space<vmem>> -> memref<1x128xi32, #tpu.memory_space<vmem>>
      %dma_start3A_322 = tpu.memref_squeeze %dma_start3A_321 : memref<1x128xi32, #tpu.memory_space<vmem>> -> memref<128xi32, #tpu.memory_space<vmem>>
      %dma_start3A_323 = arith.constant 0 : i32
      %dma_start3A_324 = tpu.memref_slice %arg15[%dma_start3A_323] : memref<1000000xf32, #tpu.memory_space<hbm>> -> memref<1000000xf32, #tpu.memory_space<hbm>>
      tpu.enqueue_indirect_dma source(%dma_start3A_324 : memref<1000000xf32, #tpu.memory_space<hbm>>) target(%dma_start3A_319 : memref<128xf32, #tpu.memory_space<vmem>>) offsets(%dma_start3A_322 : memref<128xi32, #tpu.memory_space<vmem>>) semaphore(%arg22 : memref<!tpu.dma_semaphore, #tpu.memory_space<semaphore_mem>>)
      %mul3A_325 = arith.constant 128 : i32
      %mul3A_326 = arith.muli %scan3A_184, %mul3A_325 : i32
      %dma_start3A_327 = arith.constant 14 : i32
      %dma_start3A_328 = tpu.memref_slice %arg21[%dma_start3A_327, %mul3A_326] : memref<16x512xf32, #tpu.memory_space<vmem>> -> memref<1x128xf32, #tpu.memory_space<vmem>>
      %dma_start3A_329 = tpu.memref_squeeze %dma_start3A_328 : memref<1x128xf32, #tpu.memory_space<vmem>> -> memref<128xf32, #tpu.memory_space<vmem>>
      %dma_start3A_330 = arith.constant 0 : i32
      %dma_start3A_331 = tpu.memref_slice %arg20[%scan3A_184, %dma_start3A_330] : memref<4x128xi32, #tpu.memory_space<vmem>> -> memref<1x128xi32, #tpu.memory_space<vmem>>
      %dma_start3A_332 = tpu.memref_squeeze %dma_start3A_331 : memref<1x128xi32, #tpu.memory_space<vmem>> -> memref<128xi32, #tpu.memory_space<vmem>>
      %dma_start3A_333 = arith.constant 0 : i32
      %dma_start3A_334 = tpu.memref_slice %arg16[%dma_start3A_333] : memref<1000000xf32, #tpu.memory_space<hbm>> -> memref<1000000xf32, #tpu.memory_space<hbm>>
      tpu.enqueue_indirect_dma source(%dma_start3A_334 : memref<1000000xf32, #tpu.memory_space<hbm>>) target(%dma_start3A_329 : memref<128xf32, #tpu.memory_space<vmem>>) offsets(%dma_start3A_332 : memref<128xi32, #tpu.memory_space<vmem>>) semaphore(%arg22 : memref<!tpu.dma_semaphore, #tpu.memory_space<semaphore_mem>>)
      %mul3A_335 = arith.constant 128 : i32
      %mul3A_336 = arith.muli %scan3A_184, %mul3A_335 : i32
      %dma_start3A_337 = arith.constant 15 : i32
      %dma_start3A_338 = tpu.memref_slice %arg21[%dma_start3A_337, %mul3A_336] : memref<16x512xf32, #tpu.memory_space<vmem>> -> memref<1x128xf32, #tpu.memory_space<vmem>>
      %dma_start3A_339 = tpu.memref_squeeze %dma_start3A_338 : memref<1x128xf32, #tpu.memory_space<vmem>> -> memref<128xf32, #tpu.memory_space<vmem>>
      %dma_start3A_340 = arith.constant 0 : i32
      %dma_start3A_341 = tpu.memref_slice %arg20[%scan3A_184, %dma_start3A_340] : memref<4x128xi32, #tpu.memory_space<vmem>> -> memref<1x128xi32, #tpu.memory_space<vmem>>
      %dma_start3A_342 = tpu.memref_squeeze %dma_start3A_341 : memref<1x128xi32, #tpu.memory_space<vmem>> -> memref<128xi32, #tpu.memory_space<vmem>>
      %dma_start3A_343 = arith.constant 0 : i32
      %dma_start3A_344 = tpu.memref_slice %arg17[%dma_start3A_343] : memref<1000000xf32, #tpu.memory_space<hbm>> -> memref<1000000xf32, #tpu.memory_space<hbm>>
      tpu.enqueue_indirect_dma source(%dma_start3A_344 : memref<1000000xf32, #tpu.memory_space<hbm>>) target(%dma_start3A_339 : memref<128xf32, #tpu.memory_space<vmem>>) offsets(%dma_start3A_342 : memref<128xi32, #tpu.memory_space<vmem>>) semaphore(%arg22 : memref<!tpu.dma_semaphore, #tpu.memory_space<semaphore_mem>>)
      %scan3A_345 = arith.constant 0 : i32
      scf.yield %scan3A_345 : i32
    }
    %scan3A_8 = arith.constant 4 : i32
    %dma_wait3A = arith.constant 0 : i32
    %dma_wait3A_9 = arith.constant 0 : i32
    %dma_wait3A_10 = tpu.memref_slice %arg21[%dma_wait3A, %dma_wait3A_9] : memref<16x512xf32, #tpu.memory_space<vmem>> -> memref<1x512xf32, #tpu.memory_space<vmem>>
    %dma_wait3A_11 = tpu.memref_squeeze %dma_wait3A_10 : memref<1x512xf32, #tpu.memory_space<vmem>> -> memref<512xf32, #tpu.memory_space<vmem>>
    %dma_wait3A_12 = arith.constant 0 : i32
    %dma_wait3A_13 = tpu.memref_slice %arg2[%dma_wait3A_12] : memref<1000000xf32, #tpu.memory_space<hbm>> -> memref<512xf32, #tpu.memory_space<hbm>>
    %dma_wait3A_14 = arith.constant 0 : i32
    %dma_wait3A_15 = tpu.memref_slice %arg21[%dma_wait3A, %dma_wait3A_14] : memref<16x512xf32, #tpu.memory_space<vmem>> -> memref<1x512xf32, #tpu.memory_space<vmem>>
    %dma_wait3A_16 = tpu.memref_squeeze %dma_wait3A_15 : memref<1x512xf32, #tpu.memory_space<vmem>> -> memref<512xf32, #tpu.memory_space<vmem>>
    %dma_wait3A_17 = arith.constant 0 : i32
    %dma_wait3A_18 = tpu.memref_slice %arg2[%dma_wait3A_17] : memref<1000000xf32, #tpu.memory_space<hbm>> -> memref<512xf32, #tpu.memory_space<hbm>>
    tpu.wait_dma2 semaphore(%arg22 : memref<!tpu.dma_semaphore, #tpu.memory_space<semaphore_mem>>) src(%dma_wait3A_18 : memref<512xf32, #tpu.memory_space<hbm>>) dst(%dma_wait3A_16 : memref<512xf32, #tpu.memory_space<vmem>>)
    %dma_wait3A_19 = arith.constant 1 : i32
    %dma_wait3A_20 = arith.constant 0 : i32
    %dma_wait3A_21 = tpu.memref_slice %arg21[%dma_wait3A_19, %dma_wait3A_20] : memref<16x512xf32, #tpu.memory_space<vmem>> -> memref<1x512xf32, #tpu.memory_space<vmem>>
    %dma_wait3A_22 = tpu.memref_squeeze %dma_wait3A_21 : memref<1x512xf32, #tpu.memory_space<vmem>> -> memref<512xf32, #tpu.memory_space<vmem>>
    %dma_wait3A_23 = arith.constant 0 : i32
    %dma_wait3A_24 = tpu.memref_slice %arg3[%dma_wait3A_23] : memref<1000000xf32, #tpu.memory_space<hbm>> -> memref<512xf32, #tpu.memory_space<hbm>>
    %dma_wait3A_25 = arith.constant 0 : i32
    %dma_wait3A_26 = tpu.memref_slice %arg21[%dma_wait3A_19, %dma_wait3A_25] : memref<16x512xf32, #tpu.memory_space<vmem>> -> memref<1x512xf32, #tpu.memory_space<vmem>>
    %dma_wait3A_27 = tpu.memref_squeeze %dma_wait3A_26 : memref<1x512xf32, #tpu.memory_space<vmem>> -> memref<512xf32, #tpu.memory_space<vmem>>
    %dma_wait3A_28 = arith.constant 0 : i32
    %dma_wait3A_29 = tpu.memref_slice %arg3[%dma_wait3A_28] : memref<1000000xf32, #tpu.memory_space<hbm>> -> memref<512xf32, #tpu.memory_space<hbm>>
    tpu.wait_dma2 semaphore(%arg22 : memref<!tpu.dma_semaphore, #tpu.memory_space<semaphore_mem>>) src(%dma_wait3A_29 : memref<512xf32, #tpu.memory_space<hbm>>) dst(%dma_wait3A_27 : memref<512xf32, #tpu.memory_space<vmem>>)
    %dma_wait3A_30 = arith.constant 2 : i32
    %dma_wait3A_31 = arith.constant 0 : i32
    %dma_wait3A_32 = tpu.memref_slice %arg21[%dma_wait3A_30, %dma_wait3A_31] : memref<16x512xf32, #tpu.memory_space<vmem>> -> memref<1x512xf32, #tpu.memory_space<vmem>>
    %dma_wait3A_33 = tpu.memref_squeeze %dma_wait3A_32 : memref<1x512xf32, #tpu.memory_space<vmem>> -> memref<512xf32, #tpu.memory_space<vmem>>
    %dma_wait3A_34 = arith.constant 0 : i32
    %dma_wait3A_35 = tpu.memref_slice %arg4[%dma_wait3A_34] : memref<1000000xf32, #tpu.memory_space<hbm>> -> memref<512xf32, #tpu.memory_space<hbm>>
    %dma_wait3A_36 = arith.constant 0 : i32
    %dma_wait3A_37 = tpu.memref_slice %arg21[%dma_wait3A_30, %dma_wait3A_36] : memref<16x512xf32, #tpu.memory_space<vmem>> -> memref<1x512xf32, #tpu.memory_space<vmem>>
    %dma_wait3A_38 = tpu.memref_squeeze %dma_wait3A_37 : memref<1x512xf32, #tpu.memory_space<vmem>> -> memref<512xf32, #tpu.memory_space<vmem>>
    %dma_wait3A_39 = arith.constant 0 : i32
    %dma_wait3A_40 = tpu.memref_slice %arg4[%dma_wait3A_39] : memref<1000000xf32, #tpu.memory_space<hbm>> -> memref<512xf32, #tpu.memory_space<hbm>>
    tpu.wait_dma2 semaphore(%arg22 : memref<!tpu.dma_semaphore, #tpu.memory_space<semaphore_mem>>) src(%dma_wait3A_40 : memref<512xf32, #tpu.memory_space<hbm>>) dst(%dma_wait3A_38 : memref<512xf32, #tpu.memory_space<vmem>>)
    %dma_wait3A_41 = arith.constant 3 : i32
    %dma_wait3A_42 = arith.constant 0 : i32
    %dma_wait3A_43 = tpu.memref_slice %arg21[%dma_wait3A_41, %dma_wait3A_42] : memref<16x512xf32, #tpu.memory_space<vmem>> -> memref<1x512xf32, #tpu.memory_space<vmem>>
    %dma_wait3A_44 = tpu.memref_squeeze %dma_wait3A_43 : memref<1x512xf32, #tpu.memory_space<vmem>> -> memref<512xf32, #tpu.memory_space<vmem>>
    %dma_wait3A_45 = arith.constant 0 : i32
    %dma_wait3A_46 = tpu.memref_slice %arg5[%dma_wait3A_45] : memref<1000000xf32, #tpu.memory_space<hbm>> -> memref<512xf32, #tpu.memory_space<hbm>>
    %dma_wait3A_47 = arith.constant 0 : i32
    %dma_wait3A_48 = tpu.memref_slice %arg21[%dma_wait3A_41, %dma_wait3A_47] : memref<16x512xf32, #tpu.memory_space<vmem>> -> memref<1x512xf32, #tpu.memory_space<vmem>>
    %dma_wait3A_49 = tpu.memref_squeeze %dma_wait3A_48 : memref<1x512xf32, #tpu.memory_space<vmem>> -> memref<512xf32, #tpu.memory_space<vmem>>
    %dma_wait3A_50 = arith.constant 0 : i32
    %dma_wait3A_51 = tpu.memref_slice %arg5[%dma_wait3A_50] : memref<1000000xf32, #tpu.memory_space<hbm>> -> memref<512xf32, #tpu.memory_space<hbm>>
    tpu.wait_dma2 semaphore(%arg22 : memref<!tpu.dma_semaphore, #tpu.memory_space<semaphore_mem>>) src(%dma_wait3A_51 : memref<512xf32, #tpu.memory_space<hbm>>) dst(%dma_wait3A_49 : memref<512xf32, #tpu.memory_space<vmem>>)
    %dma_wait3A_52 = arith.constant 4 : i32
    %dma_wait3A_53 = arith.constant 0 : i32
    %dma_wait3A_54 = tpu.memref_slice %arg21[%dma_wait3A_52, %dma_wait3A_53] : memref<16x512xf32, #tpu.memory_space<vmem>> -> memref<1x512xf32, #tpu.memory_space<vmem>>
    %dma_wait3A_55 = tpu.memref_squeeze %dma_wait3A_54 : memref<1x512xf32, #tpu.memory_space<vmem>> -> memref<512xf32, #tpu.memory_space<vmem>>
    %dma_wait3A_56 = arith.constant 0 : i32
    %dma_wait3A_57 = tpu.memref_slice %arg6[%dma_wait3A_56] : memref<1000000xf32, #tpu.memory_space<hbm>> -> memref<512xf32, #tpu.memory_space<hbm>>
    %dma_wait3A_58 = arith.constant 0 : i32
    %dma_wait3A_59 = tpu.memref_slice %arg21[%dma_wait3A_52, %dma_wait3A_58] : memref<16x512xf32, #tpu.memory_space<vmem>> -> memref<1x512xf32, #tpu.memory_space<vmem>>
    %dma_wait3A_60 = tpu.memref_squeeze %dma_wait3A_59 : memref<1x512xf32, #tpu.memory_space<vmem>> -> memref<512xf32, #tpu.memory_space<vmem>>
    %dma_wait3A_61 = arith.constant 0 : i32
    %dma_wait3A_62 = tpu.memref_slice %arg6[%dma_wait3A_61] : memref<1000000xf32, #tpu.memory_space<hbm>> -> memref<512xf32, #tpu.memory_space<hbm>>
    tpu.wait_dma2 semaphore(%arg22 : memref<!tpu.dma_semaphore, #tpu.memory_space<semaphore_mem>>) src(%dma_wait3A_62 : memref<512xf32, #tpu.memory_space<hbm>>) dst(%dma_wait3A_60 : memref<512xf32, #tpu.memory_space<vmem>>)
    %dma_wait3A_63 = arith.constant 5 : i32
    %dma_wait3A_64 = arith.constant 0 : i32
    %dma_wait3A_65 = tpu.memref_slice %arg21[%dma_wait3A_63, %dma_wait3A_64] : memref<16x512xf32, #tpu.memory_space<vmem>> -> memref<1x512xf32, #tpu.memory_space<vmem>>
    %dma_wait3A_66 = tpu.memref_squeeze %dma_wait3A_65 : memref<1x512xf32, #tpu.memory_space<vmem>> -> memref<512xf32, #tpu.memory_space<vmem>>
    %dma_wait3A_67 = arith.constant 0 : i32
    %dma_wait3A_68 = tpu.memref_slice %arg7[%dma_wait3A_67] : memref<1000000xf32, #tpu.memory_space<hbm>> -> memref<512xf32, #tpu.memory_space<hbm>>
    %dma_wait3A_69 = arith.constant 0 : i32
    %dma_wait3A_70 = tpu.memref_slice %arg21[%dma_wait3A_63, %dma_wait3A_69] : memref<16x512xf32, #tpu.memory_space<vmem>> -> memref<1x512xf32, #tpu.memory_space<vmem>>
    %dma_wait3A_71 = tpu.memref_squeeze %dma_wait3A_70 : memref<1x512xf32, #tpu.memory_space<vmem>> -> memref<512xf32, #tpu.memory_space<vmem>>
    %dma_wait3A_72 = arith.constant 0 : i32
    %dma_wait3A_73 = tpu.memref_slice %arg7[%dma_wait3A_72] : memref<1000000xf32, #tpu.memory_space<hbm>> -> memref<512xf32, #tpu.memory_space<hbm>>
    tpu.wait_dma2 semaphore(%arg22 : memref<!tpu.dma_semaphore, #tpu.memory_space<semaphore_mem>>) src(%dma_wait3A_73 : memref<512xf32, #tpu.memory_space<hbm>>) dst(%dma_wait3A_71 : memref<512xf32, #tpu.memory_space<vmem>>)
    %dma_wait3A_74 = arith.constant 6 : i32
    %dma_wait3A_75 = arith.constant 0 : i32
    %dma_wait3A_76 = tpu.memref_slice %arg21[%dma_wait3A_74, %dma_wait3A_75] : memref<16x512xf32, #tpu.memory_space<vmem>> -> memref<1x512xf32, #tpu.memory_space<vmem>>
    %dma_wait3A_77 = tpu.memref_squeeze %dma_wait3A_76 : memref<1x512xf32, #tpu.memory_space<vmem>> -> memref<512xf32, #tpu.memory_space<vmem>>
    %dma_wait3A_78 = arith.constant 0 : i32
    %dma_wait3A_79 = tpu.memref_slice %arg8[%dma_wait3A_78] : memref<1000000xf32, #tpu.memory_space<hbm>> -> memref<512xf32, #tpu.memory_space<hbm>>
    %dma_wait3A_80 = arith.constant 0 : i32
    %dma_wait3A_81 = tpu.memref_slice %arg21[%dma_wait3A_74, %dma_wait3A_80] : memref<16x512xf32, #tpu.memory_space<vmem>> -> memref<1x512xf32, #tpu.memory_space<vmem>>
    %dma_wait3A_82 = tpu.memref_squeeze %dma_wait3A_81 : memref<1x512xf32, #tpu.memory_space<vmem>> -> memref<512xf32, #tpu.memory_space<vmem>>
    %dma_wait3A_83 = arith.constant 0 : i32
    %dma_wait3A_84 = tpu.memref_slice %arg8[%dma_wait3A_83] : memref<1000000xf32, #tpu.memory_space<hbm>> -> memref<512xf32, #tpu.memory_space<hbm>>
    tpu.wait_dma2 semaphore(%arg22 : memref<!tpu.dma_semaphore, #tpu.memory_space<semaphore_mem>>) src(%dma_wait3A_84 : memref<512xf32, #tpu.memory_space<hbm>>) dst(%dma_wait3A_82 : memref<512xf32, #tpu.memory_space<vmem>>)
    %dma_wait3A_85 = arith.constant 7 : i32
    %dma_wait3A_86 = arith.constant 0 : i32
    %dma_wait3A_87 = tpu.memref_slice %arg21[%dma_wait3A_85, %dma_wait3A_86] : memref<16x512xf32, #tpu.memory_space<vmem>> -> memref<1x512xf32, #tpu.memory_space<vmem>>
    %dma_wait3A_88 = tpu.memref_squeeze %dma_wait3A_87 : memref<1x512xf32, #tpu.memory_space<vmem>> -> memref<512xf32, #tpu.memory_space<vmem>>
    %dma_wait3A_89 = arith.constant 0 : i32
    %dma_wait3A_90 = tpu.memref_slice %arg9[%dma_wait3A_89] : memref<1000000xf32, #tpu.memory_space<hbm>> -> memref<512xf32, #tpu.memory_space<hbm>>
    %dma_wait3A_91 = arith.constant 0 : i32
    %dma_wait3A_92 = tpu.memref_slice %arg21[%dma_wait3A_85, %dma_wait3A_91] : memref<16x512xf32, #tpu.memory_space<vmem>> -> memref<1x512xf32, #tpu.memory_space<vmem>>
    %dma_wait3A_93 = tpu.memref_squeeze %dma_wait3A_92 : memref<1x512xf32, #tpu.memory_space<vmem>> -> memref<512xf32, #tpu.memory_space<vmem>>
    %dma_wait3A_94 = arith.constant 0 : i32
    %dma_wait3A_95 = tpu.memref_slice %arg9[%dma_wait3A_94] : memref<1000000xf32, #tpu.memory_space<hbm>> -> memref<512xf32, #tpu.memory_space<hbm>>
    tpu.wait_dma2 semaphore(%arg22 : memref<!tpu.dma_semaphore, #tpu.memory_space<semaphore_mem>>) src(%dma_wait3A_95 : memref<512xf32, #tpu.memory_space<hbm>>) dst(%dma_wait3A_93 : memref<512xf32, #tpu.memory_space<vmem>>)
    %dma_wait3A_96 = arith.constant 8 : i32
    %dma_wait3A_97 = arith.constant 0 : i32
    %dma_wait3A_98 = tpu.memref_slice %arg21[%dma_wait3A_96, %dma_wait3A_97] : memref<16x512xf32, #tpu.memory_space<vmem>> -> memref<1x512xf32, #tpu.memory_space<vmem>>
    %dma_wait3A_99 = tpu.memref_squeeze %dma_wait3A_98 : memref<1x512xf32, #tpu.memory_space<vmem>> -> memref<512xf32, #tpu.memory_space<vmem>>
    %dma_wait3A_100 = arith.constant 0 : i32
    %dma_wait3A_101 = tpu.memref_slice %arg10[%dma_wait3A_100] : memref<1000000xf32, #tpu.memory_space<hbm>> -> memref<512xf32, #tpu.memory_space<hbm>>
    %dma_wait3A_102 = arith.constant 0 : i32
    %dma_wait3A_103 = tpu.memref_slice %arg21[%dma_wait3A_96, %dma_wait3A_102] : memref<16x512xf32, #tpu.memory_space<vmem>> -> memref<1x512xf32, #tpu.memory_space<vmem>>
    %dma_wait3A_104 = tpu.memref_squeeze %dma_wait3A_103 : memref<1x512xf32, #tpu.memory_space<vmem>> -> memref<512xf32, #tpu.memory_space<vmem>>
    %dma_wait3A_105 = arith.constant 0 : i32
    %dma_wait3A_106 = tpu.memref_slice %arg10[%dma_wait3A_105] : memref<1000000xf32, #tpu.memory_space<hbm>> -> memref<512xf32, #tpu.memory_space<hbm>>
    tpu.wait_dma2 semaphore(%arg22 : memref<!tpu.dma_semaphore, #tpu.memory_space<semaphore_mem>>) src(%dma_wait3A_106 : memref<512xf32, #tpu.memory_space<hbm>>) dst(%dma_wait3A_104 : memref<512xf32, #tpu.memory_space<vmem>>)
    %dma_wait3A_107 = arith.constant 9 : i32
    %dma_wait3A_108 = arith.constant 0 : i32
    %dma_wait3A_109 = tpu.memref_slice %arg21[%dma_wait3A_107, %dma_wait3A_108] : memref<16x512xf32, #tpu.memory_space<vmem>> -> memref<1x512xf32, #tpu.memory_space<vmem>>
    %dma_wait3A_110 = tpu.memref_squeeze %dma_wait3A_109 : memref<1x512xf32, #tpu.memory_space<vmem>> -> memref<512xf32, #tpu.memory_space<vmem>>
    %dma_wait3A_111 = arith.constant 0 : i32
    %dma_wait3A_112 = tpu.memref_slice %arg11[%dma_wait3A_111] : memref<1000000xf32, #tpu.memory_space<hbm>> -> memref<512xf32, #tpu.memory_space<hbm>>
    %dma_wait3A_113 = arith.constant 0 : i32
    %dma_wait3A_114 = tpu.memref_slice %arg21[%dma_wait3A_107, %dma_wait3A_113] : memref<16x512xf32, #tpu.memory_space<vmem>> -> memref<1x512xf32, #tpu.memory_space<vmem>>
    %dma_wait3A_115 = tpu.memref_squeeze %dma_wait3A_114 : memref<1x512xf32, #tpu.memory_space<vmem>> -> memref<512xf32, #tpu.memory_space<vmem>>
    %dma_wait3A_116 = arith.constant 0 : i32
    %dma_wait3A_117 = tpu.memref_slice %arg11[%dma_wait3A_116] : memref<1000000xf32, #tpu.memory_space<hbm>> -> memref<512xf32, #tpu.memory_space<hbm>>
    tpu.wait_dma2 semaphore(%arg22 : memref<!tpu.dma_semaphore, #tpu.memory_space<semaphore_mem>>) src(%dma_wait3A_117 : memref<512xf32, #tpu.memory_space<hbm>>) dst(%dma_wait3A_115 : memref<512xf32, #tpu.memory_space<vmem>>)
    %dma_wait3A_118 = arith.constant 10 : i32
    %dma_wait3A_119 = arith.constant 0 : i32
    %dma_wait3A_120 = tpu.memref_slice %arg21[%dma_wait3A_118, %dma_wait3A_119] : memref<16x512xf32, #tpu.memory_space<vmem>> -> memref<1x512xf32, #tpu.memory_space<vmem>>
    %dma_wait3A_121 = tpu.memref_squeeze %dma_wait3A_120 : memref<1x512xf32, #tpu.memory_space<vmem>> -> memref<512xf32, #tpu.memory_space<vmem>>
    %dma_wait3A_122 = arith.constant 0 : i32
    %dma_wait3A_123 = tpu.memref_slice %arg12[%dma_wait3A_122] : memref<1000000xf32, #tpu.memory_space<hbm>> -> memref<512xf32, #tpu.memory_space<hbm>>
    %dma_wait3A_124 = arith.constant 0 : i32
    %dma_wait3A_125 = tpu.memref_slice %arg21[%dma_wait3A_118, %dma_wait3A_124] : memref<16x512xf32, #tpu.memory_space<vmem>> -> memref<1x512xf32, #tpu.memory_space<vmem>>
    %dma_wait3A_126 = tpu.memref_squeeze %dma_wait3A_125 : memref<1x512xf32, #tpu.memory_space<vmem>> -> memref<512xf32, #tpu.memory_space<vmem>>
    %dma_wait3A_127 = arith.constant 0 : i32
    %dma_wait3A_128 = tpu.memref_slice %arg12[%dma_wait3A_127] : memref<1000000xf32, #tpu.memory_space<hbm>> -> memref<512xf32, #tpu.memory_space<hbm>>
    tpu.wait_dma2 semaphore(%arg22 : memref<!tpu.dma_semaphore, #tpu.memory_space<semaphore_mem>>) src(%dma_wait3A_128 : memref<512xf32, #tpu.memory_space<hbm>>) dst(%dma_wait3A_126 : memref<512xf32, #tpu.memory_space<vmem>>)
    %dma_wait3A_129 = arith.constant 11 : i32
    %dma_wait3A_130 = arith.constant 0 : i32
    %dma_wait3A_131 = tpu.memref_slice %arg21[%dma_wait3A_129, %dma_wait3A_130] : memref<16x512xf32, #tpu.memory_space<vmem>> -> memref<1x512xf32, #tpu.memory_space<vmem>>
    %dma_wait3A_132 = tpu.memref_squeeze %dma_wait3A_131 : memref<1x512xf32, #tpu.memory_space<vmem>> -> memref<512xf32, #tpu.memory_space<vmem>>
    %dma_wait3A_133 = arith.constant 0 : i32
    %dma_wait3A_134 = tpu.memref_slice %arg13[%dma_wait3A_133] : memref<1000000xf32, #tpu.memory_space<hbm>> -> memref<512xf32, #tpu.memory_space<hbm>>
    %dma_wait3A_135 = arith.constant 0 : i32
    %dma_wait3A_136 = tpu.memref_slice %arg21[%dma_wait3A_129, %dma_wait3A_135] : memref<16x512xf32, #tpu.memory_space<vmem>> -> memref<1x512xf32, #tpu.memory_space<vmem>>
    %dma_wait3A_137 = tpu.memref_squeeze %dma_wait3A_136 : memref<1x512xf32, #tpu.memory_space<vmem>> -> memref<512xf32, #tpu.memory_space<vmem>>
    %dma_wait3A_138 = arith.constant 0 : i32
    %dma_wait3A_139 = tpu.memref_slice %arg13[%dma_wait3A_138] : memref<1000000xf32, #tpu.memory_space<hbm>> -> memref<512xf32, #tpu.memory_space<hbm>>
    tpu.wait_dma2 semaphore(%arg22 : memref<!tpu.dma_semaphore, #tpu.memory_space<semaphore_mem>>) src(%dma_wait3A_139 : memref<512xf32, #tpu.memory_space<hbm>>) dst(%dma_wait3A_137 : memref<512xf32, #tpu.memory_space<vmem>>)
    %dma_wait3A_140 = arith.constant 12 : i32
    %dma_wait3A_141 = arith.constant 0 : i32
    %dma_wait3A_142 = tpu.memref_slice %arg21[%dma_wait3A_140, %dma_wait3A_141] : memref<16x512xf32, #tpu.memory_space<vmem>> -> memref<1x512xf32, #tpu.memory_space<vmem>>
    %dma_wait3A_143 = tpu.memref_squeeze %dma_wait3A_142 : memref<1x512xf32, #tpu.memory_space<vmem>> -> memref<512xf32, #tpu.memory_space<vmem>>
    %dma_wait3A_144 = arith.constant 0 : i32
    %dma_wait3A_145 = tpu.memref_slice %arg14[%dma_wait3A_144] : memref<1000000xf32, #tpu.memory_space<hbm>> -> memref<512xf32, #tpu.memory_space<hbm>>
    %dma_wait3A_146 = arith.constant 0 : i32
    %dma_wait3A_147 = tpu.memref_slice %arg21[%dma_wait3A_140, %dma_wait3A_146] : memref<16x512xf32, #tpu.memory_space<vmem>> -> memref<1x512xf32, #tpu.memory_space<vmem>>
    %dma_wait3A_148 = tpu.memref_squeeze %dma_wait3A_147 : memref<1x512xf32, #tpu.memory_space<vmem>> -> memref<512xf32, #tpu.memory_space<vmem>>
    %dma_wait3A_149 = arith.constant 0 : i32
    %dma_wait3A_150 = tpu.memref_slice %arg14[%dma_wait3A_149] : memref<1000000xf32, #tpu.memory_space<hbm>> -> memref<512xf32, #tpu.memory_space<hbm>>
    tpu.wait_dma2 semaphore(%arg22 : memref<!tpu.dma_semaphore, #tpu.memory_space<semaphore_mem>>) src(%dma_wait3A_150 : memref<512xf32, #tpu.memory_space<hbm>>) dst(%dma_wait3A_148 : memref<512xf32, #tpu.memory_space<vmem>>)
    %dma_wait3A_151 = arith.constant 13 : i32
    %dma_wait3A_152 = arith.constant 0 : i32
    %dma_wait3A_153 = tpu.memref_slice %arg21[%dma_wait3A_151, %dma_wait3A_152] : memref<16x512xf32, #tpu.memory_space<vmem>> -> memref<1x512xf32, #tpu.memory_space<vmem>>
    %dma_wait3A_154 = tpu.memref_squeeze %dma_wait3A_153 : memref<1x512xf32, #tpu.memory_space<vmem>> -> memref<512xf32, #tpu.memory_space<vmem>>
    %dma_wait3A_155 = arith.constant 0 : i32
    %dma_wait3A_156 = tpu.memref_slice %arg15[%dma_wait3A_155] : memref<1000000xf32, #tpu.memory_space<hbm>> -> memref<512xf32, #tpu.memory_space<hbm>>
    %dma_wait3A_157 = arith.constant 0 : i32
    %dma_wait3A_158 = tpu.memref_slice %arg21[%dma_wait3A_151, %dma_wait3A_157] : memref<16x512xf32, #tpu.memory_space<vmem>> -> memref<1x512xf32, #tpu.memory_space<vmem>>
    %dma_wait3A_159 = tpu.memref_squeeze %dma_wait3A_158 : memref<1x512xf32, #tpu.memory_space<vmem>> -> memref<512xf32, #tpu.memory_space<vmem>>
    %dma_wait3A_160 = arith.constant 0 : i32
    %dma_wait3A_161 = tpu.memref_slice %arg15[%dma_wait3A_160] : memref<1000000xf32, #tpu.memory_space<hbm>> -> memref<512xf32, #tpu.memory_space<hbm>>
    tpu.wait_dma2 semaphore(%arg22 : memref<!tpu.dma_semaphore, #tpu.memory_space<semaphore_mem>>) src(%dma_wait3A_161 : memref<512xf32, #tpu.memory_space<hbm>>) dst(%dma_wait3A_159 : memref<512xf32, #tpu.memory_space<vmem>>)
    %dma_wait3A_162 = arith.constant 14 : i32
    %dma_wait3A_163 = arith.constant 0 : i32
    %dma_wait3A_164 = tpu.memref_slice %arg21[%dma_wait3A_162, %dma_wait3A_163] : memref<16x512xf32, #tpu.memory_space<vmem>> -> memref<1x512xf32, #tpu.memory_space<vmem>>
    %dma_wait3A_165 = tpu.memref_squeeze %dma_wait3A_164 : memref<1x512xf32, #tpu.memory_space<vmem>> -> memref<512xf32, #tpu.memory_space<vmem>>
    %dma_wait3A_166 = arith.constant 0 : i32
    %dma_wait3A_167 = tpu.memref_slice %arg16[%dma_wait3A_166] : memref<1000000xf32, #tpu.memory_space<hbm>> -> memref<512xf32, #tpu.memory_space<hbm>>
    %dma_wait3A_168 = arith.constant 0 : i32
    %dma_wait3A_169 = tpu.memref_slice %arg21[%dma_wait3A_162, %dma_wait3A_168] : memref<16x512xf32, #tpu.memory_space<vmem>> -> memref<1x512xf32, #tpu.memory_space<vmem>>
    %dma_wait3A_170 = tpu.memref_squeeze %dma_wait3A_169 : memref<1x512xf32, #tpu.memory_space<vmem>> -> memref<512xf32, #tpu.memory_space<vmem>>
    %dma_wait3A_171 = arith.constant 0 : i32
    %dma_wait3A_172 = tpu.memref_slice %arg16[%dma_wait3A_171] : memref<1000000xf32, #tpu.memory_space<hbm>> -> memref<512xf32, #tpu.memory_space<hbm>>
    tpu.wait_dma2 semaphore(%arg22 : memref<!tpu.dma_semaphore, #tpu.memory_space<semaphore_mem>>) src(%dma_wait3A_172 : memref<512xf32, #tpu.memory_space<hbm>>) dst(%dma_wait3A_170 : memref<512xf32, #tpu.memory_space<vmem>>)
    %dma_wait3A_173 = arith.constant 15 : i32
    %dma_wait3A_174 = arith.constant 0 : i32
    %dma_wait3A_175 = tpu.memref_slice %arg21[%dma_wait3A_173, %dma_wait3A_174] : memref<16x512xf32, #tpu.memory_space<vmem>> -> memref<1x512xf32, #tpu.memory_space<vmem>>
    %dma_wait3A_176 = tpu.memref_squeeze %dma_wait3A_175 : memref<1x512xf32, #tpu.memory_space<vmem>> -> memref<512xf32, #tpu.memory_space<vmem>>
    %dma_wait3A_177 = arith.constant 0 : i32
    %dma_wait3A_178 = tpu.memref_slice %arg17[%dma_wait3A_177] : memref<1000000xf32, #tpu.memory_space<hbm>> -> memref<512xf32, #tpu.memory_space<hbm>>
    %dma_wait3A_179 = arith.constant 0 : i32
    %dma_wait3A_180 = tpu.memref_slice %arg21[%dma_wait3A_173, %dma_wait3A_179] : memref<16x512xf32, #tpu.memory_space<vmem>> -> memref<1x512xf32, #tpu.memory_space<vmem>>
    %dma_wait3A_181 = tpu.memref_squeeze %dma_wait3A_180 : memref<1x512xf32, #tpu.memory_space<vmem>> -> memref<512xf32, #tpu.memory_space<vmem>>
    %dma_wait3A_182 = arith.constant 0 : i32
    %dma_wait3A_183 = tpu.memref_slice %arg17[%dma_wait3A_182] : memref<1000000xf32, #tpu.memory_space<hbm>> -> memref<512xf32, #tpu.memory_space<hbm>>
    tpu.wait_dma2 semaphore(%arg22 : memref<!tpu.dma_semaphore, #tpu.memory_space<semaphore_mem>>) src(%dma_wait3A_183 : memref<512xf32, #tpu.memory_space<hbm>>) dst(%dma_wait3A_181 : memref<512xf32, #tpu.memory_space<vmem>>)
    "tpu.region"() ({
      %run_scoped3A = tpu.sem_alloc : memref<!tpu.dma_semaphore, #tpu.memory_space<semaphore_mem>>
      %dma_start3A = arith.constant 0 : i32
      %dma_start3A_184 = tpu.memref_slice %arg19[%dma_start3A, %mul3A_2] : memref<16x16384xf32, #tpu.memory_space<hbm>> -> memref<16x512xf32, #tpu.memory_space<hbm>>
      %dma_start3A_185 = arith.constant 0 : i32
      %dma_start3A_186 = tpu.memref_slice %arg19[%dma_start3A_185, %mul3A_2] : memref<16x16384xf32, #tpu.memory_space<hbm>> -> memref<16x512xf32, #tpu.memory_space<hbm>>
      tpu.enqueue_dma source(%arg21 : memref<16x512xf32, #tpu.memory_space<vmem>>) target(%dma_start3A_186 : memref<16x512xf32, #tpu.memory_space<hbm>>) target_semaphore(%run_scoped3A : memref<!tpu.dma_semaphore, #tpu.memory_space<semaphore_mem>>)
      %dma_wait3A_187 = arith.constant 0 : i32
      %dma_wait3A_188 = tpu.memref_slice %arg19[%dma_wait3A_187, %mul3A_2] : memref<16x16384xf32, #tpu.memory_space<hbm>> -> memref<16x512xf32, #tpu.memory_space<hbm>>
      %dma_wait3A_189 = arith.constant 0 : i32
      %dma_wait3A_190 = tpu.memref_slice %arg19[%dma_wait3A_189, %mul3A_2] : memref<16x16384xf32, #tpu.memory_space<hbm>> -> memref<16x512xf32, #tpu.memory_space<hbm>>
      tpu.wait_dma2 semaphore(%run_scoped3A : memref<!tpu.dma_semaphore, #tpu.memory_space<semaphore_mem>>) src(%arg21 : memref<16x512xf32, #tpu.memory_space<vmem>>) dst(%dma_wait3A_190 : memref<16x512xf32, #tpu.memory_space<hbm>>)
      tpu.yield
    }) : () -> ()
    return
  }
}

#map = affine_map<(d0, d1) -> (0)>
#map1 = affine_map<(d0, d1) -> (0, 0, 0)>
#map2 = affine_map<(d0, d1) -> (0, 0)>
module attributes {stable_mosaic.version = 14 : i64} {
  func.func @sc_gather(%arg0: i32, %arg1: i32, %arg2: memref<100000xf32, #tpu.memory_space<hbm>>, %arg3: memref<100000xf32, #tpu.memory_space<hbm>>, %arg4: memref<100000xf32, #tpu.memory_space<hbm>>, %arg5: memref<100000xf32, #tpu.memory_space<hbm>>, %arg6: memref<100000xf32, #tpu.memory_space<hbm>>, %arg7: memref<100000xf32, #tpu.memory_space<hbm>>, %arg8: memref<100000xf32, #tpu.memory_space<hbm>>, %arg9: memref<100000xf32, #tpu.memory_space<hbm>>, %arg10: memref<100000xf32, #tpu.memory_space<hbm>>, %arg11: memref<100000xf32, #tpu.memory_space<hbm>>, %arg12: memref<100000xf32, #tpu.memory_space<hbm>>, %arg13: memref<100000xf32, #tpu.memory_space<hbm>>, %arg14: memref<100000xf32, #tpu.memory_space<hbm>>, %arg15: memref<100000xf32, #tpu.memory_space<hbm>>, %arg16: memref<100000xf32, #tpu.memory_space<hbm>>, %arg17: memref<100000xf32, #tpu.memory_space<hbm>>, %arg18: memref<32x4x128xi32, #tpu.memory_space<hbm>>, %arg19: memref<16x16384xf32, #tpu.memory_space<hbm>>, %arg20: memref<4x128xi32, #tpu.memory_space<vmem>>, %arg21: memref<16x512xf32, #tpu.memory_space<vmem>>, %arg22: memref<!tpu.dma_semaphore, #tpu.memory_space<semaphore_mem>>) attributes {dimension_semantics = [#tpu.dimension_semantics<core_parallel>, #tpu.dimension_semantics<subcore_parallel>], iteration_bounds = array<i64: 2, 16>, scalar_prefetch = 0 : i64, scratch_operands = 3 : i64, tpu.core_type = #tpu.core_type<sc_vector_subcore>, window_params = [{transform_indices = #map}, {transform_indices = #map}, {transform_indices = #map}, {transform_indices = #map}, {transform_indices = #map}, {transform_indices = #map}, {transform_indices = #map}, {transform_indices = #map}, {transform_indices = #map}, {transform_indices = #map}, {transform_indices = #map}, {transform_indices = #map}, {transform_indices = #map}, {transform_indices = #map}, {transform_indices = #map}, {transform_indices = #map}, {transform_indices = #map1}, {transform_indices = #map2}]} {
    %mul3A = arith.constant 2 : i32
    %mul3A_0 = arith.muli %arg1, %mul3A : i32
    %add3A = arith.addi %mul3A_0, %arg0 : i32
    %mul3A_1 = arith.constant 512 : i32
    %mul3A_2 = arith.muli %add3A, %mul3A_1 : i32
    "tpu.region"() ({
      %run_scoped3A = tpu.sem_alloc : memref<!tpu.dma_semaphore, #tpu.memory_space<semaphore_mem>>
      %dma_start3A = arith.constant 0 : i32
      %dma_start3A_184 = arith.constant 0 : i32
      %dma_start3A_185 = tpu.memref_slice %arg18[%add3A, %dma_start3A, %dma_start3A_184] : memref<32x4x128xi32, #tpu.memory_space<hbm>> -> memref<1x4x128xi32, #tpu.memory_space<hbm>>
      %dma_start3A_186 = tpu.memref_squeeze %dma_start3A_185 : memref<1x4x128xi32, #tpu.memory_space<hbm>> -> memref<4x128xi32, #tpu.memory_space<hbm>>
      %dma_start3A_187 = arith.constant 0 : i32
      %dma_start3A_188 = arith.constant 0 : i32
      %dma_start3A_189 = tpu.memref_slice %arg18[%add3A, %dma_start3A_187, %dma_start3A_188] : memref<32x4x128xi32, #tpu.memory_space<hbm>> -> memref<1x4x128xi32, #tpu.memory_space<hbm>>
      %dma_start3A_190 = tpu.memref_squeeze %dma_start3A_189 : memref<1x4x128xi32, #tpu.memory_space<hbm>> -> memref<4x128xi32, #tpu.memory_space<hbm>>
      tpu.enqueue_dma source(%dma_start3A_190 : memref<4x128xi32, #tpu.memory_space<hbm>>) target(%arg20 : memref<4x128xi32, #tpu.memory_space<vmem>>) target_semaphore(%run_scoped3A : memref<!tpu.dma_semaphore, #tpu.memory_space<semaphore_mem>>)
      %dma_wait3A_191 = arith.constant 0 : i32
      %dma_wait3A_192 = arith.constant 0 : i32
      %dma_wait3A_193 = tpu.memref_slice %arg18[%add3A, %dma_wait3A_191, %dma_wait3A_192] : memref<32x4x128xi32, #tpu.memory_space<hbm>> -> memref<1x4x128xi32, #tpu.memory_space<hbm>>
      %dma_wait3A_194 = tpu.memref_squeeze %dma_wait3A_193 : memref<1x4x128xi32, #tpu.memory_space<hbm>> -> memref<4x128xi32, #tpu.memory_space<hbm>>
      %dma_wait3A_195 = arith.constant 0 : i32
      %dma_wait3A_196 = arith.constant 0 : i32
      %dma_wait3A_197 = tpu.memref_slice %arg18[%add3A, %dma_wait3A_195, %dma_wait3A_196] : memref<32x4x128xi32, #tpu.memory_space<hbm>> -> memref<1x4x128xi32, #tpu.memory_space<hbm>>
      %dma_wait3A_198 = tpu.memref_squeeze %dma_wait3A_197 : memref<1x4x128xi32, #tpu.memory_space<hbm>> -> memref<4x128xi32, #tpu.memory_space<hbm>>
      tpu.wait_dma2 semaphore(%run_scoped3A : memref<!tpu.dma_semaphore, #tpu.memory_space<semaphore_mem>>) src(%dma_wait3A_198 : memref<4x128xi32, #tpu.memory_space<hbm>>) dst(%arg20 : memref<4x128xi32, #tpu.memory_space<vmem>>)
      tpu.yield
    }) : () -> ()
    %scan3A = arith.constant 0 : i32
    %scan3A_3 = arith.constant 0 : i32
    %scan3A_4 = arith.constant 4 : i32
    %scan3A_5 = arith.addi %scan3A_3, %scan3A_4 : i32
    %scan3A_6 = arith.constant 1 : i32
    %scan3A_7 = scf.for %scan3A_184 = %scan3A_3 to %scan3A_5 step %scan3A_6 iter_args(%scan3A_185 = %scan3A) -> (i32)  : i32 {
      %mul3A_186 = arith.constant 128 : i32
      %mul3A_187 = arith.muli %scan3A_184, %mul3A_186 : i32
      %dma_start3A = arith.constant 0 : i32
      %dma_start3A_188 = tpu.memref_slice %arg21[%dma_start3A, %mul3A_187] : memref<16x512xf32, #tpu.memory_space<vmem>> -> memref<1x128xf32, #tpu.memory_space<vmem>>
      %dma_start3A_189 = tpu.memref_squeeze %dma_start3A_188 : memref<1x128xf32, #tpu.memory_space<vmem>> -> memref<128xf32, #tpu.memory_space<vmem>>
      %dma_start3A_190 = arith.constant 0 : i32
      %dma_start3A_191 = tpu.memref_slice %arg20[%scan3A_184, %dma_start3A_190] : memref<4x128xi32, #tpu.memory_space<vmem>> -> memref<1x128xi32, #tpu.memory_space<vmem>>
      %dma_start3A_192 = tpu.memref_squeeze %dma_start3A_191 : memref<1x128xi32, #tpu.memory_space<vmem>> -> memref<128xi32, #tpu.memory_space<vmem>>
      %dma_start3A_193 = arith.constant 0 : i32
      %dma_start3A_194 = tpu.memref_slice %arg2[%dma_start3A_193] : memref<100000xf32, #tpu.memory_space<hbm>> -> memref<100000xf32, #tpu.memory_space<hbm>>
      tpu.enqueue_indirect_dma source(%dma_start3A_194 : memref<100000xf32, #tpu.memory_space<hbm>>) target(%dma_start3A_189 : memref<128xf32, #tpu.memory_space<vmem>>) offsets(%dma_start3A_192 : memref<128xi32, #tpu.memory_space<vmem>>) semaphore(%arg22 : memref<!tpu.dma_semaphore, #tpu.memory_space<semaphore_mem>>)
      %mul3A_195 = arith.constant 128 : i32
      %mul3A_196 = arith.muli %scan3A_184, %mul3A_195 : i32
      %dma_start3A_197 = arith.constant 1 : i32
      %dma_start3A_198 = tpu.memref_slice %arg21[%dma_start3A_197, %mul3A_196] : memref<16x512xf32, #tpu.memory_space<vmem>> -> memref<1x128xf32, #tpu.memory_space<vmem>>
      %dma_start3A_199 = tpu.memref_squeeze %dma_start3A_198 : memref<1x128xf32, #tpu.memory_space<vmem>> -> memref<128xf32, #tpu.memory_space<vmem>>
      %dma_start3A_200 = arith.constant 0 : i32
      %dma_start3A_201 = tpu.memref_slice %arg20[%scan3A_184, %dma_start3A_200] : memref<4x128xi32, #tpu.memory_space<vmem>> -> memref<1x128xi32, #tpu.memory_space<vmem>>
      %dma_start3A_202 = tpu.memref_squeeze %dma_start3A_201 : memref<1x128xi32, #tpu.memory_space<vmem>> -> memref<128xi32, #tpu.memory_space<vmem>>
      %dma_start3A_203 = arith.constant 0 : i32
      %dma_start3A_204 = tpu.memref_slice %arg3[%dma_start3A_203] : memref<100000xf32, #tpu.memory_space<hbm>> -> memref<100000xf32, #tpu.memory_space<hbm>>
      tpu.enqueue_indirect_dma source(%dma_start3A_204 : memref<100000xf32, #tpu.memory_space<hbm>>) target(%dma_start3A_199 : memref<128xf32, #tpu.memory_space<vmem>>) offsets(%dma_start3A_202 : memref<128xi32, #tpu.memory_space<vmem>>) semaphore(%arg22 : memref<!tpu.dma_semaphore, #tpu.memory_space<semaphore_mem>>)
      %mul3A_205 = arith.constant 128 : i32
      %mul3A_206 = arith.muli %scan3A_184, %mul3A_205 : i32
      %dma_start3A_207 = arith.constant 2 : i32
      %dma_start3A_208 = tpu.memref_slice %arg21[%dma_start3A_207, %mul3A_206] : memref<16x512xf32, #tpu.memory_space<vmem>> -> memref<1x128xf32, #tpu.memory_space<vmem>>
      %dma_start3A_209 = tpu.memref_squeeze %dma_start3A_208 : memref<1x128xf32, #tpu.memory_space<vmem>> -> memref<128xf32, #tpu.memory_space<vmem>>
      %dma_start3A_210 = arith.constant 0 : i32
      %dma_start3A_211 = tpu.memref_slice %arg20[%scan3A_184, %dma_start3A_210] : memref<4x128xi32, #tpu.memory_space<vmem>> -> memref<1x128xi32, #tpu.memory_space<vmem>>
      %dma_start3A_212 = tpu.memref_squeeze %dma_start3A_211 : memref<1x128xi32, #tpu.memory_space<vmem>> -> memref<128xi32, #tpu.memory_space<vmem>>
      %dma_start3A_213 = arith.constant 0 : i32
      %dma_start3A_214 = tpu.memref_slice %arg4[%dma_start3A_213] : memref<100000xf32, #tpu.memory_space<hbm>> -> memref<100000xf32, #tpu.memory_space<hbm>>
      tpu.enqueue_indirect_dma source(%dma_start3A_214 : memref<100000xf32, #tpu.memory_space<hbm>>) target(%dma_start3A_209 : memref<128xf32, #tpu.memory_space<vmem>>) offsets(%dma_start3A_212 : memref<128xi32, #tpu.memory_space<vmem>>) semaphore(%arg22 : memref<!tpu.dma_semaphore, #tpu.memory_space<semaphore_mem>>)
      %mul3A_215 = arith.constant 128 : i32
      %mul3A_216 = arith.muli %scan3A_184, %mul3A_215 : i32
      %dma_start3A_217 = arith.constant 3 : i32
      %dma_start3A_218 = tpu.memref_slice %arg21[%dma_start3A_217, %mul3A_216] : memref<16x512xf32, #tpu.memory_space<vmem>> -> memref<1x128xf32, #tpu.memory_space<vmem>>
      %dma_start3A_219 = tpu.memref_squeeze %dma_start3A_218 : memref<1x128xf32, #tpu.memory_space<vmem>> -> memref<128xf32, #tpu.memory_space<vmem>>
      %dma_start3A_220 = arith.constant 0 : i32
      %dma_start3A_221 = tpu.memref_slice %arg20[%scan3A_184, %dma_start3A_220] : memref<4x128xi32, #tpu.memory_space<vmem>> -> memref<1x128xi32, #tpu.memory_space<vmem>>
      %dma_start3A_222 = tpu.memref_squeeze %dma_start3A_221 : memref<1x128xi32, #tpu.memory_space<vmem>> -> memref<128xi32, #tpu.memory_space<vmem>>
      %dma_start3A_223 = arith.constant 0 : i32
      %dma_start3A_224 = tpu.memref_slice %arg5[%dma_start3A_223] : memref<100000xf32, #tpu.memory_space<hbm>> -> memref<100000xf32, #tpu.memory_space<hbm>>
      tpu.enqueue_indirect_dma source(%dma_start3A_224 : memref<100000xf32, #tpu.memory_space<hbm>>) target(%dma_start3A_219 : memref<128xf32, #tpu.memory_space<vmem>>) offsets(%dma_start3A_222 : memref<128xi32, #tpu.memory_space<vmem>>) semaphore(%arg22 : memref<!tpu.dma_semaphore, #tpu.memory_space<semaphore_mem>>)
      %mul3A_225 = arith.constant 128 : i32
      %mul3A_226 = arith.muli %scan3A_184, %mul3A_225 : i32
      %dma_start3A_227 = arith.constant 4 : i32
      %dma_start3A_228 = tpu.memref_slice %arg21[%dma_start3A_227, %mul3A_226] : memref<16x512xf32, #tpu.memory_space<vmem>> -> memref<1x128xf32, #tpu.memory_space<vmem>>
      %dma_start3A_229 = tpu.memref_squeeze %dma_start3A_228 : memref<1x128xf32, #tpu.memory_space<vmem>> -> memref<128xf32, #tpu.memory_space<vmem>>
      %dma_start3A_230 = arith.constant 0 : i32
      %dma_start3A_231 = tpu.memref_slice %arg20[%scan3A_184, %dma_start3A_230] : memref<4x128xi32, #tpu.memory_space<vmem>> -> memref<1x128xi32, #tpu.memory_space<vmem>>
      %dma_start3A_232 = tpu.memref_squeeze %dma_start3A_231 : memref<1x128xi32, #tpu.memory_space<vmem>> -> memref<128xi32, #tpu.memory_space<vmem>>
      %dma_start3A_233 = arith.constant 0 : i32
      %dma_start3A_234 = tpu.memref_slice %arg6[%dma_start3A_233] : memref<100000xf32, #tpu.memory_space<hbm>> -> memref<100000xf32, #tpu.memory_space<hbm>>
      tpu.enqueue_indirect_dma source(%dma_start3A_234 : memref<100000xf32, #tpu.memory_space<hbm>>) target(%dma_start3A_229 : memref<128xf32, #tpu.memory_space<vmem>>) offsets(%dma_start3A_232 : memref<128xi32, #tpu.memory_space<vmem>>) semaphore(%arg22 : memref<!tpu.dma_semaphore, #tpu.memory_space<semaphore_mem>>)
      %mul3A_235 = arith.constant 128 : i32
      %mul3A_236 = arith.muli %scan3A_184, %mul3A_235 : i32
      %dma_start3A_237 = arith.constant 5 : i32
      %dma_start3A_238 = tpu.memref_slice %arg21[%dma_start3A_237, %mul3A_236] : memref<16x512xf32, #tpu.memory_space<vmem>> -> memref<1x128xf32, #tpu.memory_space<vmem>>
      %dma_start3A_239 = tpu.memref_squeeze %dma_start3A_238 : memref<1x128xf32, #tpu.memory_space<vmem>> -> memref<128xf32, #tpu.memory_space<vmem>>
      %dma_start3A_240 = arith.constant 0 : i32
      %dma_start3A_241 = tpu.memref_slice %arg20[%scan3A_184, %dma_start3A_240] : memref<4x128xi32, #tpu.memory_space<vmem>> -> memref<1x128xi32, #tpu.memory_space<vmem>>
      %dma_start3A_242 = tpu.memref_squeeze %dma_start3A_241 : memref<1x128xi32, #tpu.memory_space<vmem>> -> memref<128xi32, #tpu.memory_space<vmem>>
      %dma_start3A_243 = arith.constant 0 : i32
      %dma_start3A_244 = tpu.memref_slice %arg7[%dma_start3A_243] : memref<100000xf32, #tpu.memory_space<hbm>> -> memref<100000xf32, #tpu.memory_space<hbm>>
      tpu.enqueue_indirect_dma source(%dma_start3A_244 : memref<100000xf32, #tpu.memory_space<hbm>>) target(%dma_start3A_239 : memref<128xf32, #tpu.memory_space<vmem>>) offsets(%dma_start3A_242 : memref<128xi32, #tpu.memory_space<vmem>>) semaphore(%arg22 : memref<!tpu.dma_semaphore, #tpu.memory_space<semaphore_mem>>)
      %mul3A_245 = arith.constant 128 : i32
      %mul3A_246 = arith.muli %scan3A_184, %mul3A_245 : i32
      %dma_start3A_247 = arith.constant 6 : i32
      %dma_start3A_248 = tpu.memref_slice %arg21[%dma_start3A_247, %mul3A_246] : memref<16x512xf32, #tpu.memory_space<vmem>> -> memref<1x128xf32, #tpu.memory_space<vmem>>
      %dma_start3A_249 = tpu.memref_squeeze %dma_start3A_248 : memref<1x128xf32, #tpu.memory_space<vmem>> -> memref<128xf32, #tpu.memory_space<vmem>>
      %dma_start3A_250 = arith.constant 0 : i32
      %dma_start3A_251 = tpu.memref_slice %arg20[%scan3A_184, %dma_start3A_250] : memref<4x128xi32, #tpu.memory_space<vmem>> -> memref<1x128xi32, #tpu.memory_space<vmem>>
      %dma_start3A_252 = tpu.memref_squeeze %dma_start3A_251 : memref<1x128xi32, #tpu.memory_space<vmem>> -> memref<128xi32, #tpu.memory_space<vmem>>
      %dma_start3A_253 = arith.constant 0 : i32
      %dma_start3A_254 = tpu.memref_slice %arg8[%dma_start3A_253] : memref<100000xf32, #tpu.memory_space<hbm>> -> memref<100000xf32, #tpu.memory_space<hbm>>
      tpu.enqueue_indirect_dma source(%dma_start3A_254 : memref<100000xf32, #tpu.memory_space<hbm>>) target(%dma_start3A_249 : memref<128xf32, #tpu.memory_space<vmem>>) offsets(%dma_start3A_252 : memref<128xi32, #tpu.memory_space<vmem>>) semaphore(%arg22 : memref<!tpu.dma_semaphore, #tpu.memory_space<semaphore_mem>>)
      %mul3A_255 = arith.constant 128 : i32
      %mul3A_256 = arith.muli %scan3A_184, %mul3A_255 : i32
      %dma_start3A_257 = arith.constant 7 : i32
      %dma_start3A_258 = tpu.memref_slice %arg21[%dma_start3A_257, %mul3A_256] : memref<16x512xf32, #tpu.memory_space<vmem>> -> memref<1x128xf32, #tpu.memory_space<vmem>>
      %dma_start3A_259 = tpu.memref_squeeze %dma_start3A_258 : memref<1x128xf32, #tpu.memory_space<vmem>> -> memref<128xf32, #tpu.memory_space<vmem>>
      %dma_start3A_260 = arith.constant 0 : i32
      %dma_start3A_261 = tpu.memref_slice %arg20[%scan3A_184, %dma_start3A_260] : memref<4x128xi32, #tpu.memory_space<vmem>> -> memref<1x128xi32, #tpu.memory_space<vmem>>
      %dma_start3A_262 = tpu.memref_squeeze %dma_start3A_261 : memref<1x128xi32, #tpu.memory_space<vmem>> -> memref<128xi32, #tpu.memory_space<vmem>>
      %dma_start3A_263 = arith.constant 0 : i32
      %dma_start3A_264 = tpu.memref_slice %arg9[%dma_start3A_263] : memref<100000xf32, #tpu.memory_space<hbm>> -> memref<100000xf32, #tpu.memory_space<hbm>>
      tpu.enqueue_indirect_dma source(%dma_start3A_264 : memref<100000xf32, #tpu.memory_space<hbm>>) target(%dma_start3A_259 : memref<128xf32, #tpu.memory_space<vmem>>) offsets(%dma_start3A_262 : memref<128xi32, #tpu.memory_space<vmem>>) semaphore(%arg22 : memref<!tpu.dma_semaphore, #tpu.memory_space<semaphore_mem>>)
      %mul3A_265 = arith.constant 128 : i32
      %mul3A_266 = arith.muli %scan3A_184, %mul3A_265 : i32
      %dma_start3A_267 = arith.constant 8 : i32
      %dma_start3A_268 = tpu.memref_slice %arg21[%dma_start3A_267, %mul3A_266] : memref<16x512xf32, #tpu.memory_space<vmem>> -> memref<1x128xf32, #tpu.memory_space<vmem>>
      %dma_start3A_269 = tpu.memref_squeeze %dma_start3A_268 : memref<1x128xf32, #tpu.memory_space<vmem>> -> memref<128xf32, #tpu.memory_space<vmem>>
      %dma_start3A_270 = arith.constant 0 : i32
      %dma_start3A_271 = tpu.memref_slice %arg20[%scan3A_184, %dma_start3A_270] : memref<4x128xi32, #tpu.memory_space<vmem>> -> memref<1x128xi32, #tpu.memory_space<vmem>>
      %dma_start3A_272 = tpu.memref_squeeze %dma_start3A_271 : memref<1x128xi32, #tpu.memory_space<vmem>> -> memref<128xi32, #tpu.memory_space<vmem>>
      %dma_start3A_273 = arith.constant 0 : i32
      %dma_start3A_274 = tpu.memref_slice %arg10[%dma_start3A_273] : memref<100000xf32, #tpu.memory_space<hbm>> -> memref<100000xf32, #tpu.memory_space<hbm>>
      tpu.enqueue_indirect_dma source(%dma_start3A_274 : memref<100000xf32, #tpu.memory_space<hbm>>) target(%dma_start3A_269 : memref<128xf32, #tpu.memory_space<vmem>>) offsets(%dma_start3A_272 : memref<128xi32, #tpu.memory_space<vmem>>) semaphore(%arg22 : memref<!tpu.dma_semaphore, #tpu.memory_space<semaphore_mem>>)
      %mul3A_275 = arith.constant 128 : i32
      %mul3A_276 = arith.muli %scan3A_184, %mul3A_275 : i32
      %dma_start3A_277 = arith.constant 9 : i32
      %dma_start3A_278 = tpu.memref_slice %arg21[%dma_start3A_277, %mul3A_276] : memref<16x512xf32, #tpu.memory_space<vmem>> -> memref<1x128xf32, #tpu.memory_space<vmem>>
      %dma_start3A_279 = tpu.memref_squeeze %dma_start3A_278 : memref<1x128xf32, #tpu.memory_space<vmem>> -> memref<128xf32, #tpu.memory_space<vmem>>
      %dma_start3A_280 = arith.constant 0 : i32
      %dma_start3A_281 = tpu.memref_slice %arg20[%scan3A_184, %dma_start3A_280] : memref<4x128xi32, #tpu.memory_space<vmem>> -> memref<1x128xi32, #tpu.memory_space<vmem>>
      %dma_start3A_282 = tpu.memref_squeeze %dma_start3A_281 : memref<1x128xi32, #tpu.memory_space<vmem>> -> memref<128xi32, #tpu.memory_space<vmem>>
      %dma_start3A_283 = arith.constant 0 : i32
      %dma_start3A_284 = tpu.memref_slice %arg11[%dma_start3A_283] : memref<100000xf32, #tpu.memory_space<hbm>> -> memref<100000xf32, #tpu.memory_space<hbm>>
      tpu.enqueue_indirect_dma source(%dma_start3A_284 : memref<100000xf32, #tpu.memory_space<hbm>>) target(%dma_start3A_279 : memref<128xf32, #tpu.memory_space<vmem>>) offsets(%dma_start3A_282 : memref<128xi32, #tpu.memory_space<vmem>>) semaphore(%arg22 : memref<!tpu.dma_semaphore, #tpu.memory_space<semaphore_mem>>)
      %mul3A_285 = arith.constant 128 : i32
      %mul3A_286 = arith.muli %scan3A_184, %mul3A_285 : i32
      %dma_start3A_287 = arith.constant 10 : i32
      %dma_start3A_288 = tpu.memref_slice %arg21[%dma_start3A_287, %mul3A_286] : memref<16x512xf32, #tpu.memory_space<vmem>> -> memref<1x128xf32, #tpu.memory_space<vmem>>
      %dma_start3A_289 = tpu.memref_squeeze %dma_start3A_288 : memref<1x128xf32, #tpu.memory_space<vmem>> -> memref<128xf32, #tpu.memory_space<vmem>>
      %dma_start3A_290 = arith.constant 0 : i32
      %dma_start3A_291 = tpu.memref_slice %arg20[%scan3A_184, %dma_start3A_290] : memref<4x128xi32, #tpu.memory_space<vmem>> -> memref<1x128xi32, #tpu.memory_space<vmem>>
      %dma_start3A_292 = tpu.memref_squeeze %dma_start3A_291 : memref<1x128xi32, #tpu.memory_space<vmem>> -> memref<128xi32, #tpu.memory_space<vmem>>
      %dma_start3A_293 = arith.constant 0 : i32
      %dma_start3A_294 = tpu.memref_slice %arg12[%dma_start3A_293] : memref<100000xf32, #tpu.memory_space<hbm>> -> memref<100000xf32, #tpu.memory_space<hbm>>
      tpu.enqueue_indirect_dma source(%dma_start3A_294 : memref<100000xf32, #tpu.memory_space<hbm>>) target(%dma_start3A_289 : memref<128xf32, #tpu.memory_space<vmem>>) offsets(%dma_start3A_292 : memref<128xi32, #tpu.memory_space<vmem>>) semaphore(%arg22 : memref<!tpu.dma_semaphore, #tpu.memory_space<semaphore_mem>>)
      %mul3A_295 = arith.constant 128 : i32
      %mul3A_296 = arith.muli %scan3A_184, %mul3A_295 : i32
      %dma_start3A_297 = arith.constant 11 : i32
      %dma_start3A_298 = tpu.memref_slice %arg21[%dma_start3A_297, %mul3A_296] : memref<16x512xf32, #tpu.memory_space<vmem>> -> memref<1x128xf32, #tpu.memory_space<vmem>>
      %dma_start3A_299 = tpu.memref_squeeze %dma_start3A_298 : memref<1x128xf32, #tpu.memory_space<vmem>> -> memref<128xf32, #tpu.memory_space<vmem>>
      %dma_start3A_300 = arith.constant 0 : i32
      %dma_start3A_301 = tpu.memref_slice %arg20[%scan3A_184, %dma_start3A_300] : memref<4x128xi32, #tpu.memory_space<vmem>> -> memref<1x128xi32, #tpu.memory_space<vmem>>
      %dma_start3A_302 = tpu.memref_squeeze %dma_start3A_301 : memref<1x128xi32, #tpu.memory_space<vmem>> -> memref<128xi32, #tpu.memory_space<vmem>>
      %dma_start3A_303 = arith.constant 0 : i32
      %dma_start3A_304 = tpu.memref_slice %arg13[%dma_start3A_303] : memref<100000xf32, #tpu.memory_space<hbm>> -> memref<100000xf32, #tpu.memory_space<hbm>>
      tpu.enqueue_indirect_dma source(%dma_start3A_304 : memref<100000xf32, #tpu.memory_space<hbm>>) target(%dma_start3A_299 : memref<128xf32, #tpu.memory_space<vmem>>) offsets(%dma_start3A_302 : memref<128xi32, #tpu.memory_space<vmem>>) semaphore(%arg22 : memref<!tpu.dma_semaphore, #tpu.memory_space<semaphore_mem>>)
      %mul3A_305 = arith.constant 128 : i32
      %mul3A_306 = arith.muli %scan3A_184, %mul3A_305 : i32
      %dma_start3A_307 = arith.constant 12 : i32
      %dma_start3A_308 = tpu.memref_slice %arg21[%dma_start3A_307, %mul3A_306] : memref<16x512xf32, #tpu.memory_space<vmem>> -> memref<1x128xf32, #tpu.memory_space<vmem>>
      %dma_start3A_309 = tpu.memref_squeeze %dma_start3A_308 : memref<1x128xf32, #tpu.memory_space<vmem>> -> memref<128xf32, #tpu.memory_space<vmem>>
      %dma_start3A_310 = arith.constant 0 : i32
      %dma_start3A_311 = tpu.memref_slice %arg20[%scan3A_184, %dma_start3A_310] : memref<4x128xi32, #tpu.memory_space<vmem>> -> memref<1x128xi32, #tpu.memory_space<vmem>>
      %dma_start3A_312 = tpu.memref_squeeze %dma_start3A_311 : memref<1x128xi32, #tpu.memory_space<vmem>> -> memref<128xi32, #tpu.memory_space<vmem>>
      %dma_start3A_313 = arith.constant 0 : i32
      %dma_start3A_314 = tpu.memref_slice %arg14[%dma_start3A_313] : memref<100000xf32, #tpu.memory_space<hbm>> -> memref<100000xf32, #tpu.memory_space<hbm>>
      tpu.enqueue_indirect_dma source(%dma_start3A_314 : memref<100000xf32, #tpu.memory_space<hbm>>) target(%dma_start3A_309 : memref<128xf32, #tpu.memory_space<vmem>>) offsets(%dma_start3A_312 : memref<128xi32, #tpu.memory_space<vmem>>) semaphore(%arg22 : memref<!tpu.dma_semaphore, #tpu.memory_space<semaphore_mem>>)
      %mul3A_315 = arith.constant 128 : i32
      %mul3A_316 = arith.muli %scan3A_184, %mul3A_315 : i32
      %dma_start3A_317 = arith.constant 13 : i32
      %dma_start3A_318 = tpu.memref_slice %arg21[%dma_start3A_317, %mul3A_316] : memref<16x512xf32, #tpu.memory_space<vmem>> -> memref<1x128xf32, #tpu.memory_space<vmem>>
      %dma_start3A_319 = tpu.memref_squeeze %dma_start3A_318 : memref<1x128xf32, #tpu.memory_space<vmem>> -> memref<128xf32, #tpu.memory_space<vmem>>
      %dma_start3A_320 = arith.constant 0 : i32
      %dma_start3A_321 = tpu.memref_slice %arg20[%scan3A_184, %dma_start3A_320] : memref<4x128xi32, #tpu.memory_space<vmem>> -> memref<1x128xi32, #tpu.memory_space<vmem>>
      %dma_start3A_322 = tpu.memref_squeeze %dma_start3A_321 : memref<1x128xi32, #tpu.memory_space<vmem>> -> memref<128xi32, #tpu.memory_space<vmem>>
      %dma_start3A_323 = arith.constant 0 : i32
      %dma_start3A_324 = tpu.memref_slice %arg15[%dma_start3A_323] : memref<100000xf32, #tpu.memory_space<hbm>> -> memref<100000xf32, #tpu.memory_space<hbm>>
      tpu.enqueue_indirect_dma source(%dma_start3A_324 : memref<100000xf32, #tpu.memory_space<hbm>>) target(%dma_start3A_319 : memref<128xf32, #tpu.memory_space<vmem>>) offsets(%dma_start3A_322 : memref<128xi32, #tpu.memory_space<vmem>>) semaphore(%arg22 : memref<!tpu.dma_semaphore, #tpu.memory_space<semaphore_mem>>)
      %mul3A_325 = arith.constant 128 : i32
      %mul3A_326 = arith.muli %scan3A_184, %mul3A_325 : i32
      %dma_start3A_327 = arith.constant 14 : i32
      %dma_start3A_328 = tpu.memref_slice %arg21[%dma_start3A_327, %mul3A_326] : memref<16x512xf32, #tpu.memory_space<vmem>> -> memref<1x128xf32, #tpu.memory_space<vmem>>
      %dma_start3A_329 = tpu.memref_squeeze %dma_start3A_328 : memref<1x128xf32, #tpu.memory_space<vmem>> -> memref<128xf32, #tpu.memory_space<vmem>>
      %dma_start3A_330 = arith.constant 0 : i32
      %dma_start3A_331 = tpu.memref_slice %arg20[%scan3A_184, %dma_start3A_330] : memref<4x128xi32, #tpu.memory_space<vmem>> -> memref<1x128xi32, #tpu.memory_space<vmem>>
      %dma_start3A_332 = tpu.memref_squeeze %dma_start3A_331 : memref<1x128xi32, #tpu.memory_space<vmem>> -> memref<128xi32, #tpu.memory_space<vmem>>
      %dma_start3A_333 = arith.constant 0 : i32
      %dma_start3A_334 = tpu.memref_slice %arg16[%dma_start3A_333] : memref<100000xf32, #tpu.memory_space<hbm>> -> memref<100000xf32, #tpu.memory_space<hbm>>
      tpu.enqueue_indirect_dma source(%dma_start3A_334 : memref<100000xf32, #tpu.memory_space<hbm>>) target(%dma_start3A_329 : memref<128xf32, #tpu.memory_space<vmem>>) offsets(%dma_start3A_332 : memref<128xi32, #tpu.memory_space<vmem>>) semaphore(%arg22 : memref<!tpu.dma_semaphore, #tpu.memory_space<semaphore_mem>>)
      %mul3A_335 = arith.constant 128 : i32
      %mul3A_336 = arith.muli %scan3A_184, %mul3A_335 : i32
      %dma_start3A_337 = arith.constant 15 : i32
      %dma_start3A_338 = tpu.memref_slice %arg21[%dma_start3A_337, %mul3A_336] : memref<16x512xf32, #tpu.memory_space<vmem>> -> memref<1x128xf32, #tpu.memory_space<vmem>>
      %dma_start3A_339 = tpu.memref_squeeze %dma_start3A_338 : memref<1x128xf32, #tpu.memory_space<vmem>> -> memref<128xf32, #tpu.memory_space<vmem>>
      %dma_start3A_340 = arith.constant 0 : i32
      %dma_start3A_341 = tpu.memref_slice %arg20[%scan3A_184, %dma_start3A_340] : memref<4x128xi32, #tpu.memory_space<vmem>> -> memref<1x128xi32, #tpu.memory_space<vmem>>
      %dma_start3A_342 = tpu.memref_squeeze %dma_start3A_341 : memref<1x128xi32, #tpu.memory_space<vmem>> -> memref<128xi32, #tpu.memory_space<vmem>>
      %dma_start3A_343 = arith.constant 0 : i32
      %dma_start3A_344 = tpu.memref_slice %arg17[%dma_start3A_343] : memref<100000xf32, #tpu.memory_space<hbm>> -> memref<100000xf32, #tpu.memory_space<hbm>>
      tpu.enqueue_indirect_dma source(%dma_start3A_344 : memref<100000xf32, #tpu.memory_space<hbm>>) target(%dma_start3A_339 : memref<128xf32, #tpu.memory_space<vmem>>) offsets(%dma_start3A_342 : memref<128xi32, #tpu.memory_space<vmem>>) semaphore(%arg22 : memref<!tpu.dma_semaphore, #tpu.memory_space<semaphore_mem>>)
      %scan3A_345 = arith.constant 0 : i32
      scf.yield %scan3A_345 : i32
    }
    %scan3A_8 = arith.constant 4 : i32
    %dma_wait3A = arith.constant 0 : i32
    %dma_wait3A_9 = arith.constant 0 : i32
    %dma_wait3A_10 = tpu.memref_slice %arg21[%dma_wait3A, %dma_wait3A_9] : memref<16x512xf32, #tpu.memory_space<vmem>> -> memref<1x512xf32, #tpu.memory_space<vmem>>
    %dma_wait3A_11 = tpu.memref_squeeze %dma_wait3A_10 : memref<1x512xf32, #tpu.memory_space<vmem>> -> memref<512xf32, #tpu.memory_space<vmem>>
    %dma_wait3A_12 = arith.constant 0 : i32
    %dma_wait3A_13 = tpu.memref_slice %arg2[%dma_wait3A_12] : memref<100000xf32, #tpu.memory_space<hbm>> -> memref<512xf32, #tpu.memory_space<hbm>>
    %dma_wait3A_14 = arith.constant 0 : i32
    %dma_wait3A_15 = tpu.memref_slice %arg21[%dma_wait3A, %dma_wait3A_14] : memref<16x512xf32, #tpu.memory_space<vmem>> -> memref<1x512xf32, #tpu.memory_space<vmem>>
    %dma_wait3A_16 = tpu.memref_squeeze %dma_wait3A_15 : memref<1x512xf32, #tpu.memory_space<vmem>> -> memref<512xf32, #tpu.memory_space<vmem>>
    %dma_wait3A_17 = arith.constant 0 : i32
    %dma_wait3A_18 = tpu.memref_slice %arg2[%dma_wait3A_17] : memref<100000xf32, #tpu.memory_space<hbm>> -> memref<512xf32, #tpu.memory_space<hbm>>
    tpu.wait_dma2 semaphore(%arg22 : memref<!tpu.dma_semaphore, #tpu.memory_space<semaphore_mem>>) src(%dma_wait3A_18 : memref<512xf32, #tpu.memory_space<hbm>>) dst(%dma_wait3A_16 : memref<512xf32, #tpu.memory_space<vmem>>)
    %dma_wait3A_19 = arith.constant 1 : i32
    %dma_wait3A_20 = arith.constant 0 : i32
    %dma_wait3A_21 = tpu.memref_slice %arg21[%dma_wait3A_19, %dma_wait3A_20] : memref<16x512xf32, #tpu.memory_space<vmem>> -> memref<1x512xf32, #tpu.memory_space<vmem>>
    %dma_wait3A_22 = tpu.memref_squeeze %dma_wait3A_21 : memref<1x512xf32, #tpu.memory_space<vmem>> -> memref<512xf32, #tpu.memory_space<vmem>>
    %dma_wait3A_23 = arith.constant 0 : i32
    %dma_wait3A_24 = tpu.memref_slice %arg3[%dma_wait3A_23] : memref<100000xf32, #tpu.memory_space<hbm>> -> memref<512xf32, #tpu.memory_space<hbm>>
    %dma_wait3A_25 = arith.constant 0 : i32
    %dma_wait3A_26 = tpu.memref_slice %arg21[%dma_wait3A_19, %dma_wait3A_25] : memref<16x512xf32, #tpu.memory_space<vmem>> -> memref<1x512xf32, #tpu.memory_space<vmem>>
    %dma_wait3A_27 = tpu.memref_squeeze %dma_wait3A_26 : memref<1x512xf32, #tpu.memory_space<vmem>> -> memref<512xf32, #tpu.memory_space<vmem>>
    %dma_wait3A_28 = arith.constant 0 : i32
    %dma_wait3A_29 = tpu.memref_slice %arg3[%dma_wait3A_28] : memref<100000xf32, #tpu.memory_space<hbm>> -> memref<512xf32, #tpu.memory_space<hbm>>
    tpu.wait_dma2 semaphore(%arg22 : memref<!tpu.dma_semaphore, #tpu.memory_space<semaphore_mem>>) src(%dma_wait3A_29 : memref<512xf32, #tpu.memory_space<hbm>>) dst(%dma_wait3A_27 : memref<512xf32, #tpu.memory_space<vmem>>)
    %dma_wait3A_30 = arith.constant 2 : i32
    %dma_wait3A_31 = arith.constant 0 : i32
    %dma_wait3A_32 = tpu.memref_slice %arg21[%dma_wait3A_30, %dma_wait3A_31] : memref<16x512xf32, #tpu.memory_space<vmem>> -> memref<1x512xf32, #tpu.memory_space<vmem>>
    %dma_wait3A_33 = tpu.memref_squeeze %dma_wait3A_32 : memref<1x512xf32, #tpu.memory_space<vmem>> -> memref<512xf32, #tpu.memory_space<vmem>>
    %dma_wait3A_34 = arith.constant 0 : i32
    %dma_wait3A_35 = tpu.memref_slice %arg4[%dma_wait3A_34] : memref<100000xf32, #tpu.memory_space<hbm>> -> memref<512xf32, #tpu.memory_space<hbm>>
    %dma_wait3A_36 = arith.constant 0 : i32
    %dma_wait3A_37 = tpu.memref_slice %arg21[%dma_wait3A_30, %dma_wait3A_36] : memref<16x512xf32, #tpu.memory_space<vmem>> -> memref<1x512xf32, #tpu.memory_space<vmem>>
    %dma_wait3A_38 = tpu.memref_squeeze %dma_wait3A_37 : memref<1x512xf32, #tpu.memory_space<vmem>> -> memref<512xf32, #tpu.memory_space<vmem>>
    %dma_wait3A_39 = arith.constant 0 : i32
    %dma_wait3A_40 = tpu.memref_slice %arg4[%dma_wait3A_39] : memref<100000xf32, #tpu.memory_space<hbm>> -> memref<512xf32, #tpu.memory_space<hbm>>
    tpu.wait_dma2 semaphore(%arg22 : memref<!tpu.dma_semaphore, #tpu.memory_space<semaphore_mem>>) src(%dma_wait3A_40 : memref<512xf32, #tpu.memory_space<hbm>>) dst(%dma_wait3A_38 : memref<512xf32, #tpu.memory_space<vmem>>)
    %dma_wait3A_41 = arith.constant 3 : i32
    %dma_wait3A_42 = arith.constant 0 : i32
    %dma_wait3A_43 = tpu.memref_slice %arg21[%dma_wait3A_41, %dma_wait3A_42] : memref<16x512xf32, #tpu.memory_space<vmem>> -> memref<1x512xf32, #tpu.memory_space<vmem>>
    %dma_wait3A_44 = tpu.memref_squeeze %dma_wait3A_43 : memref<1x512xf32, #tpu.memory_space<vmem>> -> memref<512xf32, #tpu.memory_space<vmem>>
    %dma_wait3A_45 = arith.constant 0 : i32
    %dma_wait3A_46 = tpu.memref_slice %arg5[%dma_wait3A_45] : memref<100000xf32, #tpu.memory_space<hbm>> -> memref<512xf32, #tpu.memory_space<hbm>>
    %dma_wait3A_47 = arith.constant 0 : i32
    %dma_wait3A_48 = tpu.memref_slice %arg21[%dma_wait3A_41, %dma_wait3A_47] : memref<16x512xf32, #tpu.memory_space<vmem>> -> memref<1x512xf32, #tpu.memory_space<vmem>>
    %dma_wait3A_49 = tpu.memref_squeeze %dma_wait3A_48 : memref<1x512xf32, #tpu.memory_space<vmem>> -> memref<512xf32, #tpu.memory_space<vmem>>
    %dma_wait3A_50 = arith.constant 0 : i32
    %dma_wait3A_51 = tpu.memref_slice %arg5[%dma_wait3A_50] : memref<100000xf32, #tpu.memory_space<hbm>> -> memref<512xf32, #tpu.memory_space<hbm>>
    tpu.wait_dma2 semaphore(%arg22 : memref<!tpu.dma_semaphore, #tpu.memory_space<semaphore_mem>>) src(%dma_wait3A_51 : memref<512xf32, #tpu.memory_space<hbm>>) dst(%dma_wait3A_49 : memref<512xf32, #tpu.memory_space<vmem>>)
    %dma_wait3A_52 = arith.constant 4 : i32
    %dma_wait3A_53 = arith.constant 0 : i32
    %dma_wait3A_54 = tpu.memref_slice %arg21[%dma_wait3A_52, %dma_wait3A_53] : memref<16x512xf32, #tpu.memory_space<vmem>> -> memref<1x512xf32, #tpu.memory_space<vmem>>
    %dma_wait3A_55 = tpu.memref_squeeze %dma_wait3A_54 : memref<1x512xf32, #tpu.memory_space<vmem>> -> memref<512xf32, #tpu.memory_space<vmem>>
    %dma_wait3A_56 = arith.constant 0 : i32
    %dma_wait3A_57 = tpu.memref_slice %arg6[%dma_wait3A_56] : memref<100000xf32, #tpu.memory_space<hbm>> -> memref<512xf32, #tpu.memory_space<hbm>>
    %dma_wait3A_58 = arith.constant 0 : i32
    %dma_wait3A_59 = tpu.memref_slice %arg21[%dma_wait3A_52, %dma_wait3A_58] : memref<16x512xf32, #tpu.memory_space<vmem>> -> memref<1x512xf32, #tpu.memory_space<vmem>>
    %dma_wait3A_60 = tpu.memref_squeeze %dma_wait3A_59 : memref<1x512xf32, #tpu.memory_space<vmem>> -> memref<512xf32, #tpu.memory_space<vmem>>
    %dma_wait3A_61 = arith.constant 0 : i32
    %dma_wait3A_62 = tpu.memref_slice %arg6[%dma_wait3A_61] : memref<100000xf32, #tpu.memory_space<hbm>> -> memref<512xf32, #tpu.memory_space<hbm>>
    tpu.wait_dma2 semaphore(%arg22 : memref<!tpu.dma_semaphore, #tpu.memory_space<semaphore_mem>>) src(%dma_wait3A_62 : memref<512xf32, #tpu.memory_space<hbm>>) dst(%dma_wait3A_60 : memref<512xf32, #tpu.memory_space<vmem>>)
    %dma_wait3A_63 = arith.constant 5 : i32
    %dma_wait3A_64 = arith.constant 0 : i32
    %dma_wait3A_65 = tpu.memref_slice %arg21[%dma_wait3A_63, %dma_wait3A_64] : memref<16x512xf32, #tpu.memory_space<vmem>> -> memref<1x512xf32, #tpu.memory_space<vmem>>
    %dma_wait3A_66 = tpu.memref_squeeze %dma_wait3A_65 : memref<1x512xf32, #tpu.memory_space<vmem>> -> memref<512xf32, #tpu.memory_space<vmem>>
    %dma_wait3A_67 = arith.constant 0 : i32
    %dma_wait3A_68 = tpu.memref_slice %arg7[%dma_wait3A_67] : memref<100000xf32, #tpu.memory_space<hbm>> -> memref<512xf32, #tpu.memory_space<hbm>>
    %dma_wait3A_69 = arith.constant 0 : i32
    %dma_wait3A_70 = tpu.memref_slice %arg21[%dma_wait3A_63, %dma_wait3A_69] : memref<16x512xf32, #tpu.memory_space<vmem>> -> memref<1x512xf32, #tpu.memory_space<vmem>>
    %dma_wait3A_71 = tpu.memref_squeeze %dma_wait3A_70 : memref<1x512xf32, #tpu.memory_space<vmem>> -> memref<512xf32, #tpu.memory_space<vmem>>
    %dma_wait3A_72 = arith.constant 0 : i32
    %dma_wait3A_73 = tpu.memref_slice %arg7[%dma_wait3A_72] : memref<100000xf32, #tpu.memory_space<hbm>> -> memref<512xf32, #tpu.memory_space<hbm>>
    tpu.wait_dma2 semaphore(%arg22 : memref<!tpu.dma_semaphore, #tpu.memory_space<semaphore_mem>>) src(%dma_wait3A_73 : memref<512xf32, #tpu.memory_space<hbm>>) dst(%dma_wait3A_71 : memref<512xf32, #tpu.memory_space<vmem>>)
    %dma_wait3A_74 = arith.constant 6 : i32
    %dma_wait3A_75 = arith.constant 0 : i32
    %dma_wait3A_76 = tpu.memref_slice %arg21[%dma_wait3A_74, %dma_wait3A_75] : memref<16x512xf32, #tpu.memory_space<vmem>> -> memref<1x512xf32, #tpu.memory_space<vmem>>
    %dma_wait3A_77 = tpu.memref_squeeze %dma_wait3A_76 : memref<1x512xf32, #tpu.memory_space<vmem>> -> memref<512xf32, #tpu.memory_space<vmem>>
    %dma_wait3A_78 = arith.constant 0 : i32
    %dma_wait3A_79 = tpu.memref_slice %arg8[%dma_wait3A_78] : memref<100000xf32, #tpu.memory_space<hbm>> -> memref<512xf32, #tpu.memory_space<hbm>>
    %dma_wait3A_80 = arith.constant 0 : i32
    %dma_wait3A_81 = tpu.memref_slice %arg21[%dma_wait3A_74, %dma_wait3A_80] : memref<16x512xf32, #tpu.memory_space<vmem>> -> memref<1x512xf32, #tpu.memory_space<vmem>>
    %dma_wait3A_82 = tpu.memref_squeeze %dma_wait3A_81 : memref<1x512xf32, #tpu.memory_space<vmem>> -> memref<512xf32, #tpu.memory_space<vmem>>
    %dma_wait3A_83 = arith.constant 0 : i32
    %dma_wait3A_84 = tpu.memref_slice %arg8[%dma_wait3A_83] : memref<100000xf32, #tpu.memory_space<hbm>> -> memref<512xf32, #tpu.memory_space<hbm>>
    tpu.wait_dma2 semaphore(%arg22 : memref<!tpu.dma_semaphore, #tpu.memory_space<semaphore_mem>>) src(%dma_wait3A_84 : memref<512xf32, #tpu.memory_space<hbm>>) dst(%dma_wait3A_82 : memref<512xf32, #tpu.memory_space<vmem>>)
    %dma_wait3A_85 = arith.constant 7 : i32
    %dma_wait3A_86 = arith.constant 0 : i32
    %dma_wait3A_87 = tpu.memref_slice %arg21[%dma_wait3A_85, %dma_wait3A_86] : memref<16x512xf32, #tpu.memory_space<vmem>> -> memref<1x512xf32, #tpu.memory_space<vmem>>
    %dma_wait3A_88 = tpu.memref_squeeze %dma_wait3A_87 : memref<1x512xf32, #tpu.memory_space<vmem>> -> memref<512xf32, #tpu.memory_space<vmem>>
    %dma_wait3A_89 = arith.constant 0 : i32
    %dma_wait3A_90 = tpu.memref_slice %arg9[%dma_wait3A_89] : memref<100000xf32, #tpu.memory_space<hbm>> -> memref<512xf32, #tpu.memory_space<hbm>>
    %dma_wait3A_91 = arith.constant 0 : i32
    %dma_wait3A_92 = tpu.memref_slice %arg21[%dma_wait3A_85, %dma_wait3A_91] : memref<16x512xf32, #tpu.memory_space<vmem>> -> memref<1x512xf32, #tpu.memory_space<vmem>>
    %dma_wait3A_93 = tpu.memref_squeeze %dma_wait3A_92 : memref<1x512xf32, #tpu.memory_space<vmem>> -> memref<512xf32, #tpu.memory_space<vmem>>
    %dma_wait3A_94 = arith.constant 0 : i32
    %dma_wait3A_95 = tpu.memref_slice %arg9[%dma_wait3A_94] : memref<100000xf32, #tpu.memory_space<hbm>> -> memref<512xf32, #tpu.memory_space<hbm>>
    tpu.wait_dma2 semaphore(%arg22 : memref<!tpu.dma_semaphore, #tpu.memory_space<semaphore_mem>>) src(%dma_wait3A_95 : memref<512xf32, #tpu.memory_space<hbm>>) dst(%dma_wait3A_93 : memref<512xf32, #tpu.memory_space<vmem>>)
    %dma_wait3A_96 = arith.constant 8 : i32
    %dma_wait3A_97 = arith.constant 0 : i32
    %dma_wait3A_98 = tpu.memref_slice %arg21[%dma_wait3A_96, %dma_wait3A_97] : memref<16x512xf32, #tpu.memory_space<vmem>> -> memref<1x512xf32, #tpu.memory_space<vmem>>
    %dma_wait3A_99 = tpu.memref_squeeze %dma_wait3A_98 : memref<1x512xf32, #tpu.memory_space<vmem>> -> memref<512xf32, #tpu.memory_space<vmem>>
    %dma_wait3A_100 = arith.constant 0 : i32
    %dma_wait3A_101 = tpu.memref_slice %arg10[%dma_wait3A_100] : memref<100000xf32, #tpu.memory_space<hbm>> -> memref<512xf32, #tpu.memory_space<hbm>>
    %dma_wait3A_102 = arith.constant 0 : i32
    %dma_wait3A_103 = tpu.memref_slice %arg21[%dma_wait3A_96, %dma_wait3A_102] : memref<16x512xf32, #tpu.memory_space<vmem>> -> memref<1x512xf32, #tpu.memory_space<vmem>>
    %dma_wait3A_104 = tpu.memref_squeeze %dma_wait3A_103 : memref<1x512xf32, #tpu.memory_space<vmem>> -> memref<512xf32, #tpu.memory_space<vmem>>
    %dma_wait3A_105 = arith.constant 0 : i32
    %dma_wait3A_106 = tpu.memref_slice %arg10[%dma_wait3A_105] : memref<100000xf32, #tpu.memory_space<hbm>> -> memref<512xf32, #tpu.memory_space<hbm>>
    tpu.wait_dma2 semaphore(%arg22 : memref<!tpu.dma_semaphore, #tpu.memory_space<semaphore_mem>>) src(%dma_wait3A_106 : memref<512xf32, #tpu.memory_space<hbm>>) dst(%dma_wait3A_104 : memref<512xf32, #tpu.memory_space<vmem>>)
    %dma_wait3A_107 = arith.constant 9 : i32
    %dma_wait3A_108 = arith.constant 0 : i32
    %dma_wait3A_109 = tpu.memref_slice %arg21[%dma_wait3A_107, %dma_wait3A_108] : memref<16x512xf32, #tpu.memory_space<vmem>> -> memref<1x512xf32, #tpu.memory_space<vmem>>
    %dma_wait3A_110 = tpu.memref_squeeze %dma_wait3A_109 : memref<1x512xf32, #tpu.memory_space<vmem>> -> memref<512xf32, #tpu.memory_space<vmem>>
    %dma_wait3A_111 = arith.constant 0 : i32
    %dma_wait3A_112 = tpu.memref_slice %arg11[%dma_wait3A_111] : memref<100000xf32, #tpu.memory_space<hbm>> -> memref<512xf32, #tpu.memory_space<hbm>>
    %dma_wait3A_113 = arith.constant 0 : i32
    %dma_wait3A_114 = tpu.memref_slice %arg21[%dma_wait3A_107, %dma_wait3A_113] : memref<16x512xf32, #tpu.memory_space<vmem>> -> memref<1x512xf32, #tpu.memory_space<vmem>>
    %dma_wait3A_115 = tpu.memref_squeeze %dma_wait3A_114 : memref<1x512xf32, #tpu.memory_space<vmem>> -> memref<512xf32, #tpu.memory_space<vmem>>
    %dma_wait3A_116 = arith.constant 0 : i32
    %dma_wait3A_117 = tpu.memref_slice %arg11[%dma_wait3A_116] : memref<100000xf32, #tpu.memory_space<hbm>> -> memref<512xf32, #tpu.memory_space<hbm>>
    tpu.wait_dma2 semaphore(%arg22 : memref<!tpu.dma_semaphore, #tpu.memory_space<semaphore_mem>>) src(%dma_wait3A_117 : memref<512xf32, #tpu.memory_space<hbm>>) dst(%dma_wait3A_115 : memref<512xf32, #tpu.memory_space<vmem>>)
    %dma_wait3A_118 = arith.constant 10 : i32
    %dma_wait3A_119 = arith.constant 0 : i32
    %dma_wait3A_120 = tpu.memref_slice %arg21[%dma_wait3A_118, %dma_wait3A_119] : memref<16x512xf32, #tpu.memory_space<vmem>> -> memref<1x512xf32, #tpu.memory_space<vmem>>
    %dma_wait3A_121 = tpu.memref_squeeze %dma_wait3A_120 : memref<1x512xf32, #tpu.memory_space<vmem>> -> memref<512xf32, #tpu.memory_space<vmem>>
    %dma_wait3A_122 = arith.constant 0 : i32
    %dma_wait3A_123 = tpu.memref_slice %arg12[%dma_wait3A_122] : memref<100000xf32, #tpu.memory_space<hbm>> -> memref<512xf32, #tpu.memory_space<hbm>>
    %dma_wait3A_124 = arith.constant 0 : i32
    %dma_wait3A_125 = tpu.memref_slice %arg21[%dma_wait3A_118, %dma_wait3A_124] : memref<16x512xf32, #tpu.memory_space<vmem>> -> memref<1x512xf32, #tpu.memory_space<vmem>>
    %dma_wait3A_126 = tpu.memref_squeeze %dma_wait3A_125 : memref<1x512xf32, #tpu.memory_space<vmem>> -> memref<512xf32, #tpu.memory_space<vmem>>
    %dma_wait3A_127 = arith.constant 0 : i32
    %dma_wait3A_128 = tpu.memref_slice %arg12[%dma_wait3A_127] : memref<100000xf32, #tpu.memory_space<hbm>> -> memref<512xf32, #tpu.memory_space<hbm>>
    tpu.wait_dma2 semaphore(%arg22 : memref<!tpu.dma_semaphore, #tpu.memory_space<semaphore_mem>>) src(%dma_wait3A_128 : memref<512xf32, #tpu.memory_space<hbm>>) dst(%dma_wait3A_126 : memref<512xf32, #tpu.memory_space<vmem>>)
    %dma_wait3A_129 = arith.constant 11 : i32
    %dma_wait3A_130 = arith.constant 0 : i32
    %dma_wait3A_131 = tpu.memref_slice %arg21[%dma_wait3A_129, %dma_wait3A_130] : memref<16x512xf32, #tpu.memory_space<vmem>> -> memref<1x512xf32, #tpu.memory_space<vmem>>
    %dma_wait3A_132 = tpu.memref_squeeze %dma_wait3A_131 : memref<1x512xf32, #tpu.memory_space<vmem>> -> memref<512xf32, #tpu.memory_space<vmem>>
    %dma_wait3A_133 = arith.constant 0 : i32
    %dma_wait3A_134 = tpu.memref_slice %arg13[%dma_wait3A_133] : memref<100000xf32, #tpu.memory_space<hbm>> -> memref<512xf32, #tpu.memory_space<hbm>>
    %dma_wait3A_135 = arith.constant 0 : i32
    %dma_wait3A_136 = tpu.memref_slice %arg21[%dma_wait3A_129, %dma_wait3A_135] : memref<16x512xf32, #tpu.memory_space<vmem>> -> memref<1x512xf32, #tpu.memory_space<vmem>>
    %dma_wait3A_137 = tpu.memref_squeeze %dma_wait3A_136 : memref<1x512xf32, #tpu.memory_space<vmem>> -> memref<512xf32, #tpu.memory_space<vmem>>
    %dma_wait3A_138 = arith.constant 0 : i32
    %dma_wait3A_139 = tpu.memref_slice %arg13[%dma_wait3A_138] : memref<100000xf32, #tpu.memory_space<hbm>> -> memref<512xf32, #tpu.memory_space<hbm>>
    tpu.wait_dma2 semaphore(%arg22 : memref<!tpu.dma_semaphore, #tpu.memory_space<semaphore_mem>>) src(%dma_wait3A_139 : memref<512xf32, #tpu.memory_space<hbm>>) dst(%dma_wait3A_137 : memref<512xf32, #tpu.memory_space<vmem>>)
    %dma_wait3A_140 = arith.constant 12 : i32
    %dma_wait3A_141 = arith.constant 0 : i32
    %dma_wait3A_142 = tpu.memref_slice %arg21[%dma_wait3A_140, %dma_wait3A_141] : memref<16x512xf32, #tpu.memory_space<vmem>> -> memref<1x512xf32, #tpu.memory_space<vmem>>
    %dma_wait3A_143 = tpu.memref_squeeze %dma_wait3A_142 : memref<1x512xf32, #tpu.memory_space<vmem>> -> memref<512xf32, #tpu.memory_space<vmem>>
    %dma_wait3A_144 = arith.constant 0 : i32
    %dma_wait3A_145 = tpu.memref_slice %arg14[%dma_wait3A_144] : memref<100000xf32, #tpu.memory_space<hbm>> -> memref<512xf32, #tpu.memory_space<hbm>>
    %dma_wait3A_146 = arith.constant 0 : i32
    %dma_wait3A_147 = tpu.memref_slice %arg21[%dma_wait3A_140, %dma_wait3A_146] : memref<16x512xf32, #tpu.memory_space<vmem>> -> memref<1x512xf32, #tpu.memory_space<vmem>>
    %dma_wait3A_148 = tpu.memref_squeeze %dma_wait3A_147 : memref<1x512xf32, #tpu.memory_space<vmem>> -> memref<512xf32, #tpu.memory_space<vmem>>
    %dma_wait3A_149 = arith.constant 0 : i32
    %dma_wait3A_150 = tpu.memref_slice %arg14[%dma_wait3A_149] : memref<100000xf32, #tpu.memory_space<hbm>> -> memref<512xf32, #tpu.memory_space<hbm>>
    tpu.wait_dma2 semaphore(%arg22 : memref<!tpu.dma_semaphore, #tpu.memory_space<semaphore_mem>>) src(%dma_wait3A_150 : memref<512xf32, #tpu.memory_space<hbm>>) dst(%dma_wait3A_148 : memref<512xf32, #tpu.memory_space<vmem>>)
    %dma_wait3A_151 = arith.constant 13 : i32
    %dma_wait3A_152 = arith.constant 0 : i32
    %dma_wait3A_153 = tpu.memref_slice %arg21[%dma_wait3A_151, %dma_wait3A_152] : memref<16x512xf32, #tpu.memory_space<vmem>> -> memref<1x512xf32, #tpu.memory_space<vmem>>
    %dma_wait3A_154 = tpu.memref_squeeze %dma_wait3A_153 : memref<1x512xf32, #tpu.memory_space<vmem>> -> memref<512xf32, #tpu.memory_space<vmem>>
    %dma_wait3A_155 = arith.constant 0 : i32
    %dma_wait3A_156 = tpu.memref_slice %arg15[%dma_wait3A_155] : memref<100000xf32, #tpu.memory_space<hbm>> -> memref<512xf32, #tpu.memory_space<hbm>>
    %dma_wait3A_157 = arith.constant 0 : i32
    %dma_wait3A_158 = tpu.memref_slice %arg21[%dma_wait3A_151, %dma_wait3A_157] : memref<16x512xf32, #tpu.memory_space<vmem>> -> memref<1x512xf32, #tpu.memory_space<vmem>>
    %dma_wait3A_159 = tpu.memref_squeeze %dma_wait3A_158 : memref<1x512xf32, #tpu.memory_space<vmem>> -> memref<512xf32, #tpu.memory_space<vmem>>
    %dma_wait3A_160 = arith.constant 0 : i32
    %dma_wait3A_161 = tpu.memref_slice %arg15[%dma_wait3A_160] : memref<100000xf32, #tpu.memory_space<hbm>> -> memref<512xf32, #tpu.memory_space<hbm>>
    tpu.wait_dma2 semaphore(%arg22 : memref<!tpu.dma_semaphore, #tpu.memory_space<semaphore_mem>>) src(%dma_wait3A_161 : memref<512xf32, #tpu.memory_space<hbm>>) dst(%dma_wait3A_159 : memref<512xf32, #tpu.memory_space<vmem>>)
    %dma_wait3A_162 = arith.constant 14 : i32
    %dma_wait3A_163 = arith.constant 0 : i32
    %dma_wait3A_164 = tpu.memref_slice %arg21[%dma_wait3A_162, %dma_wait3A_163] : memref<16x512xf32, #tpu.memory_space<vmem>> -> memref<1x512xf32, #tpu.memory_space<vmem>>
    %dma_wait3A_165 = tpu.memref_squeeze %dma_wait3A_164 : memref<1x512xf32, #tpu.memory_space<vmem>> -> memref<512xf32, #tpu.memory_space<vmem>>
    %dma_wait3A_166 = arith.constant 0 : i32
    %dma_wait3A_167 = tpu.memref_slice %arg16[%dma_wait3A_166] : memref<100000xf32, #tpu.memory_space<hbm>> -> memref<512xf32, #tpu.memory_space<hbm>>
    %dma_wait3A_168 = arith.constant 0 : i32
    %dma_wait3A_169 = tpu.memref_slice %arg21[%dma_wait3A_162, %dma_wait3A_168] : memref<16x512xf32, #tpu.memory_space<vmem>> -> memref<1x512xf32, #tpu.memory_space<vmem>>
    %dma_wait3A_170 = tpu.memref_squeeze %dma_wait3A_169 : memref<1x512xf32, #tpu.memory_space<vmem>> -> memref<512xf32, #tpu.memory_space<vmem>>
    %dma_wait3A_171 = arith.constant 0 : i32
    %dma_wait3A_172 = tpu.memref_slice %arg16[%dma_wait3A_171] : memref<100000xf32, #tpu.memory_space<hbm>> -> memref<512xf32, #tpu.memory_space<hbm>>
    tpu.wait_dma2 semaphore(%arg22 : memref<!tpu.dma_semaphore, #tpu.memory_space<semaphore_mem>>) src(%dma_wait3A_172 : memref<512xf32, #tpu.memory_space<hbm>>) dst(%dma_wait3A_170 : memref<512xf32, #tpu.memory_space<vmem>>)
    %dma_wait3A_173 = arith.constant 15 : i32
    %dma_wait3A_174 = arith.constant 0 : i32
    %dma_wait3A_175 = tpu.memref_slice %arg21[%dma_wait3A_173, %dma_wait3A_174] : memref<16x512xf32, #tpu.memory_space<vmem>> -> memref<1x512xf32, #tpu.memory_space<vmem>>
    %dma_wait3A_176 = tpu.memref_squeeze %dma_wait3A_175 : memref<1x512xf32, #tpu.memory_space<vmem>> -> memref<512xf32, #tpu.memory_space<vmem>>
    %dma_wait3A_177 = arith.constant 0 : i32
    %dma_wait3A_178 = tpu.memref_slice %arg17[%dma_wait3A_177] : memref<100000xf32, #tpu.memory_space<hbm>> -> memref<512xf32, #tpu.memory_space<hbm>>
    %dma_wait3A_179 = arith.constant 0 : i32
    %dma_wait3A_180 = tpu.memref_slice %arg21[%dma_wait3A_173, %dma_wait3A_179] : memref<16x512xf32, #tpu.memory_space<vmem>> -> memref<1x512xf32, #tpu.memory_space<vmem>>
    %dma_wait3A_181 = tpu.memref_squeeze %dma_wait3A_180 : memref<1x512xf32, #tpu.memory_space<vmem>> -> memref<512xf32, #tpu.memory_space<vmem>>
    %dma_wait3A_182 = arith.constant 0 : i32
    %dma_wait3A_183 = tpu.memref_slice %arg17[%dma_wait3A_182] : memref<100000xf32, #tpu.memory_space<hbm>> -> memref<512xf32, #tpu.memory_space<hbm>>
    tpu.wait_dma2 semaphore(%arg22 : memref<!tpu.dma_semaphore, #tpu.memory_space<semaphore_mem>>) src(%dma_wait3A_183 : memref<512xf32, #tpu.memory_space<hbm>>) dst(%dma_wait3A_181 : memref<512xf32, #tpu.memory_space<vmem>>)
    "tpu.region"() ({
      %run_scoped3A = tpu.sem_alloc : memref<!tpu.dma_semaphore, #tpu.memory_space<semaphore_mem>>
      %dma_start3A = arith.constant 0 : i32
      %dma_start3A_184 = tpu.memref_slice %arg19[%dma_start3A, %mul3A_2] : memref<16x16384xf32, #tpu.memory_space<hbm>> -> memref<16x512xf32, #tpu.memory_space<hbm>>
      %dma_start3A_185 = arith.constant 0 : i32
      %dma_start3A_186 = tpu.memref_slice %arg19[%dma_start3A_185, %mul3A_2] : memref<16x16384xf32, #tpu.memory_space<hbm>> -> memref<16x512xf32, #tpu.memory_space<hbm>>
      tpu.enqueue_dma source(%arg21 : memref<16x512xf32, #tpu.memory_space<vmem>>) target(%dma_start3A_186 : memref<16x512xf32, #tpu.memory_space<hbm>>) target_semaphore(%run_scoped3A : memref<!tpu.dma_semaphore, #tpu.memory_space<semaphore_mem>>)
      %dma_wait3A_187 = arith.constant 0 : i32
      %dma_wait3A_188 = tpu.memref_slice %arg19[%dma_wait3A_187, %mul3A_2] : memref<16x16384xf32, #tpu.memory_space<hbm>> -> memref<16x512xf32, #tpu.memory_space<hbm>>
      %dma_wait3A_189 = arith.constant 0 : i32
      %dma_wait3A_190 = tpu.memref_slice %arg19[%dma_wait3A_189, %mul3A_2] : memref<16x16384xf32, #tpu.memory_space<hbm>> -> memref<16x512xf32, #tpu.memory_space<hbm>>
      tpu.wait_dma2 semaphore(%run_scoped3A : memref<!tpu.dma_semaphore, #tpu.memory_space<semaphore_mem>>) src(%arg21 : memref<16x512xf32, #tpu.memory_space<vmem>>) dst(%dma_wait3A_190 : memref<16x512xf32, #tpu.memory_space<hbm>>)
      tpu.yield
    }) : () -> ()
    return
  }
}

module attributes {stable_mosaic.version = 14 : i64} {
  func.func @_delane_body(%arg0: i32, %arg1: memref<16x102400xf32, #tpu.memory_space<vmem>>, %arg2: memref<1024xf32, #tpu.memory_space<vmem>>, %arg3: memref<102400xf32, #tpu.memory_space<vmem>>, %arg4: memref<102400xf32, #tpu.memory_space<vmem>>, %arg5: memref<102400xf32, #tpu.memory_space<vmem>>, %arg6: memref<102400xf32, #tpu.memory_space<vmem>>, %arg7: memref<102400xf32, #tpu.memory_space<vmem>>, %arg8: memref<102400xf32, #tpu.memory_space<vmem>>, %arg9: memref<102400xf32, #tpu.memory_space<vmem>>, %arg10: memref<102400xf32, #tpu.memory_space<vmem>>, %arg11: memref<102400xf32, #tpu.memory_space<vmem>>, %arg12: memref<102400xf32, #tpu.memory_space<vmem>>, %arg13: memref<102400xf32, #tpu.memory_space<vmem>>, %arg14: memref<102400xf32, #tpu.memory_space<vmem>>, %arg15: memref<102400xf32, #tpu.memory_space<vmem>>, %arg16: memref<102400xf32, #tpu.memory_space<vmem>>, %arg17: memref<102400xf32, #tpu.memory_space<vmem>>, %arg18: memref<102400xf32, #tpu.memory_space<vmem>>) attributes {dimension_semantics = [#tpu.dimension_semantics<arbitrary>], iteration_bounds = array<i64: 10>, scalar_prefetch = 0 : i64, scratch_operands = 0 : i64, tpu.core_type = #tpu.core_type<tc>, window_params = [{transform_indices = @transform_0, window_bounds = array<i64: 16, 102400>}, {transform_indices = @transform_1, window_bounds = array<i64: 1024>}, {transform_indices = @transform_2, window_bounds = array<i64: 102400>}, {transform_indices = @transform_3, window_bounds = array<i64: 102400>}, {transform_indices = @transform_4, window_bounds = array<i64: 102400>}, {transform_indices = @transform_5, window_bounds = array<i64: 102400>}, {transform_indices = @transform_6, window_bounds = array<i64: 102400>}, {transform_indices = @transform_7, window_bounds = array<i64: 102400>}, {transform_indices = @transform_8, window_bounds = array<i64: 102400>}, {transform_indices = @transform_9, window_bounds = array<i64: 102400>}, {transform_indices = @transform_10, window_bounds = array<i64: 102400>}, {transform_indices = @transform_11, window_bounds = array<i64: 102400>}, {transform_indices = @transform_12, window_bounds = array<i64: 102400>}, {transform_indices = @transform_13, window_bounds = array<i64: 102400>}, {transform_indices = @transform_14, window_bounds = array<i64: 102400>}, {transform_indices = @transform_15, window_bounds = array<i64: 102400>}, {transform_indices = @transform_16, window_bounds = array<i64: 102400>}, {transform_indices = @transform_17, window_bounds = array<i64: 102400>}]} {
    %get3A = arith.constant 0 : index
    %get3A_0 = arith.constant 0 : index
    %get3A_1 = vector.load %arg1[%get3A, %get3A_0] : memref<16x102400xf32, #tpu.memory_space<vmem>>, vector<16x102400xf32>
    %slice3A = vector.extract_strided_slice %get3A_1 {offsets = [0, 0], sizes = [1, 102400], strides = [1, 1]} : vector<16x102400xf32> to vector<1x102400xf32>
    %squeeze3A = vector.shape_cast %slice3A : vector<1x102400xf32> to vector<102400xf32>
    %swap3A = arith.constant 0 : index
    %swap3A_2 = vector.load %arg3[%swap3A] : memref<102400xf32, #tpu.memory_space<vmem>>, vector<102400xf32>
    tpu.vector_store %arg3[%swap3A], %squeeze3A {strides = array<i32>} : memref<102400xf32, #tpu.memory_space<vmem>>, vector<102400xf32>,
    %slice3A_3 = vector.extract_strided_slice %get3A_1 {offsets = [1, 0], sizes = [1, 102400], strides = [1, 1]} : vector<16x102400xf32> to vector<1x102400xf32>
    %squeeze3A_4 = vector.shape_cast %slice3A_3 : vector<1x102400xf32> to vector<102400xf32>
    %swap3A_5 = arith.constant 0 : index
    %swap3A_6 = vector.load %arg4[%swap3A_5] : memref<102400xf32, #tpu.memory_space<vmem>>, vector<102400xf32>
    tpu.vector_store %arg4[%swap3A_5], %squeeze3A_4 {strides = array<i32>} : memref<102400xf32, #tpu.memory_space<vmem>>, vector<102400xf32>,
    %slice3A_7 = vector.extract_strided_slice %get3A_1 {offsets = [2, 0], sizes = [1, 102400], strides = [1, 1]} : vector<16x102400xf32> to vector<1x102400xf32>
    %squeeze3A_8 = vector.shape_cast %slice3A_7 : vector<1x102400xf32> to vector<102400xf32>
    %swap3A_9 = arith.constant 0 : index
    %swap3A_10 = vector.load %arg5[%swap3A_9] : memref<102400xf32, #tpu.memory_space<vmem>>, vector<102400xf32>
    tpu.vector_store %arg5[%swap3A_9], %squeeze3A_8 {strides = array<i32>} : memref<102400xf32, #tpu.memory_space<vmem>>, vector<102400xf32>,
    %slice3A_11 = vector.extract_strided_slice %get3A_1 {offsets = [3, 0], sizes = [1, 102400], strides = [1, 1]} : vector<16x102400xf32> to vector<1x102400xf32>
    %squeeze3A_12 = vector.shape_cast %slice3A_11 : vector<1x102400xf32> to vector<102400xf32>
    %swap3A_13 = arith.constant 0 : index
    %swap3A_14 = vector.load %arg6[%swap3A_13] : memref<102400xf32, #tpu.memory_space<vmem>>, vector<102400xf32>
    tpu.vector_store %arg6[%swap3A_13], %squeeze3A_12 {strides = array<i32>} : memref<102400xf32, #tpu.memory_space<vmem>>, vector<102400xf32>,
    %slice3A_15 = vector.extract_strided_slice %get3A_1 {offsets = [4, 0], sizes = [1, 102400], strides = [1, 1]} : vector<16x102400xf32> to vector<1x102400xf32>
    %squeeze3A_16 = vector.shape_cast %slice3A_15 : vector<1x102400xf32> to vector<102400xf32>
    %swap3A_17 = arith.constant 0 : index
    %swap3A_18 = vector.load %arg7[%swap3A_17] : memref<102400xf32, #tpu.memory_space<vmem>>, vector<102400xf32>
    tpu.vector_store %arg7[%swap3A_17], %squeeze3A_16 {strides = array<i32>} : memref<102400xf32, #tpu.memory_space<vmem>>, vector<102400xf32>,
    %slice3A_19 = vector.extract_strided_slice %get3A_1 {offsets = [5, 0], sizes = [1, 102400], strides = [1, 1]} : vector<16x102400xf32> to vector<1x102400xf32>
    %squeeze3A_20 = vector.shape_cast %slice3A_19 : vector<1x102400xf32> to vector<102400xf32>
    %swap3A_21 = arith.constant 0 : index
    %swap3A_22 = vector.load %arg8[%swap3A_21] : memref<102400xf32, #tpu.memory_space<vmem>>, vector<102400xf32>
    tpu.vector_store %arg8[%swap3A_21], %squeeze3A_20 {strides = array<i32>} : memref<102400xf32, #tpu.memory_space<vmem>>, vector<102400xf32>,
    %slice3A_23 = vector.extract_strided_slice %get3A_1 {offsets = [6, 0], sizes = [1, 102400], strides = [1, 1]} : vector<16x102400xf32> to vector<1x102400xf32>
    %squeeze3A_24 = vector.shape_cast %slice3A_23 : vector<1x102400xf32> to vector<102400xf32>
    %swap3A_25 = arith.constant 0 : index
    %swap3A_26 = vector.load %arg9[%swap3A_25] : memref<102400xf32, #tpu.memory_space<vmem>>, vector<102400xf32>
    tpu.vector_store %arg9[%swap3A_25], %squeeze3A_24 {strides = array<i32>} : memref<102400xf32, #tpu.memory_space<vmem>>, vector<102400xf32>,
    %slice3A_27 = vector.extract_strided_slice %get3A_1 {offsets = [7, 0], sizes = [1, 102400], strides = [1, 1]} : vector<16x102400xf32> to vector<1x102400xf32>
    %squeeze3A_28 = vector.shape_cast %slice3A_27 : vector<1x102400xf32> to vector<102400xf32>
    %swap3A_29 = arith.constant 0 : index
    %swap3A_30 = vector.load %arg10[%swap3A_29] : memref<102400xf32, #tpu.memory_space<vmem>>, vector<102400xf32>
    tpu.vector_store %arg10[%swap3A_29], %squeeze3A_28 {strides = array<i32>} : memref<102400xf32, #tpu.memory_space<vmem>>, vector<102400xf32>,
    %slice3A_31 = vector.extract_strided_slice %get3A_1 {offsets = [8, 0], sizes = [1, 102400], strides = [1, 1]} : vector<16x102400xf32> to vector<1x102400xf32>
    %squeeze3A_32 = vector.shape_cast %slice3A_31 : vector<1x102400xf32> to vector<102400xf32>
    %swap3A_33 = arith.constant 0 : index
    %swap3A_34 = vector.load %arg11[%swap3A_33] : memref<102400xf32, #tpu.memory_space<vmem>>, vector<102400xf32>
    tpu.vector_store %arg11[%swap3A_33], %squeeze3A_32 {strides = array<i32>} : memref<102400xf32, #tpu.memory_space<vmem>>, vector<102400xf32>,
    %slice3A_35 = vector.extract_strided_slice %get3A_1 {offsets = [9, 0], sizes = [1, 102400], strides = [1, 1]} : vector<16x102400xf32> to vector<1x102400xf32>
    %squeeze3A_36 = vector.shape_cast %slice3A_35 : vector<1x102400xf32> to vector<102400xf32>
    %swap3A_37 = arith.constant 0 : index
    %swap3A_38 = vector.load %arg12[%swap3A_37] : memref<102400xf32, #tpu.memory_space<vmem>>, vector<102400xf32>
    tpu.vector_store %arg12[%swap3A_37], %squeeze3A_36 {strides = array<i32>} : memref<102400xf32, #tpu.memory_space<vmem>>, vector<102400xf32>,
    %slice3A_39 = vector.extract_strided_slice %get3A_1 {offsets = [10, 0], sizes = [1, 102400], strides = [1, 1]} : vector<16x102400xf32> to vector<1x102400xf32>
    %squeeze3A_40 = vector.shape_cast %slice3A_39 : vector<1x102400xf32> to vector<102400xf32>
    %swap3A_41 = arith.constant 0 : index
    %swap3A_42 = vector.load %arg13[%swap3A_41] : memref<102400xf32, #tpu.memory_space<vmem>>, vector<102400xf32>
    tpu.vector_store %arg13[%swap3A_41], %squeeze3A_40 {strides = array<i32>} : memref<102400xf32, #tpu.memory_space<vmem>>, vector<102400xf32>,
    %slice3A_43 = vector.extract_strided_slice %get3A_1 {offsets = [11, 0], sizes = [1, 102400], strides = [1, 1]} : vector<16x102400xf32> to vector<1x102400xf32>
    %squeeze3A_44 = vector.shape_cast %slice3A_43 : vector<1x102400xf32> to vector<102400xf32>
    %swap3A_45 = arith.constant 0 : index
    %swap3A_46 = vector.load %arg14[%swap3A_45] : memref<102400xf32, #tpu.memory_space<vmem>>, vector<102400xf32>
    tpu.vector_store %arg14[%swap3A_45], %squeeze3A_44 {strides = array<i32>} : memref<102400xf32, #tpu.memory_space<vmem>>, vector<102400xf32>,
    %slice3A_47 = vector.extract_strided_slice %get3A_1 {offsets = [12, 0], sizes = [1, 102400], strides = [1, 1]} : vector<16x102400xf32> to vector<1x102400xf32>
    %squeeze3A_48 = vector.shape_cast %slice3A_47 : vector<1x102400xf32> to vector<102400xf32>
    %swap3A_49 = arith.constant 0 : index
    %swap3A_50 = vector.load %arg15[%swap3A_49] : memref<102400xf32, #tpu.memory_space<vmem>>, vector<102400xf32>
    tpu.vector_store %arg15[%swap3A_49], %squeeze3A_48 {strides = array<i32>} : memref<102400xf32, #tpu.memory_space<vmem>>, vector<102400xf32>,
    %slice3A_51 = vector.extract_strided_slice %get3A_1 {offsets = [13, 0], sizes = [1, 102400], strides = [1, 1]} : vector<16x102400xf32> to vector<1x102400xf32>
    %squeeze3A_52 = vector.shape_cast %slice3A_51 : vector<1x102400xf32> to vector<102400xf32>
    %swap3A_53 = arith.constant 0 : index
    %swap3A_54 = vector.load %arg16[%swap3A_53] : memref<102400xf32, #tpu.memory_space<vmem>>, vector<102400xf32>
    tpu.vector_store %arg16[%swap3A_53], %squeeze3A_52 {strides = array<i32>} : memref<102400xf32, #tpu.memory_space<vmem>>, vector<102400xf32>,
    %slice3A_55 = vector.extract_strided_slice %get3A_1 {offsets = [14, 0], sizes = [1, 102400], strides = [1, 1]} : vector<16x102400xf32> to vector<1x102400xf32>
    %squeeze3A_56 = vector.shape_cast %slice3A_55 : vector<1x102400xf32> to vector<102400xf32>
    %swap3A_57 = arith.constant 0 : index
    %swap3A_58 = vector.load %arg17[%swap3A_57] : memref<102400xf32, #tpu.memory_space<vmem>>, vector<102400xf32>
    tpu.vector_store %arg17[%swap3A_57], %squeeze3A_56 {strides = array<i32>} : memref<102400xf32, #tpu.memory_space<vmem>>, vector<102400xf32>,
    %slice3A_59 = vector.extract_strided_slice %get3A_1 {offsets = [15, 0], sizes = [1, 102400], strides = [1, 1]} : vector<16x102400xf32> to vector<1x102400xf32>
    %squeeze3A_60 = vector.shape_cast %slice3A_59 : vector<1x102400xf32> to vector<102400xf32>
    %swap3A_61 = arith.constant 0 : index
    %swap3A_62 = vector.load %arg18[%swap3A_61] : memref<102400xf32, #tpu.memory_space<vmem>>, vector<102400xf32>
    tpu.vector_store %arg18[%swap3A_61], %squeeze3A_60 {strides = array<i32>} : memref<102400xf32, #tpu.memory_space<vmem>>, vector<102400xf32>,
    return
  }
  func.func @transform_0(%arg0: i32) -> (i32, i32) {
    %c0_i32 = arith.constant 0 : i32
    %c0_i32_0 = arith.constant 0 : i32
    return %c0_i32, %arg0 : i32, i32
  }
  func.func @transform_1(%arg0: i32) -> i32 {
    %c0_i32 = arith.constant 0 : i32
    %c0_i32_0 = arith.constant 0 : i32
    return %c0_i32 : i32
  }
  func.func @transform_2(%arg0: i32) -> i32 {
    %c0_i32 = arith.constant 0 : i32
    return %arg0 : i32
  }
  func.func @transform_3(%arg0: i32) -> i32 {
    %c0_i32 = arith.constant 0 : i32
    return %arg0 : i32
  }
  func.func @transform_4(%arg0: i32) -> i32 {
    %c0_i32 = arith.constant 0 : i32
    return %arg0 : i32
  }
  func.func @transform_5(%arg0: i32) -> i32 {
    %c0_i32 = arith.constant 0 : i32
    return %arg0 : i32
  }
  func.func @transform_6(%arg0: i32) -> i32 {
    %c0_i32 = arith.constant 0 : i32
    return %arg0 : i32
  }
  func.func @transform_7(%arg0: i32) -> i32 {
    %c0_i32 = arith.constant 0 : i32
    return %arg0 : i32
  }
  func.func @transform_8(%arg0: i32) -> i32 {
    %c0_i32 = arith.constant 0 : i32
    return %arg0 : i32
  }
  func.func @transform_9(%arg0: i32) -> i32 {
    %c0_i32 = arith.constant 0 : i32
    return %arg0 : i32
  }
  func.func @transform_10(%arg0: i32) -> i32 {
    %c0_i32 = arith.constant 0 : i32
    return %arg0 : i32
  }
  func.func @transform_11(%arg0: i32) -> i32 {
    %c0_i32 = arith.constant 0 : i32
    return %arg0 : i32
  }
  func.func @transform_12(%arg0: i32) -> i32 {
    %c0_i32 = arith.constant 0 : i32
    return %arg0 : i32
  }
  func.func @transform_13(%arg0: i32) -> i32 {
    %c0_i32 = arith.constant 0 : i32
    return %arg0 : i32
  }
  func.func @transform_14(%arg0: i32) -> i32 {
    %c0_i32 = arith.constant 0 : i32
    return %arg0 : i32
  }
  func.func @transform_15(%arg0: i32) -> i32 {
    %c0_i32 = arith.constant 0 : i32
    return %arg0 : i32
  }
  func.func @transform_16(%arg0: i32) -> i32 {
    %c0_i32 = arith.constant 0 : i32
    return %arg0 : i32
  }
  func.func @transform_17(%arg0: i32) -> i32 {
    %c0_i32 = arith.constant 0 : i32
    return %arg0 : i32
  }
}

module attributes {stable_mosaic.version = 14 : i64} {
  func.func @_delane_body(%arg0: i32, %arg1: memref<16x50176xf32, #tpu.memory_space<vmem>>, %arg2: memref<50176xf32, #tpu.memory_space<vmem>>, %arg3: memref<50176xf32, #tpu.memory_space<vmem>>, %arg4: memref<50176xf32, #tpu.memory_space<vmem>>, %arg5: memref<50176xf32, #tpu.memory_space<vmem>>, %arg6: memref<50176xf32, #tpu.memory_space<vmem>>, %arg7: memref<50176xf32, #tpu.memory_space<vmem>>, %arg8: memref<50176xf32, #tpu.memory_space<vmem>>, %arg9: memref<50176xf32, #tpu.memory_space<vmem>>, %arg10: memref<50176xf32, #tpu.memory_space<vmem>>, %arg11: memref<50176xf32, #tpu.memory_space<vmem>>, %arg12: memref<50176xf32, #tpu.memory_space<vmem>>, %arg13: memref<50176xf32, #tpu.memory_space<vmem>>, %arg14: memref<50176xf32, #tpu.memory_space<vmem>>, %arg15: memref<50176xf32, #tpu.memory_space<vmem>>, %arg16: memref<50176xf32, #tpu.memory_space<vmem>>, %arg17: memref<50176xf32, #tpu.memory_space<vmem>>) attributes {dimension_semantics = [#tpu.dimension_semantics<arbitrary>], iteration_bounds = array<i64: 2>, scalar_prefetch = 0 : i64, scratch_operands = 0 : i64, tpu.core_type = #tpu.core_type<tc>, window_params = [{transform_indices = @transform_0, window_bounds = array<i64: 16, 50176>}, {transform_indices = @transform_1, window_bounds = array<i64: 50176>}, {transform_indices = @transform_2, window_bounds = array<i64: 50176>}, {transform_indices = @transform_3, window_bounds = array<i64: 50176>}, {transform_indices = @transform_4, window_bounds = array<i64: 50176>}, {transform_indices = @transform_5, window_bounds = array<i64: 50176>}, {transform_indices = @transform_6, window_bounds = array<i64: 50176>}, {transform_indices = @transform_7, window_bounds = array<i64: 50176>}, {transform_indices = @transform_8, window_bounds = array<i64: 50176>}, {transform_indices = @transform_9, window_bounds = array<i64: 50176>}, {transform_indices = @transform_10, window_bounds = array<i64: 50176>}, {transform_indices = @transform_11, window_bounds = array<i64: 50176>}, {transform_indices = @transform_12, window_bounds = array<i64: 50176>}, {transform_indices = @transform_13, window_bounds = array<i64: 50176>}, {transform_indices = @transform_14, window_bounds = array<i64: 50176>}, {transform_indices = @transform_15, window_bounds = array<i64: 50176>}, {transform_indices = @transform_16, window_bounds = array<i64: 50176>}]} {
    %get3A = arith.constant 0 : index
    %get3A_0 = arith.constant 0 : index
    %get3A_1 = vector.load %arg1[%get3A, %get3A_0] : memref<16x50176xf32, #tpu.memory_space<vmem>>, vector<16x50176xf32>
    %slice3A = vector.extract_strided_slice %get3A_1 {offsets = [0, 0], sizes = [1, 50176], strides = [1, 1]} : vector<16x50176xf32> to vector<1x50176xf32>
    %squeeze3A = vector.shape_cast %slice3A : vector<1x50176xf32> to vector<50176xf32>
    %swap3A = arith.constant 0 : index
    %swap3A_2 = vector.load %arg2[%swap3A] : memref<50176xf32, #tpu.memory_space<vmem>>, vector<50176xf32>
    tpu.vector_store %arg2[%swap3A], %squeeze3A {strides = array<i32>} : memref<50176xf32, #tpu.memory_space<vmem>>, vector<50176xf32>,
    %slice3A_3 = vector.extract_strided_slice %get3A_1 {offsets = [1, 0], sizes = [1, 50176], strides = [1, 1]} : vector<16x50176xf32> to vector<1x50176xf32>
    %squeeze3A_4 = vector.shape_cast %slice3A_3 : vector<1x50176xf32> to vector<50176xf32>
    %swap3A_5 = arith.constant 0 : index
    %swap3A_6 = vector.load %arg3[%swap3A_5] : memref<50176xf32, #tpu.memory_space<vmem>>, vector<50176xf32>
    tpu.vector_store %arg3[%swap3A_5], %squeeze3A_4 {strides = array<i32>} : memref<50176xf32, #tpu.memory_space<vmem>>, vector<50176xf32>,
    %slice3A_7 = vector.extract_strided_slice %get3A_1 {offsets = [2, 0], sizes = [1, 50176], strides = [1, 1]} : vector<16x50176xf32> to vector<1x50176xf32>
    %squeeze3A_8 = vector.shape_cast %slice3A_7 : vector<1x50176xf32> to vector<50176xf32>
    %swap3A_9 = arith.constant 0 : index
    %swap3A_10 = vector.load %arg4[%swap3A_9] : memref<50176xf32, #tpu.memory_space<vmem>>, vector<50176xf32>
    tpu.vector_store %arg4[%swap3A_9], %squeeze3A_8 {strides = array<i32>} : memref<50176xf32, #tpu.memory_space<vmem>>, vector<50176xf32>,
    %slice3A_11 = vector.extract_strided_slice %get3A_1 {offsets = [3, 0], sizes = [1, 50176], strides = [1, 1]} : vector<16x50176xf32> to vector<1x50176xf32>
    %squeeze3A_12 = vector.shape_cast %slice3A_11 : vector<1x50176xf32> to vector<50176xf32>
    %swap3A_13 = arith.constant 0 : index
    %swap3A_14 = vector.load %arg5[%swap3A_13] : memref<50176xf32, #tpu.memory_space<vmem>>, vector<50176xf32>
    tpu.vector_store %arg5[%swap3A_13], %squeeze3A_12 {strides = array<i32>} : memref<50176xf32, #tpu.memory_space<vmem>>, vector<50176xf32>,
    %slice3A_15 = vector.extract_strided_slice %get3A_1 {offsets = [4, 0], sizes = [1, 50176], strides = [1, 1]} : vector<16x50176xf32> to vector<1x50176xf32>
    %squeeze3A_16 = vector.shape_cast %slice3A_15 : vector<1x50176xf32> to vector<50176xf32>
    %swap3A_17 = arith.constant 0 : index
    %swap3A_18 = vector.load %arg6[%swap3A_17] : memref<50176xf32, #tpu.memory_space<vmem>>, vector<50176xf32>
    tpu.vector_store %arg6[%swap3A_17], %squeeze3A_16 {strides = array<i32>} : memref<50176xf32, #tpu.memory_space<vmem>>, vector<50176xf32>,
    %slice3A_19 = vector.extract_strided_slice %get3A_1 {offsets = [5, 0], sizes = [1, 50176], strides = [1, 1]} : vector<16x50176xf32> to vector<1x50176xf32>
    %squeeze3A_20 = vector.shape_cast %slice3A_19 : vector<1x50176xf32> to vector<50176xf32>
    %swap3A_21 = arith.constant 0 : index
    %swap3A_22 = vector.load %arg7[%swap3A_21] : memref<50176xf32, #tpu.memory_space<vmem>>, vector<50176xf32>
    tpu.vector_store %arg7[%swap3A_21], %squeeze3A_20 {strides = array<i32>} : memref<50176xf32, #tpu.memory_space<vmem>>, vector<50176xf32>,
    %slice3A_23 = vector.extract_strided_slice %get3A_1 {offsets = [6, 0], sizes = [1, 50176], strides = [1, 1]} : vector<16x50176xf32> to vector<1x50176xf32>
    %squeeze3A_24 = vector.shape_cast %slice3A_23 : vector<1x50176xf32> to vector<50176xf32>
    %swap3A_25 = arith.constant 0 : index
    %swap3A_26 = vector.load %arg8[%swap3A_25] : memref<50176xf32, #tpu.memory_space<vmem>>, vector<50176xf32>
    tpu.vector_store %arg8[%swap3A_25], %squeeze3A_24 {strides = array<i32>} : memref<50176xf32, #tpu.memory_space<vmem>>, vector<50176xf32>,
    %slice3A_27 = vector.extract_strided_slice %get3A_1 {offsets = [7, 0], sizes = [1, 50176], strides = [1, 1]} : vector<16x50176xf32> to vector<1x50176xf32>
    %squeeze3A_28 = vector.shape_cast %slice3A_27 : vector<1x50176xf32> to vector<50176xf32>
    %swap3A_29 = arith.constant 0 : index
    %swap3A_30 = vector.load %arg9[%swap3A_29] : memref<50176xf32, #tpu.memory_space<vmem>>, vector<50176xf32>
    tpu.vector_store %arg9[%swap3A_29], %squeeze3A_28 {strides = array<i32>} : memref<50176xf32, #tpu.memory_space<vmem>>, vector<50176xf32>,
    %slice3A_31 = vector.extract_strided_slice %get3A_1 {offsets = [8, 0], sizes = [1, 50176], strides = [1, 1]} : vector<16x50176xf32> to vector<1x50176xf32>
    %squeeze3A_32 = vector.shape_cast %slice3A_31 : vector<1x50176xf32> to vector<50176xf32>
    %swap3A_33 = arith.constant 0 : index
    %swap3A_34 = vector.load %arg10[%swap3A_33] : memref<50176xf32, #tpu.memory_space<vmem>>, vector<50176xf32>
    tpu.vector_store %arg10[%swap3A_33], %squeeze3A_32 {strides = array<i32>} : memref<50176xf32, #tpu.memory_space<vmem>>, vector<50176xf32>,
    %slice3A_35 = vector.extract_strided_slice %get3A_1 {offsets = [9, 0], sizes = [1, 50176], strides = [1, 1]} : vector<16x50176xf32> to vector<1x50176xf32>
    %squeeze3A_36 = vector.shape_cast %slice3A_35 : vector<1x50176xf32> to vector<50176xf32>
    %swap3A_37 = arith.constant 0 : index
    %swap3A_38 = vector.load %arg11[%swap3A_37] : memref<50176xf32, #tpu.memory_space<vmem>>, vector<50176xf32>
    tpu.vector_store %arg11[%swap3A_37], %squeeze3A_36 {strides = array<i32>} : memref<50176xf32, #tpu.memory_space<vmem>>, vector<50176xf32>,
    %slice3A_39 = vector.extract_strided_slice %get3A_1 {offsets = [10, 0], sizes = [1, 50176], strides = [1, 1]} : vector<16x50176xf32> to vector<1x50176xf32>
    %squeeze3A_40 = vector.shape_cast %slice3A_39 : vector<1x50176xf32> to vector<50176xf32>
    %swap3A_41 = arith.constant 0 : index
    %swap3A_42 = vector.load %arg12[%swap3A_41] : memref<50176xf32, #tpu.memory_space<vmem>>, vector<50176xf32>
    tpu.vector_store %arg12[%swap3A_41], %squeeze3A_40 {strides = array<i32>} : memref<50176xf32, #tpu.memory_space<vmem>>, vector<50176xf32>,
    %slice3A_43 = vector.extract_strided_slice %get3A_1 {offsets = [11, 0], sizes = [1, 50176], strides = [1, 1]} : vector<16x50176xf32> to vector<1x50176xf32>
    %squeeze3A_44 = vector.shape_cast %slice3A_43 : vector<1x50176xf32> to vector<50176xf32>
    %swap3A_45 = arith.constant 0 : index
    %swap3A_46 = vector.load %arg13[%swap3A_45] : memref<50176xf32, #tpu.memory_space<vmem>>, vector<50176xf32>
    tpu.vector_store %arg13[%swap3A_45], %squeeze3A_44 {strides = array<i32>} : memref<50176xf32, #tpu.memory_space<vmem>>, vector<50176xf32>,
    %slice3A_47 = vector.extract_strided_slice %get3A_1 {offsets = [12, 0], sizes = [1, 50176], strides = [1, 1]} : vector<16x50176xf32> to vector<1x50176xf32>
    %squeeze3A_48 = vector.shape_cast %slice3A_47 : vector<1x50176xf32> to vector<50176xf32>
    %swap3A_49 = arith.constant 0 : index
    %swap3A_50 = vector.load %arg14[%swap3A_49] : memref<50176xf32, #tpu.memory_space<vmem>>, vector<50176xf32>
    tpu.vector_store %arg14[%swap3A_49], %squeeze3A_48 {strides = array<i32>} : memref<50176xf32, #tpu.memory_space<vmem>>, vector<50176xf32>,
    %slice3A_51 = vector.extract_strided_slice %get3A_1 {offsets = [13, 0], sizes = [1, 50176], strides = [1, 1]} : vector<16x50176xf32> to vector<1x50176xf32>
    %squeeze3A_52 = vector.shape_cast %slice3A_51 : vector<1x50176xf32> to vector<50176xf32>
    %swap3A_53 = arith.constant 0 : index
    %swap3A_54 = vector.load %arg15[%swap3A_53] : memref<50176xf32, #tpu.memory_space<vmem>>, vector<50176xf32>
    tpu.vector_store %arg15[%swap3A_53], %squeeze3A_52 {strides = array<i32>} : memref<50176xf32, #tpu.memory_space<vmem>>, vector<50176xf32>,
    %slice3A_55 = vector.extract_strided_slice %get3A_1 {offsets = [14, 0], sizes = [1, 50176], strides = [1, 1]} : vector<16x50176xf32> to vector<1x50176xf32>
    %squeeze3A_56 = vector.shape_cast %slice3A_55 : vector<1x50176xf32> to vector<50176xf32>
    %swap3A_57 = arith.constant 0 : index
    %swap3A_58 = vector.load %arg16[%swap3A_57] : memref<50176xf32, #tpu.memory_space<vmem>>, vector<50176xf32>
    tpu.vector_store %arg16[%swap3A_57], %squeeze3A_56 {strides = array<i32>} : memref<50176xf32, #tpu.memory_space<vmem>>, vector<50176xf32>,
    %slice3A_59 = vector.extract_strided_slice %get3A_1 {offsets = [15, 0], sizes = [1, 50176], strides = [1, 1]} : vector<16x50176xf32> to vector<1x50176xf32>
    %squeeze3A_60 = vector.shape_cast %slice3A_59 : vector<1x50176xf32> to vector<50176xf32>
    %swap3A_61 = arith.constant 0 : index
    %swap3A_62 = vector.load %arg17[%swap3A_61] : memref<50176xf32, #tpu.memory_space<vmem>>, vector<50176xf32>
    tpu.vector_store %arg17[%swap3A_61], %squeeze3A_60 {strides = array<i32>} : memref<50176xf32, #tpu.memory_space<vmem>>, vector<50176xf32>,
    return
  }
  func.func @transform_0(%arg0: i32) -> (i32, i32) {
    %c0_i32 = arith.constant 0 : i32
    %c0_i32_0 = arith.constant 0 : i32
    return %c0_i32, %arg0 : i32, i32
  }
  func.func @transform_1(%arg0: i32) -> i32 {
    %c0_i32 = arith.constant 0 : i32
    return %arg0 : i32
  }
  func.func @transform_2(%arg0: i32) -> i32 {
    %c0_i32 = arith.constant 0 : i32
    return %arg0 : i32
  }
  func.func @transform_3(%arg0: i32) -> i32 {
    %c0_i32 = arith.constant 0 : i32
    return %arg0 : i32
  }
  func.func @transform_4(%arg0: i32) -> i32 {
    %c0_i32 = arith.constant 0 : i32
    return %arg0 : i32
  }
  func.func @transform_5(%arg0: i32) -> i32 {
    %c0_i32 = arith.constant 0 : i32
    return %arg0 : i32
  }
  func.func @transform_6(%arg0: i32) -> i32 {
    %c0_i32 = arith.constant 0 : i32
    return %arg0 : i32
  }
  func.func @transform_7(%arg0: i32) -> i32 {
    %c0_i32 = arith.constant 0 : i32
    return %arg0 : i32
  }
  func.func @transform_8(%arg0: i32) -> i32 {
    %c0_i32 = arith.constant 0 : i32
    return %arg0 : i32
  }
  func.func @transform_9(%arg0: i32) -> i32 {
    %c0_i32 = arith.constant 0 : i32
    return %arg0 : i32
  }
  func.func @transform_10(%arg0: i32) -> i32 {
    %c0_i32 = arith.constant 0 : i32
    return %arg0 : i32
  }
  func.func @transform_11(%arg0: i32) -> i32 {
    %c0_i32 = arith.constant 0 : i32
    return %arg0 : i32
  }
  func.func @transform_12(%arg0: i32) -> i32 {
    %c0_i32 = arith.constant 0 : i32
    return %arg0 : i32
  }
  func.func @transform_13(%arg0: i32) -> i32 {
    %c0_i32 = arith.constant 0 : i32
    return %arg0 : i32
  }
  func.func @transform_14(%arg0: i32) -> i32 {
    %c0_i32 = arith.constant 0 : i32
    return %arg0 : i32
  }
  func.func @transform_15(%arg0: i32) -> i32 {
    %c0_i32 = arith.constant 0 : i32
    return %arg0 : i32
  }
  func.func @transform_16(%arg0: i32) -> i32 {
    %c0_i32 = arith.constant 0 : i32
    return %arg0 : i32
  }
}

module attributes {stable_mosaic.version = 14 : i64} {
  func.func @_mlp_body(%arg0: i32, %arg1: memref<2x2048xf32, #tpu.memory_space<vmem>>, %arg2: memref<16x2048xf32, #tpu.memory_space<vmem>>, %arg3: memref<16x2048xf32, #tpu.memory_space<vmem>>, %arg4: memref<32x34xf32, #tpu.memory_space<vmem>>, %arg5: memref<32x1xf32, #tpu.memory_space<vmem>>, %arg6: memref<32x1xf32, #tpu.memory_space<vmem>>, %arg7: memref<32x1xf32, #tpu.memory_space<vmem>>, %arg8: memref<16x32xf32, #tpu.memory_space<vmem>>, %arg9: memref<16x1xf32, #tpu.memory_space<vmem>>, %arg10: memref<16x1xf32, #tpu.memory_space<vmem>>, %arg11: memref<16x1xf32, #tpu.memory_space<vmem>>, %arg12: memref<16x1xf32, #tpu.memory_space<vmem>>, %arg13: memref<1x1xf32, #tpu.memory_space<vmem>>, %arg14: memref<1x2048xf32, #tpu.memory_space<vmem>>) attributes {dimension_semantics = [#tpu.dimension_semantics<arbitrary>], iteration_bounds = array<i64: 8>, scalar_prefetch = 0 : i64, scratch_operands = 0 : i64, tpu.core_type = #tpu.core_type<tc>, window_params = [{transform_indices = @transform_0, window_bounds = array<i64: 2, 2048>}, {transform_indices = @transform_1, window_bounds = array<i64: 16, 2048>}, {transform_indices = @transform_2, window_bounds = array<i64: 16, 2048>}, {pipeline_mode = #tpu.pipeline_mode<synchronous>, transform_indices = @transform_3, window_bounds = array<i64: 32, 34>}, {pipeline_mode = #tpu.pipeline_mode<synchronous>, transform_indices = @transform_4, window_bounds = array<i64: 32, 1>}, {pipeline_mode = #tpu.pipeline_mode<synchronous>, transform_indices = @transform_5, window_bounds = array<i64: 32, 1>}, {pipeline_mode = #tpu.pipeline_mode<synchronous>, transform_indices = @transform_6, window_bounds = array<i64: 32, 1>}, {pipeline_mode = #tpu.pipeline_mode<synchronous>, transform_indices = @transform_7, window_bounds = array<i64: 16, 32>}, {pipeline_mode = #tpu.pipeline_mode<synchronous>, transform_indices = @transform_8, window_bounds = array<i64: 16, 1>}, {pipeline_mode = #tpu.pipeline_mode<synchronous>, transform_indices = @transform_9, window_bounds = array<i64: 16, 1>}, {pipeline_mode = #tpu.pipeline_mode<synchronous>, transform_indices = @transform_10, window_bounds = array<i64: 16, 1>}, {pipeline_mode = #tpu.pipeline_mode<synchronous>, transform_indices = @transform_11, window_bounds = array<i64: 16, 1>}, {pipeline_mode = #tpu.pipeline_mode<synchronous>, transform_indices = @transform_12, window_bounds = array<i64: 1, 1>}, {transform_indices = @transform_13, window_bounds = array<i64: 1, 2048>}]} {
    %get3A = arith.constant 0 : index
    %get3A_0 = arith.constant 0 : index
    %get3A_1 = vector.load %arg1[%get3A, %get3A_0] : memref<2x2048xf32, #tpu.memory_space<vmem>>, vector<2x2048xf32>
    %get3A_2 = arith.constant 0 : index
    %get3A_3 = arith.constant 0 : index
    %get3A_4 = vector.load %arg2[%get3A_2, %get3A_3] : memref<16x2048xf32, #tpu.memory_space<vmem>>, vector<16x2048xf32>
    %get3A_5 = arith.constant 0 : index
    %get3A_6 = arith.constant 0 : index
    %get3A_7 = vector.load %arg3[%get3A_5, %get3A_6] : memref<16x2048xf32, #tpu.memory_space<vmem>>, vector<16x2048xf32>
    %get3A_8 = arith.constant 0 : index
    %get3A_9 = arith.constant 0 : index
    %get3A_10 = vector.load %arg4[%get3A_8, %get3A_9] : memref<32x34xf32, #tpu.memory_space<vmem>>, vector<32x34xf32>
    %slice3A = vector.extract_strided_slice %get3A_10 {offsets = [0, 0], sizes = [32, 1], strides = [1, 1]} : vector<32x34xf32> to vector<32x1xf32>
    %slice3A_11 = vector.extract_strided_slice %get3A_1 {offsets = [0, 0], sizes = [1, 2048], strides = [1, 1]} : vector<2x2048xf32> to vector<1x2048xf32>
    %mul3A = vector.broadcast %slice3A : vector<32x1xf32> to vector<32x2048xf32>
    %mul3A_12 = vector.broadcast %slice3A_11 : vector<1x2048xf32> to vector<32x2048xf32>
    %mul3A_13 = arith.mulf %mul3A, %mul3A_12 : vector<32x2048xf32>
    %slice3A_14 = vector.extract_strided_slice %get3A_10 {offsets = [0, 1], sizes = [32, 1], strides = [1, 1]} : vector<32x34xf32> to vector<32x1xf32>
    %slice3A_15 = vector.extract_strided_slice %get3A_1 {offsets = [1, 0], sizes = [1, 2048], strides = [1, 1]} : vector<2x2048xf32> to vector<1x2048xf32>
    %mul3A_16 = vector.broadcast %slice3A_14 : vector<32x1xf32> to vector<32x2048xf32>
    %mul3A_17 = vector.broadcast %slice3A_15 : vector<1x2048xf32> to vector<32x2048xf32>
    %mul3A_18 = arith.mulf %mul3A_16, %mul3A_17 : vector<32x2048xf32>
    %add3A = arith.addf %mul3A_13, %mul3A_18 : vector<32x2048xf32>
    %slice3A_19 = vector.extract_strided_slice %get3A_10 {offsets = [0, 2], sizes = [32, 16], strides = [1, 1]} : vector<32x34xf32> to vector<32x16xf32>
    %dot_general3A = arith.constant dense<0.000000e+00> : vector<32x2048xf32>
    %dot_general3A_20 = tpu.matmul %slice3A_19, %get3A_4, %dot_general3A {dimension_numbers = #tpu.dot_dimension_numbers<[1], [0], [0], [1], [0, 0, 1, 1], [], []>, precision = #tpu.contract_precision<fp32>, transpose_lhs_hint = false} : vector<32x16xf32>, vector<16x2048xf32>, vector<32x2048xf32> -> vector<32x2048xf32>
    %add3A_21 = arith.addf %add3A, %dot_general3A_20 : vector<32x2048xf32>
    %slice3A_22 = vector.extract_strided_slice %get3A_10 {offsets = [0, 18], sizes = [32, 16], strides = [1, 1]} : vector<32x34xf32> to vector<32x16xf32>
    %dot_general3A_23 = arith.constant dense<0.000000e+00> : vector<32x2048xf32>
    %dot_general3A_24 = tpu.matmul %slice3A_22, %get3A_7, %dot_general3A_23 {dimension_numbers = #tpu.dot_dimension_numbers<[1], [0], [0], [1], [0, 0, 1, 1], [], []>, precision = #tpu.contract_precision<fp32>, transpose_lhs_hint = false} : vector<32x16xf32>, vector<16x2048xf32>, vector<32x2048xf32> -> vector<32x2048xf32>
    %add3A_25 = arith.addf %add3A_21, %dot_general3A_24 : vector<32x2048xf32>
    %get3A_26 = arith.constant 0 : index
    %get3A_27 = arith.constant 0 : index
    %get3A_28 = vector.load %arg5[%get3A_26, %get3A_27] : memref<32x1xf32, #tpu.memory_space<vmem>>, vector<32x1xf32>
    %add3A_29 = vector.broadcast %get3A_28 : vector<32x1xf32> to vector<32x2048xf32>
    %add3A_30 = arith.addf %add3A_25, %add3A_29 : vector<32x2048xf32>
    %get3A_31 = arith.constant 0 : index
    %get3A_32 = arith.constant 0 : index
    %get3A_33 = vector.load %arg6[%get3A_31, %get3A_32] : memref<32x1xf32, #tpu.memory_space<vmem>>, vector<32x1xf32>
    %get3A_34 = arith.constant 0 : index
    %get3A_35 = arith.constant 0 : index
    %get3A_36 = vector.load %arg7[%get3A_34, %get3A_35] : memref<32x1xf32, #tpu.memory_space<vmem>>, vector<32x1xf32>
    %reduce_sum3A = arith.constant dense<0.000000e+00> : vector<2048xf32>
    %reduce_sum3A_37 = vector.multi_reduction <add>, %add3A_30, %reduce_sum3A [0] : vector<32x2048xf32> to vector<2048xf32>
    %broadcast_in_dim3A = vector.shape_cast %reduce_sum3A_37 : vector<2048xf32> to vector<1x2048xf32>
    %div3A = arith.constant 3.200000e+01 : f32
    %div3A_38 = vector.broadcast %div3A : f32 to vector<1x2048xf32>
    %div3A_39 = arith.divf %broadcast_in_dim3A, %div3A_38 : vector<1x2048xf32>
    %sub3A = vector.broadcast %div3A_39 : vector<1x2048xf32> to vector<32x2048xf32>
    %sub3A_40 = arith.subf %add3A_30, %sub3A : vector<32x2048xf32>
    %integer_pow3A = arith.mulf %sub3A_40, %sub3A_40 : vector<32x2048xf32>
    %reduce_sum3A_41 = arith.constant dense<0.000000e+00> : vector<2048xf32>
    %reduce_sum3A_42 = vector.multi_reduction <add>, %integer_pow3A, %reduce_sum3A_41 [0] : vector<32x2048xf32> to vector<2048xf32>
    %broadcast_in_dim3A_43 = vector.shape_cast %reduce_sum3A_42 : vector<2048xf32> to vector<1x2048xf32>
    %div3A_44 = arith.constant 3.200000e+01 : f32
    %div3A_45 = vector.broadcast %div3A_44 : f32 to vector<1x2048xf32>
    %div3A_46 = arith.divf %broadcast_in_dim3A_43, %div3A_45 : vector<1x2048xf32>
    %sub3A_47 = vector.broadcast %div3A_39 : vector<1x2048xf32> to vector<32x2048xf32>
    %sub3A_48 = arith.subf %add3A_30, %sub3A_47 : vector<32x2048xf32>
    %add3A_49 = arith.constant 9.99999974E-6 : f32
    %add3A_50 = vector.broadcast %add3A_49 : f32 to vector<1x2048xf32>
    %add3A_51 = arith.addf %div3A_46, %add3A_50 : vector<1x2048xf32>
    %sqrt3A = math.sqrt %add3A_51 : vector<1x2048xf32>
    %div3A_52 = vector.broadcast %sqrt3A : vector<1x2048xf32> to vector<32x2048xf32>
    %div3A_53 = arith.divf %sub3A_48, %div3A_52 : vector<32x2048xf32>
    %mul3A_54 = vector.broadcast %get3A_33 : vector<32x1xf32> to vector<32x2048xf32>
    %mul3A_55 = arith.mulf %div3A_53, %mul3A_54 : vector<32x2048xf32>
    %add3A_56 = vector.broadcast %get3A_36 : vector<32x1xf32> to vector<32x2048xf32>
    %add3A_57 = arith.addf %mul3A_55, %add3A_56 : vector<32x2048xf32>
    %mul3A_58 = arith.constant 5.000000e-01 : f32
    %mul3A_59 = vector.broadcast %mul3A_58 : f32 to vector<32x2048xf32>
    %mul3A_60 = arith.mulf %add3A_57, %mul3A_59 : vector<32x2048xf32>
    %mul3A_61 = arith.constant 0.707106769 : f32
    %mul3A_62 = vector.broadcast %mul3A_61 : f32 to vector<32x2048xf32>
    %mul3A_63 = arith.mulf %add3A_57, %mul3A_62 : vector<32x2048xf32>
    %erf3A = math.erf %mul3A_63 : vector<32x2048xf32>
    %add3A_64 = arith.constant 1.000000e+00 : f32
    %add3A_65 = vector.broadcast %add3A_64 : f32 to vector<32x2048xf32>
    %add3A_66 = arith.addf %add3A_65, %erf3A : vector<32x2048xf32>
    %mul3A_67 = arith.mulf %mul3A_60, %add3A_66 : vector<32x2048xf32>
    %get3A_68 = arith.constant 0 : index
    %get3A_69 = arith.constant 0 : index
    %get3A_70 = vector.load %arg8[%get3A_68, %get3A_69] : memref<16x32xf32, #tpu.memory_space<vmem>>, vector<16x32xf32>
    %dot_general3A_71 = arith.constant dense<0.000000e+00> : vector<16x2048xf32>
    %dot_general3A_72 = tpu.matmul %get3A_70, %mul3A_67, %dot_general3A_71 {dimension_numbers = #tpu.dot_dimension_numbers<[1], [0], [0], [1], [0, 0, 1, 1], [], []>, precision = #tpu.contract_precision<fp32>, transpose_lhs_hint = false} : vector<16x32xf32>, vector<32x2048xf32>, vector<16x2048xf32> -> vector<16x2048xf32>
    %get3A_73 = arith.constant 0 : index
    %get3A_74 = arith.constant 0 : index
    %get3A_75 = vector.load %arg9[%get3A_73, %get3A_74] : memref<16x1xf32, #tpu.memory_space<vmem>>, vector<16x1xf32>
    %add3A_76 = vector.broadcast %get3A_75 : vector<16x1xf32> to vector<16x2048xf32>
    %add3A_77 = arith.addf %dot_general3A_72, %add3A_76 : vector<16x2048xf32>
    %get3A_78 = arith.constant 0 : index
    %get3A_79 = arith.constant 0 : index
    %get3A_80 = vector.load %arg10[%get3A_78, %get3A_79] : memref<16x1xf32, #tpu.memory_space<vmem>>, vector<16x1xf32>
    %get3A_81 = arith.constant 0 : index
    %get3A_82 = arith.constant 0 : index
    %get3A_83 = vector.load %arg11[%get3A_81, %get3A_82] : memref<16x1xf32, #tpu.memory_space<vmem>>, vector<16x1xf32>
    %reduce_sum3A_84 = arith.constant dense<0.000000e+00> : vector<2048xf32>
    %reduce_sum3A_85 = vector.multi_reduction <add>, %add3A_77, %reduce_sum3A_84 [0] : vector<16x2048xf32> to vector<2048xf32>
    %broadcast_in_dim3A_86 = vector.shape_cast %reduce_sum3A_85 : vector<2048xf32> to vector<1x2048xf32>
    %div3A_87 = arith.constant 1.600000e+01 : f32
    %div3A_88 = vector.broadcast %div3A_87 : f32 to vector<1x2048xf32>
    %div3A_89 = arith.divf %broadcast_in_dim3A_86, %div3A_88 : vector<1x2048xf32>
    %sub3A_90 = vector.broadcast %div3A_89 : vector<1x2048xf32> to vector<16x2048xf32>
    %sub3A_91 = arith.subf %add3A_77, %sub3A_90 : vector<16x2048xf32>
    %integer_pow3A_92 = arith.mulf %sub3A_91, %sub3A_91 : vector<16x2048xf32>
    %reduce_sum3A_93 = arith.constant dense<0.000000e+00> : vector<2048xf32>
    %reduce_sum3A_94 = vector.multi_reduction <add>, %integer_pow3A_92, %reduce_sum3A_93 [0] : vector<16x2048xf32> to vector<2048xf32>
    %broadcast_in_dim3A_95 = vector.shape_cast %reduce_sum3A_94 : vector<2048xf32> to vector<1x2048xf32>
    %div3A_96 = arith.constant 1.600000e+01 : f32
    %div3A_97 = vector.broadcast %div3A_96 : f32 to vector<1x2048xf32>
    %div3A_98 = arith.divf %broadcast_in_dim3A_95, %div3A_97 : vector<1x2048xf32>
    %sub3A_99 = vector.broadcast %div3A_89 : vector<1x2048xf32> to vector<16x2048xf32>
    %sub3A_100 = arith.subf %add3A_77, %sub3A_99 : vector<16x2048xf32>
    %add3A_101 = arith.constant 9.99999974E-6 : f32
    %add3A_102 = vector.broadcast %add3A_101 : f32 to vector<1x2048xf32>
    %add3A_103 = arith.addf %div3A_98, %add3A_102 : vector<1x2048xf32>
    %sqrt3A_104 = math.sqrt %add3A_103 : vector<1x2048xf32>
    %div3A_105 = vector.broadcast %sqrt3A_104 : vector<1x2048xf32> to vector<16x2048xf32>
    %div3A_106 = arith.divf %sub3A_100, %div3A_105 : vector<16x2048xf32>
    %mul3A_107 = vector.broadcast %get3A_80 : vector<16x1xf32> to vector<16x2048xf32>
    %mul3A_108 = arith.mulf %div3A_106, %mul3A_107 : vector<16x2048xf32>
    %add3A_109 = vector.broadcast %get3A_83 : vector<16x1xf32> to vector<16x2048xf32>
    %add3A_110 = arith.addf %mul3A_108, %add3A_109 : vector<16x2048xf32>
    %mul3A_111 = arith.constant 5.000000e-01 : f32
    %mul3A_112 = vector.broadcast %mul3A_111 : f32 to vector<16x2048xf32>
    %mul3A_113 = arith.mulf %add3A_110, %mul3A_112 : vector<16x2048xf32>
    %mul3A_114 = arith.constant 0.707106769 : f32
    %mul3A_115 = vector.broadcast %mul3A_114 : f32 to vector<16x2048xf32>
    %mul3A_116 = arith.mulf %add3A_110, %mul3A_115 : vector<16x2048xf32>
    %erf3A_117 = math.erf %mul3A_116 : vector<16x2048xf32>
    %add3A_118 = arith.constant 1.000000e+00 : f32
    %add3A_119 = vector.broadcast %add3A_118 : f32 to vector<16x2048xf32>
    %add3A_120 = arith.addf %add3A_119, %erf3A_117 : vector<16x2048xf32>
    %mul3A_121 = arith.mulf %mul3A_113, %add3A_120 : vector<16x2048xf32>
    %get3A_122 = arith.constant 0 : index
    %get3A_123 = arith.constant 0 : index
    %get3A_124 = vector.load %arg12[%get3A_122, %get3A_123] : memref<16x1xf32, #tpu.memory_space<vmem>>, vector<16x1xf32>
    %mul3A_125 = vector.broadcast %get3A_124 : vector<16x1xf32> to vector<16x2048xf32>
    %mul3A_126 = arith.mulf %mul3A_121, %mul3A_125 : vector<16x2048xf32>
    %reduce_sum3A_127 = arith.constant dense<0.000000e+00> : vector<2048xf32>
    %reduce_sum3A_128 = vector.multi_reduction <add>, %mul3A_126, %reduce_sum3A_127 [0] : vector<16x2048xf32> to vector<2048xf32>
    %broadcast_in_dim3A_129 = vector.shape_cast %reduce_sum3A_128 : vector<2048xf32> to vector<1x2048xf32>
    %get3A_130 = arith.constant 0 : index
    %get3A_131 = arith.constant 0 : index
    %get3A_132 = vector.load %arg13[%get3A_130, %get3A_131] : memref<1x1xf32, #tpu.memory_space<vmem>>, vector<1x1xf32>
    %add3A_133 = vector.broadcast %get3A_132 : vector<1x1xf32> to vector<1x2048xf32>
    %add3A_134 = arith.addf %broadcast_in_dim3A_129, %add3A_133 : vector<1x2048xf32>
    %swap3A = arith.constant 0 : index
    %swap3A_135 = arith.constant 0 : index
    %swap3A_136 = vector.load %arg14[%swap3A, %swap3A_135] : memref<1x2048xf32, #tpu.memory_space<vmem>>, vector<1x2048xf32>
    tpu.vector_store %arg14[%swap3A, %swap3A_135], %add3A_134 {strides = array<i32>} : memref<1x2048xf32, #tpu.memory_space<vmem>>, vector<1x2048xf32>,
    return
  }
  func.func @transform_0(%arg0: i32) -> (i32, i32) {
    %c0_i32 = arith.constant 0 : i32
    %c0_i32_0 = arith.constant 0 : i32
    return %c0_i32, %arg0 : i32, i32
  }
  func.func @transform_1(%arg0: i32) -> (i32, i32) {
    %c0_i32 = arith.constant 0 : i32
    %c0_i32_0 = arith.constant 0 : i32
    return %c0_i32, %arg0 : i32, i32
  }
  func.func @transform_2(%arg0: i32) -> (i32, i32) {
    %c0_i32 = arith.constant 0 : i32
    %c0_i32_0 = arith.constant 0 : i32
    return %c0_i32, %arg0 : i32, i32
  }
  func.func @transform_3(%arg0: i32) -> (i32, i32) {
    %c0_i32 = arith.constant 0 : i32
    %c0_i32_0 = arith.constant 0 : i32
    %c0_i32_1 = arith.constant 0 : i32
    return %c0_i32, %c0_i32_0 : i32, i32
  }
  func.func @transform_4(%arg0: i32) -> (i32, i32) {
    %c0_i32 = arith.constant 0 : i32
    %c0_i32_0 = arith.constant 0 : i32
    %c0_i32_1 = arith.constant 0 : i32
    return %c0_i32, %c0_i32_0 : i32, i32
  }
  func.func @transform_5(%arg0: i32) -> (i32, i32) {
    %c0_i32 = arith.constant 0 : i32
    %c0_i32_0 = arith.constant 0 : i32
    %c0_i32_1 = arith.constant 0 : i32
    return %c0_i32, %c0_i32_0 : i32, i32
  }
  func.func @transform_6(%arg0: i32) -> (i32, i32) {
    %c0_i32 = arith.constant 0 : i32
    %c0_i32_0 = arith.constant 0 : i32
    %c0_i32_1 = arith.constant 0 : i32
    return %c0_i32, %c0_i32_0 : i32, i32
  }
  func.func @transform_7(%arg0: i32) -> (i32, i32) {
    %c0_i32 = arith.constant 0 : i32
    %c0_i32_0 = arith.constant 0 : i32
    %c0_i32_1 = arith.constant 0 : i32
    return %c0_i32, %c0_i32_0 : i32, i32
  }
  func.func @transform_8(%arg0: i32) -> (i32, i32) {
    %c0_i32 = arith.constant 0 : i32
    %c0_i32_0 = arith.constant 0 : i32
    %c0_i32_1 = arith.constant 0 : i32
    return %c0_i32, %c0_i32_0 : i32, i32
  }
  func.func @transform_9(%arg0: i32) -> (i32, i32) {
    %c0_i32 = arith.constant 0 : i32
    %c0_i32_0 = arith.constant 0 : i32
    %c0_i32_1 = arith.constant 0 : i32
    return %c0_i32, %c0_i32_0 : i32, i32
  }
  func.func @transform_10(%arg0: i32) -> (i32, i32) {
    %c0_i32 = arith.constant 0 : i32
    %c0_i32_0 = arith.constant 0 : i32
    %c0_i32_1 = arith.constant 0 : i32
    return %c0_i32, %c0_i32_0 : i32, i32
  }
  func.func @transform_11(%arg0: i32) -> (i32, i32) {
    %c0_i32 = arith.constant 0 : i32
    %c0_i32_0 = arith.constant 0 : i32
    %c0_i32_1 = arith.constant 0 : i32
    return %c0_i32, %c0_i32_0 : i32, i32
  }
  func.func @transform_12(%arg0: i32) -> (i32, i32) {
    %c0_i32 = arith.constant 0 : i32
    %c0_i32_0 = arith.constant 0 : i32
    %c0_i32_1 = arith.constant 0 : i32
    return %c0_i32, %c0_i32_0 : i32, i32
  }
  func.func @transform_13(%arg0: i32) -> (i32, i32) {
    %c0_i32 = arith.constant 0 : i32
    %c0_i32_0 = arith.constant 0 : i32
    return %c0_i32, %arg0 : i32, i32
  }
}

</mosaic_0001>

<sc_bundles>
// kernel: kernel.10.cloned.1.call-start
scs
__scs_entry_jumppad:
0x0: {  	(pc) =	sbr.rel $0x88, $3  }
0x1: {  	(tag) =	ssettag $0x0;
	lr =	simm.s32 $0x1  }
0x2: {  	[smem:$0x3F92] =	sst lr;
	_ =	strace $0xD0000000  }
0x3: {  	_ = 	snop  }
0x4: {  	_ = 	snop  }
0x5: {  	_ = 	snop  }
0x6: {  	_ = 	snop  }
0x7: {  	_ = 	snop  }
__scs_overlays_trampoline_lowered:
0x8: {  	[smem:$0x3FA1] =	sst s0  }
0x9: {  	[smem:$0x3FA2] =	sst s1  }
0xa: {  	[smem:$0x3FA3] =	sst s2  }
0xb: {  	[smem:$0x3FA4] =	sst s3  }
0xc: {  	[smem:$0x3FA5] =	sst s4  }
0xd: {  	[smem:$0x3FA6] =	sst s5  }
0xe: {  	[smem:$0x3FA7] =	sst s6  }
0xf: {  	[smem:$0x3FA8] =	sst s7  }
0x10: {  	[smem:$0x3FA9] =	sst s8  }
0x11: {  	[smem:$0x3FAA] =	sst s9;
	s0 =	simm.s32 @!p0 $0x0  }
0x12: {  	s1 =	sld [smem:$0x3F90];
	s0 =	simm.s32 @p0 $0x1  }
0x13: {  	[smem:$0x3FAB] =	sst s0;
	s0 =	simm.s32 @!p1 $0x0  }
0x14: {  	s2 =	sld [smem:$0x3F8F];
	s0 =	simm.s32 @p1 $0x1  }
0x15: {  	[smem:$0x3FAC] =	sst s0;
	s0 =	simm.s32 @!p2 $0x0  }
0x16: {  	s3 =	sld [smem:$0x3FDB];
	s0 =	simm.s32 @p2 $0x1  }
0x17: {  	s4 =	simm.s32 $0x1BF5;
	[smem:$0x3FAE] =	sst s0  }
0x18: {  	s0 =	sld [smem:$0x3F91];
	_ =	swait.ge [sflag:s4], $0x0  }
0x19: {  	s7 =	sld [smem:$0x3F92]  }
0x1a: {  	s8 =	sadd.s32 $0xFFFFE003, lr  }
0x1b: {  	s9 =	sadd.s32 $0xFFFFFEF7, lr;
	s5 =	simm.s32 $0xFFFFFFFF;
	p2 =	slt.u32 s8, $0xFFFFF086  }
0x1c: {  	p1 =	slt.u32 s9, $0xF7A;
	s5 =	simm.s32 @!p2 $0x0  }
0x1d: {  	s5 =	simm.s32 @p1 $0x1;
	p0 =	seq.s32 s7, s2  }
0x1e: {  	s7 =	smul.u32 @!p0 $0xF7A, s2;
	p2 =	seq.s32 @!p0 s5, $0x0  }
0x1f: {  	s9 =	smul.u32 $0xF7A, s1;
	s8 =	simm.s32 @!p0 $0x1BF5;
	p2 =	por !p2, p0  }
0x20: {  	[sflag:s8] =	ssyncset.s32 @!p0 $0xFFFFF086;
	s6 =	sadd.s32 @!p0 s3, s7;
	s7 =	simm.s32 @!p0 $0x108  }
0x21: {  	s3 =	sadd.s32 s3, s9;
	s6 =	sadd.s32 @!p0 $0x88, s6;
	s7 =	simm.s32 @p2 $0x1082  }
0x22: {  	[simem:s7], [sflag:s8] =	dma.local @!p0 [hbm:s6], $0xF7A  }
0x23: {  	s9 =	sor.u32 $0xD0000000, s2;
	s6 =	simm.s32 $0x108;
	_ =	swait.ge @!p0 [sflag:s8], $0x0  }
0x24: {  	s3 =	sadd.s32 $0x88, s3;
	s6 =	simm.s32 @!p1 $0x1082;
	[sflag:s4] =	ssyncset.s32 $0xFFFFF086  }
0x25: {  	[simem:s6], [sflag:s4] =	dma.local [hbm:s3], $0xF7A  }
0x26: {  	[smem:$0x3F92] =	sst s1;
	(tag) =	ssettag s2;
	_ =	strace s9  }
0x27: {  	s1 =	sld [smem:$0x3FA2]  }
0x28: {  	s2 =	sld [smem:$0x3FA3]  }
0x29: {  	s4 =	sld [smem:$0x3FA5]  }
0x2a: {  	p0 =	seq.s32 s5, $0x0;
	s5 =	sld [smem:$0x3FA6]  }
0x2b: {  	s6 =	sld [smem:$0x3FA7]  }
0x2c: {  	s7 =	sld [smem:$0x3FA8]  }
0x2d: {  	s3 =	simm.s32 $0x108;
	s8 =	sld [smem:$0x3FA9]  }
0x2e: {  	s3 =	simm.s32 @!p0 $0x1082;
	s9 =	sld [smem:$0x3FAA]  }
0x2f: {  	lr =	sadd.s32 s0, s3;
	s0 =	sld [smem:$0x3FA1]  }
0x30: {  	s3 =	sld [smem:$0x3FA4]  }
0x31: {  	[smem:$0x3FAD] =	sst s10  }
0x32: {  	s10 =	sld [smem:$0x3FAB];
	_ =	sdelay $0x3  }
0x33: {  	p0 =	seq.s32 s10, $0x1;
	s10 =	sld [smem:$0x3FAD];
	_ =	sdelay $0x3  }
0x34: {  	[smem:$0x3FAD] =	sst s10  }
0x35: {  	s10 =	sld [smem:$0x3FAC];
	_ =	sdelay $0x3  }
0x36: {  	p1 =	seq.s32 s10, $0x1;
	s10 =	sld [smem:$0x3FAD];
	_ =	sdelay $0x3  }
0x37: {  	[smem:$0x3FAD] =	sst s10  }
0x38: {  	s10 =	sld [smem:$0x3FAE]  }
0x39: {  	_ = 	snop;
	(pc) =	sbr.ind lr, $3  }
0x3a: {  	_ = 	snop  }
0x3b: {  	_ = 	snop  }
0x3c: {  	p2 =	seq.s32 s10, $0x1;
	s10 =	sld [smem:$0x3FAD]  }
0x3d: {  	_ =	shalt  }
0x3e: {  	_ =	shalt  }
0x3f: {  	_ =	shalt  }
0x40: {  	_ =	shalt  }
0x41: {  	_ =	shalt  }
0x42: {  	_ =	shalt  }
0x43: {  	_ =	shalt  }
0x44: {  	_ =	shalt  }
0x45: {  	_ =	shalt  }
0x46: {  	_ =	shalt  }
0x47: {  	_ =	shalt  }
0x48: {  	_ =	shalt  }
0x49: {  	_ =	shalt  }
0x4a: {  	_ =	shalt  }
0x4b: {  	_ =	shalt  }
0x4c: {  	_ =	shalt  }
0x4d: {  	_ =	shalt  }
0x4e: {  	_ =	shalt  }
0x4f: {  	_ =	shalt  }
0x50: {  	_ =	shalt  }
0x51: {  	_ =	shalt  }
0x52: {  	_ =	shalt  }
0x53: {  	_ =	shalt  }
0x54: {  	_ =	shalt  }
0x55: {  	_ =	shalt  }
0x56: {  	_ =	shalt  }
0x57: {  	_ =	shalt  }
0x58: {  	_ =	shalt  }
0x59: {  	_ =	shalt  }
0x5a: {  	_ =	shalt  }
0x5b: {  	_ =	shalt  }
0x5c: {  	_ =	shalt  }
0x5d: {  	_ =	shalt  }
0x5e: {  	_ =	shalt  }
0x5f: {  	_ =	shalt  }
0x60: {  	_ =	shalt  }
0x61: {  	_ =	shalt  }
0x62: {  	_ =	shalt  }
0x63: {  	_ =	shalt  }
0x64: {  	_ =	shalt  }
0x65: {  	_ =	shalt  }
0x66: {  	_ =	shalt  }
0x67: {  	_ =	shalt  }
0x68: {  	_ =	shalt  }
0x69: {  	_ =	shalt  }
0x6a: {  	_ =	shalt  }
0x6b: {  	_ =	shalt  }
0x6c: {  	_ =	shalt  }
0x6d: {  	_ =	shalt  }
0x6e: {  	_ =	shalt  }
0x6f: {  	_ =	shalt  }
0x70: {  	_ =	shalt  }
0x71: {  	_ =	shalt  }
0x72: {  	_ =	shalt  }
0x73: {  	_ =	shalt  }
0x74: {  	_ =	shalt  }
0x75: {  	_ =	shalt  }
0x76: {  	_ =	shalt  }
0x77: {  	_ =	shalt  }
0x78: {  	_ =	shalt  }
0x79: {  	_ =	shalt  }
0x7a: {  	_ =	shalt  }
0x7b: {  	_ =	shalt  }
0x7c: {  	_ =	shalt  }
0x7d: {  	_ =	shalt  }
0x7e: {  	_ =	shalt  }
0x7f: {  	_ =	shalt  }
0x80: {  	_ =	shalt  }
0x81: {  	_ =	shalt  }
0x82: {  	_ =	shalt  }
0x83: {  	_ =	shalt  }
0x84: {  	_ =	shalt  }
0x85: {  	_ =	shalt  }
0x86: {  	_ =	shalt  }
0x87: {  	_ =	shalt  }
.Lfunc_end0:
.L_simem_size_0:
called_computation.1_lowered:
.L_overlay_start_0:
0x88: {  	s2 =	sld [smem:$0x3FD9]  }
0x89: {  	s3 =	sld [smem:$0x3FFE];
	_ =	sdelay $0x1  }
0x8a: {  	s1 =	srdreg.scid  }
0x8b: {  	s0 =	sand.u32 $0x1, s1  }
0x8c: {  	s17 =	sshll.u32 s0, $0xA;
	s2 =	sadd.s32 s3, s2  }
0x8d: {  	s2 =	sadd.s32 s2, s17  }
0x8e: {  	[smem:$0x3FB9] =	sst s2  }
0x8f: {  	_ = 	snop  }
0x90: {  	s18 =	sld [smem:$0x3FC8];
	(tm) =	ssettm $0x1  }
0x91: {  	s19 =	sld [smem:$0x3FFB];
	_ =	sdelay $0x3  }
0x92: {  	_ =	strace s19  }
0x93: {  	s2 =	sld [smem:$0x3FFC];
	_ =	sdelay $0x3  }
0x94: {  	_ =	strace s2  }
0x95: {  	s2 =	sld [smem:$0x3FFD];
	_ =	sdelay $0x3  }
0x96: {  	_ =	strace s2  }
0x97: {  	_ =	strace $0x8FFFFFFF  }
0x98: {  	s20 =	sld [smem:$0x3FDB];
	_ =	sdelay $0x1  }
0x99: {  	s4 =	simm.s32 $_scs_section_size  }
0x9a: {  	s5 =	simm.s32 $_size__tile_overlayer_lowered;
	s6 =	simm.s32 $_tile_overlayer_lowered  }
0x9b: {  	s7 =	simm.s32 $0x1BFF;
	s21 =	sshll.u32 s6, $0x1;
	s4 =	sadd.s32 s4, s20  }
0x9c: {  	s22 =	simm.s32 $0x0;
	s5 =	sshll.u32 s5, $0x1;
	s6 =	sadd.s32 s21, s4  }
0x9d: {  	[timem:s22], [sflag:s7] =	dma.local [hbm:s6], s5  }
0x9e: {  	_ =	swait.ge [sflag:s7], s5  }
0x9f: {  	s5 =	ssub.s32 $0x0, s5;
	[sflag:s7] =	ssyncset.done $0x0  }
0xa0: {  	[sflag:s7] =	ssyncadd.s32 s5;
	_ =	sdelay $0x1  }
0xa1: {  	s23 =	simm.s32 $0x1B8B  }
0xa2: {  	_ =	swait.ge [sflag:s23], $0x1  }
0xa3: {  	[sflag:s23] =	ssyncset.done $0x0  }
0xa4: {  	[sflag:s23] =	ssyncadd.s32 $0xFFFFFFFF  }
0xa5: {  	s5 =	sld [smem:$0x0]  }
0xa6: {  	s6 =	sand.u32 $0xFFFFFFFE, s1  }
0xa7: {  	p0 =	sne.s32 s1, s6  }
0xa8: {  	s6 =	sshll.u32 @p0 s6, $0xE  }
0xa9: {  	s6 =	sadd.s32 @p0 $0x11B8D, s6;
	s7 =	sshll.u32 @p0 s5, $0x11  }
0xaa: {  	s6 =	sor.u32 @p0 s7, s6  }
0xab: {  	[sflag:s6] =	ssyncadd.remote.s32 @p0 $0x1;
	_ =	sdelay $0x1  }
0xac: {  	s6 =	simm.s32 @p0 $0x1B8D  }
0xad: {  	_ =	swait.eq @p0 [sflag:s6], $0x1  }
0xae: {  	[sflag:s6] =	ssyncadd.s32 @p0 $0xFFFFFFFF  }
0xaf: {  	s7 =	sshll.u32 @!p0 s1, $0xE  }
0xb0: {  	s7 =	sor.u32 @!p0 $0x4000, s7;
	s6 =	simm.s32 @!p0 $0x1B8D  }
0xb1: {  	s5 =	sshll.u32 @!p0 s5, $0x11;
	s7 =	sadd.s32 @!p0 $0x11B8D, s7;
	_ =	swait.eq @!p0 [sflag:s6], $0x1  }
0xb2: {  	s5 =	sor.u32 @!p0 s5, s7;
	[sflag:s6] =	ssyncadd.s32 @!p0 $0xFFFFFFFF  }
0xb3: {  	s25 =	simm.s32 $0x1B8E;
	s24 =	sld [smem:$0x3FFE];
	[sflag:s5] =	ssyncadd.remote.s32 @!p0 $0x1  }
0xb4: {  	s26 =	simm.s32 $execute0_lowered;
	[smem:$0x3FD2] =	sst s25  }
0xb5: {  	s6 =	sshll.u32 s26, $0x1;
	_ =	strace $0x80000049;
	[dreg:$0x1] =	wrdreg $0xFFFFFFFF  }
0xb6: {  	s28 =	simm.s32 $_size_execute0_lowered;
	s4 =	sadd.s32 s4, s6;
	[dreg:$0x0] =	wrdreg $0x0  }
0xb7: {  	s6 =	sshll.u32 s28, $0x1;
	[dreg:$0x2] =	wrdreg s4  }
0xb8: {  	[dreg:$0x3] =	wrdreg s6  }
0xb9: {  	[dreg:$0x4] =	wrdreg $0xC0  }
0xba: {  	_ =	task [dreg:s22], $0x5FFFF  }
0xbb: {  	[dreg:$0x1] =	wrdreg $0xFFFFFFFF  }
0xbc: {  	[dreg:$0x0] =	wrdreg $0x60  }
0xbd: {  	[dreg:$0x2] =	wrdreg s24  }
0xbe: {  	[dreg:$0x3] =	wrdreg s18  }
0xbf: {  	[dreg:$0x4] =	wrdreg $0xA  }
0xc0: {  	_ =	task.clear_ibuf [dreg:s22], $0x5FFFF;
	_ =	strace $0x90000049  }
0xc1: {  	s29 =	simm.s32 $0xA;
	_ =	strace $0x8000004B  }
0xc2: {  	_ =	swait.ge [sflag:s29], $0x1  }
0xc3: {  	[sflag:s29] =	ssyncadd.s32 $0xFFFFFFFF  }
0xc4: {  	_ =	strace $0x9000004B  }
0xc5: {  	_ =	sfence  }
0xc6: {  	s30 =	sld [smem:$0x0];
	_ =	sdelay $0x2  }
0xc7: {  	s31 =	sshll.u32 s1, $0xD;
	s1 =	sshrl.u32 s1, $0x2  }
0xc8: {  	s4 =	sand.u32 $0x4000, s31;
	s1 =	sadd.s32 s1, s30  }
0xc9: {  	s0 =	sor.u32 s4, s0;
	s1 =	sshll.u32 s1, $0x11  }
0xca: {  	s0 =	sor.u32 s1, s0  }
0xcb: {  	s0 =	sadd.s32 $0x8F2B, s0  }
0xcc: {  	[sflag:s0] =	ssyncadd.remote.s32 $0x1  }
0xcd: {  	_ =	sfence.sel $0xFFFF  }
0xce: {  	[dreg:$0x0] =	wrdreg $0xFFFFFFFF;
	(pc) =	sbr.abs _section_cstart, $3  }
0xcf: {  	[dreg:$0x1] =	wrdreg $0xFFFFFFFF  }
0xd0: {  	_ =	task.clear_ibuf [dreg:s22], $0x2FFFF;
	_ =	strace $0x9FFFFFFF  }
0xd1: {  	(tm) =	ssettm $0x7FFFFFFF  }
tec
execute0_lowered:
.L_overlay_start_1:
0x0: {  	(tag) =	ssettag $0x1  }
0x1: {  	s0 =	rddreg [dreg:$0x0]  }
0x2: {  	s1 =	rddreg [dreg:$0x1]  }
0x3: {  	s17 =	rddreg [dreg:$0x2];
	s3 =	simm.s32 $0x0  }
0x4: {  	s23 =	simm.s32 $0x400;
	[smem:$0x7FF] =	sst s3  }
0x5: {  	s24 =	simm.s32 $0x600;
	_ =	strace $0x8000004A;
	[dreg:$0x5] =	wrdreg s23  }
0x6: {  	s25 =	simm.s32 $0x800;
	[dreg:$0x6] =	wrdreg s24  }
0x7: {  	s26 =	simm.s32 $0xA00;
	[dreg:$0x7] =	wrdreg s25  }
0x8: {  	s6 =	simm.s32 $0x1000;
	[dreg:$0x8] =	wrdreg s26  }
0x9: {  	s7 =	simm.s32 $0x1200;
	[dreg:$0xb] =	wrdreg s6  }
0xa: {  	s8 =	simm.s32 $0x1400;
	[dreg:$0xc] =	wrdreg s7  }
0xb: {  	s9 =	simm.s32 $0x1600;
	[dreg:$0xd] =	wrdreg s8  }
0xc: {  	s10 =	simm.s32 $0x1800;
	[dreg:$0xe] =	wrdreg s9  }
0xd: {  	s11 =	simm.s32 $0x1A00;
	[dreg:$0xf] =	wrdreg s10  }
0xe: {  	s12 =	simm.s32 $0x1C00;
	[dreg:$0x10] =	wrdreg s11  }
0xf: {  	s13 =	simm.s32 $0x1E00;
	[dreg:$0x11] =	wrdreg s12  }
0x10: {  	s14 =	simm.s32 $0x2000;
	[dreg:$0x12] =	wrdreg s13  }
0x11: {  	s15 =	simm.s32 $0x280;
	[dreg:$0x13] =	wrdreg s14  }
0x12: {  	s16 =	simm.s32 $0x480;
	[dreg:$0x14] =	wrdreg s15  }
0x13: {  	s18 =	simm.s32 $0x680;
	[dreg:$0x15] =	wrdreg s16  }
0x14: {  	s19 =	simm.s32 $0x880;
	[dreg:$0x16] =	wrdreg s18  }
0x15: {  	s20 =	simm.s32 $0xA80;
	[dreg:$0x17] =	wrdreg s19  }
0x16: {  	s21 =	simm.s32 $0xC80;
	[dreg:$0x18] =	wrdreg s20  }
0x17: {  	[dreg:$0x19] =	wrdreg s21;
	s23 =	simm.s32 $0x1080  }
0x18: {  	s24 =	simm.s32 $0x1280;
	[dreg:$0x1b] =	wrdreg s23  }
0x19: {  	s25 =	simm.s32 $0x1480;
	[dreg:$0x1c] =	wrdreg s24  }
0x1a: {  	s2 =	srdreg.scid;
	s26 =	simm.s32 $0x1680;
	[dreg:$0x1d] =	wrdreg s25  }
0x1b: {  	s4 =	stileid.u32;
	s6 =	simm.s32 $0x1C80;
	[dreg:$0x1e] =	wrdreg s26  }
0x1c: {  	s31 =	simm.s32 $0x100;
	s7 =	simm.s32 $0x1E80;
	[smem:$0x7E0] =	sst s6  }
0x1d: {  	p0 =	por $0x0, $0x0;
	s8 =	simm.s32 $0x2080;
	[smem:$0x7E1] =	sst s7  }
0x1e: {  	s28 =	simm.s32 $0x1B80;
	s9 =	simm.s32 $0x300;
	[smem:$0x7E2] =	sst s8  }
0x1f: {  	s29 =	simm.s32 $0x1D80;
	s10 =	simm.s32 $0x500;
	[smem:$0x7E3] =	sst s9  }
0x20: {  	s30 =	simm.s32 $0x1F80;
	s11 =	simm.s32 $0x700;
	[smem:$0x7E4] =	sst s10  }
0x21: {  	s2 =	sand.u32 $0x1, s2;
	s12 =	simm.s32 $0x900;
	[smem:$0x7E5] =	sst s11  }
0x22: {  	s4 =	sshll.u32 s4, $0x7;
	s13 =	simm.s32 $0xB00;
	[smem:$0x7E6] =	sst s12  }
0x23: {  	s5 =	sshll.u32 s2, $0x6;
	s14 =	simm.s32 $0xD00;
	[smem:$0x7E7] =	sst s13  }
0x24: {  	s15 =	simm.s32 $0xF00;
	s16 =	simm.s32 $0x1100;
	[smem:$0x7E8] =	sst s14  }
0x25: {  	s18 =	simm.s32 $0x1300;
	s19 =	simm.s32 $0x1500;
	[smem:$0x7E9] =	sst s15  }
0x26: {  	s20 =	simm.s32 $0x1700;
	s21 =	simm.s32 $0x1900;
	[smem:$0x7EA] =	sst s16  }
0x27: {  	s4 =	sor.u32 s5, s4;
	s6 =	sadd.s32 $0x1AE600, s0;
	[smem:$0x7EB] =	sst s18  }
0x28: {  	s7 =	sadd.s32 $0x1CD000, s0;
	s8 =	sadd.s32 $0x1EBA00, s0;
	[smem:$0x7EC] =	sst s19  }
0x29: {  	s9 =	sadd.s32 $0x20A400, s0;
	s10 =	sadd.s32 $0x3EE00, s0;
	[smem:$0x7ED] =	sst s20  }
0x2a: {  	s11 =	sadd.s32 $0x5D800, s0;
	[smem:$0x7EE] =	sst s21;
	s23 =	simm.s32 $0x1D00  }
0x2b: {  	s12 =	sadd.s32 $0x7C200, s0;
	s24 =	simm.s32 $0x1F00;
	[smem:$0x7F0] =	sst s23  }
0x2c: {  	s13 =	sadd.s32 $0x9AC00, s0;
	s25 =	simm.s32 $0x2100;
	[smem:$0x7F1] =	sst s24  }
0x2d: {  	s14 =	sadd.s32 $0xB9600, s0;
	s26 =	simm.s32 $0x380;
	[smem:$0x7F2] =	sst s25  }
0x2e: {  	s15 =	sadd.s32 $0xD8000, s0;
	s1 =	sadd.s32 s1, s4;
	[smem:$0x7F3] =	sst s26  }
0x2f: {  	s5 =	sadd.s32 s4, s0;
	s4 =	simm.s32 $0xC00;
	[dreg:$0x3] =	wrdreg s1  }
0x30: {  	s18 =	sadd.s32 $0xF6A00, s0;
	s23 =	simm.s32 $0x780;
	[dreg:$0x9] =	wrdreg s4  }
0x31: {  	s19 =	sadd.s32 $0x115400, s0;
	s24 =	simm.s32 $0x980;
	[smem:$0x7F5] =	sst s23  }
0x32: {  	s20 =	sadd.s32 $0x133E00, s0;
	s25 =	simm.s32 $0xB80;
	[smem:$0x7F6] =	sst s24  }
0x33: {  	s21 =	sadd.s32 $0x152800, s0;
	s26 =	simm.s32 $0xD80;
	[smem:$0x7F7] =	sst s25  }
0x34: {  	s16 =	ssub.s32 $0x2, s2;
	s22 =	sadd.s32 $0x228E00, s5;
	[smem:$0x7F8] =	sst s26  }
0x35: {  	s2 =	sshrl.u32 s16, $0x1;
	s5 =	simm.s32 $0xE00;
	[dreg:$0x4] =	wrdreg s22  }
0x36: {  	s4 =	simm.s32 $0x1880;
	s1 =	ssub.s32 s16, s2;
	[dreg:$0xa] =	wrdreg s5  }
0x37: {  	s2 =	simm.s32 $0x2;
	s16 =	simm.s32 $0x1180;
	[dreg:$0x1f] =	wrdreg s4  }
0x38: {  	s23 =	simm.s32 $0x80;
	s24 =	simm.s32 $0x1380;
	[smem:$0x7FA] =	sst s16  }
0x39: {  	s25 =	simm.s32 $0x1580;
	s26 =	simm.s32 $0x1780;
	[smem:$0x7FB] =	sst s24  }
0x3a: {  	s22 =	simm.s32 $0xE80;
	s5 =	simm.s32 $0x1A80;
	[smem:$0x7FC] =	sst s25  }
0x3b: {  	s4 =	simm.s32 $0x580;
	s1 =	smax.u32 s1, $0x1;
	[smem:$0x7FD] =	sst s26  }
0x3c: {  	s24 =	simm.s32 $0x180;
	[dreg:$0x1a] =	wrdreg s22;
	p1 =	sne.s32 s1, $0x1  }
.Ltmp0:
0x3d: {  	s26 =	simm.s32 $0x2180;
	[smem:$0x7DF] =	sst s5;
	(pc) =	sbr.rel @!p1 .LBB2_1-.Ltmp0, $4  }
0x3e: {  	s16 =	simm.s32 $0x1;
	s22 =	simm.s32 $0x1B00;
	[smem:$0x7F4] =	sst s4  }
0x3f: {  	s5 =	sadd.s32 $0x18FC00, s0;
	s4 =	simm.s32 $0xF80;
	[smem:$0x7EF] =	sst s22  }
0x40: {  	s25 =	simm.s32 $0x4000;
	s22 =	sadd.s32 $0x171200, s0;
	[smem:$0x7F9] =	sst s4  }
0x41: {  	s4 =	simm.s32 $0x200;
	s0 =	sadd.s32 $0xFFFFFFFF, s1;
	s1 =	rddreg [dreg:$0x3]  }
0x42: {  	[tilespmem:s3], [sflag:$0x2] =	stream.linear.gather [hbm4b:s1+s3], $0x200, $0x38;
	[tilespmem:$0x2200] =	vst v63  }
0x43: {  	_ =	swait.ge [sflag:s2], $0x200  }
0x44: {  	[sflag:s2] =	ssyncset.done $0x0  }
0x45: {  	s1 =	rddreg [dreg:$0x5];
	[sflag:s2] =	ssyncadd.s32 $0xFFFFFE00  }
0x46: {  	[tilespmem:s4], [sflag:$0x1] =	stream.indirect.gather [hbm4b:s5+s23], $0x1, s3, s23, $0xb8;
	[tilespmem:$0x2200] =	vst v63  }
0x47: {  	s17 =	smov.u32 s0;
	s0 =	rddreg [dreg:$0x6]  }
0x48: {  	[tilespmem:s1], [sflag:$0x1] =	stream.indirect.gather [hbm4b:s6+s23], $0x1, s3, s23, $0xb8;
	[tilespmem:$0x2200] =	vst v63  }
0x49: {  	s1 =	rddreg [dreg:$0x7]  }
0x4a: {  	[tilespmem:s0], [sflag:$0x1] =	stream.indirect.gather [hbm4b:s7+s23], $0x1, s3, s23, $0xb8;
	[tilespmem:$0x2200] =	vst v63  }
0x4b: {  	s0 =	rddreg [dreg:$0x8]  }
0x4c: {  	[tilespmem:s1], [sflag:$0x1] =	stream.indirect.gather [hbm4b:s8+s23], $0x1, s3, s23, $0xb8;
	[tilespmem:$0x2200] =	vst v63  }
0x4d: {  	s1 =	rddreg [dreg:$0x9]  }
0x4e: {  	[tilespmem:s0], [sflag:$0x1] =	stream.indirect.gather [hbm4b:s9+s23], $0x1, s3, s23, $0xb8;
	[tilespmem:$0x2200] =	vst v63  }
0x4f: {  	s0 =	rddreg [dreg:$0xa]  }
0x50: {  	[tilespmem:s1], [sflag:$0x1] =	stream.indirect.gather [hbm4b:s10+s23], $0x1, s3, s23, $0xb8;
	[tilespmem:$0x2200] =	vst v63  }
0x51: {  	s1 =	rddreg [dreg:$0xb]  }
0x52: {  	[tilespmem:s0], [sflag:$0x1] =	stream.indirect.gather [hbm4b:s11+s23], $0x1, s3, s23, $0xb8;
	[tilespmem:$0x2200] =	vst v63  }
0x53: {  	s0 =	rddreg [dreg:$0xc]  }
0x54: {  	[tilespmem:s1], [sflag:$0x1] =	stream.indirect.gather [hbm4b:s12+s23], $0x1, s3, s23, $0xb8;
	[tilespmem:$0x2200] =	vst v63  }
0x55: {  	s1 =	rddreg [dreg:$0xd]  }
0x56: {  	[tilespmem:s0], [sflag:$0x1] =	stream.indirect.gather [hbm4b:s13+s23], $0x1, s3, s23, $0xb8;
	[tilespmem:$0x2200] =	vst v63  }
0x57: {  	s0 =	rddreg [dreg:$0xe]  }
0x58: {  	[tilespmem:s1], [sflag:$0x1] =	stream.indirect.gather [hbm4b:s14+s23], $0x1, s3, s23, $0xb8;
	[tilespmem:$0x2200] =	vst v63  }
0x59: {  	s1 =	rddreg [dreg:$0xf]  }
0x5a: {  	[tilespmem:s0], [sflag:$0x1] =	stream.indirect.gather [hbm4b:s15+s23], $0x1, s3, s23, $0xb8;
	[tilespmem:$0x2200] =	vst v63  }
0x5b: {  	s0 =	rddreg [dreg:$0x10]  }
0x5c: {  	[tilespmem:s1], [sflag:$0x1] =	stream.indirect.gather [hbm4b:s18+s23], $0x1, s3, s23, $0xb8;
	[tilespmem:$0x2200] =	vst v63  }
0x5d: {  	s1 =	rddreg [dreg:$0x11]  }
0x5e: {  	[tilespmem:s0], [sflag:$0x1] =	stream.indirect.gather [hbm4b:s19+s23], $0x1, s3, s23, $0xb8;
	[tilespmem:$0x2200] =	vst v63  }
0x5f: {  	s0 =	rddreg [dreg:$0x12]  }
0x60: {  	[tilespmem:s1], [sflag:$0x1] =	stream.indirect.gather [hbm4b:s20+s23], $0x1, s3, s23, $0xb8;
	[tilespmem:$0x2200] =	vst v63  }
0x61: {  	s1 =	rddreg [dreg:$0x13]  }
0x62: {  	[tilespmem:s0], [sflag:$0x1] =	stream.indirect.gather [hbm4b:s21+s23], $0x1, s3, s23, $0xb8;
	[tilespmem:$0x2200] =	vst v63  }
0x63: {  	s0 =	rddreg [dreg:$0x14]  }
0x64: {  	[tilespmem:s1], [sflag:$0x1] =	stream.indirect.gather [hbm4b:s22+s23], $0x1, s3, s23, $0xb8;
	[tilespmem:$0x2200] =	vst v63  }
0x65: {  	s1 =	rddreg [dreg:$0x15]  }
0x66: {  	[tilespmem:s0], [sflag:$0x1] =	stream.indirect.gather [hbm4b:s5+s23], $0x1, s23, s23, $0xb8;
	[tilespmem:$0x2200] =	vst v63  }
0x67: {  	s0 =	rddreg [dreg:$0x16]  }
0x68: {  	[tilespmem:s1], [sflag:$0x1] =	stream.indirect.gather [hbm4b:s6+s23], $0x1, s23, s23, $0xb8;
	[tilespmem:$0x2200] =	vst v63  }
0x69: {  	s1 =	rddreg [dreg:$0x17]  }
0x6a: {  	[tilespmem:s0], [sflag:$0x1] =	stream.indirect.gather [hbm4b:s7+s23], $0x1, s23, s23, $0xb8;
	[tilespmem:$0x2200] =	vst v63  }
0x6b: {  	s0 =	rddreg [dreg:$0x18]  }
0x6c: {  	[tilespmem:s1], [sflag:$0x1] =	stream.indirect.gather [hbm4b:s8+s23], $0x1, s23, s23, $0xb8;
	[tilespmem:$0x2200] =	vst v63  }
0x6d: {  	s1 =	rddreg [dreg:$0x19]  }
0x6e: {  	[tilespmem:s0], [sflag:$0x1] =	stream.indirect.gather [hbm4b:s9+s23], $0x1, s23, s23, $0xb8;
	[tilespmem:$0x2200] =	vst v63  }
0x6f: {  	s0 =	rddreg [dreg:$0x1a]  }
0x70: {  	[tilespmem:s1], [sflag:$0x1] =	stream.indirect.gather [hbm4b:s10+s23], $0x1, s23, s23, $0xb8;
	[tilespmem:$0x2200] =	vst v63  }
0x71: {  	s1 =	rddreg [dreg:$0x1b]  }
0x72: {  	[tilespmem:s0], [sflag:$0x1] =	stream.indirect.gather [hbm4b:s11+s23], $0x1, s23, s23, $0xb8;
	[tilespmem:$0x2200] =	vst v63  }
0x73: {  	s0 =	rddreg [dreg:$0x1c]  }
0x74: {  	[tilespmem:s1], [sflag:$0x1] =	stream.indirect.gather [hbm4b:s12+s23], $0x1, s23, s23, $0xb8;
	[tilespmem:$0x2200] =	vst v63  }
0x75: {  	s1 =	rddreg [dreg:$0x1d]  }
0x76: {  	[tilespmem:s0], [sflag:$0x1] =	stream.indirect.gather [hbm4b:s13+s23], $0x1, s23, s23, $0xb8;
	[tilespmem:$0x2200] =	vst v63  }
0x77: {  	s0 =	rddreg [dreg:$0x1e]  }
0x78: {  	[tilespmem:s1], [sflag:$0x1] =	stream.indirect.gather [hbm4b:s14+s23], $0x1, s23, s23, $0xb8;
	[tilespmem:$0x2200] =	vst v63  }
0x79: {  	s1 =	rddreg [dreg:$0x1f]  }
0x7a: {  	[tilespmem:s0], [sflag:$0x1] =	stream.indirect.gather [hbm4b:s15+s23], $0x1, s23, s23, $0xb8;
	[tilespmem:$0x2200] =	vst v63  }
0x7b: {  	s0 =	sld [smem:$0x7DF]  }
0x7c: {  	[tilespmem:s1], [sflag:$0x1] =	stream.indirect.gather [hbm4b:s18+s23], $0x1, s23, s23, $0xb8;
	[tilespmem:$0x2200] =	vst v63  }
0x7d: {  	s1 =	sld [smem:$0x7E0]  }
0x7e: {  	[tilespmem:s0], [sflag:$0x1] =	stream.indirect.gather [hbm4b:s19+s23], $0x1, s23, s23, $0xb8;
	[tilespmem:$0x2200] =	vst v63  }
0x7f: {  	s0 =	sld [smem:$0x7E1]  }
0x80: {  	[tilespmem:s1], [sflag:$0x1] =	stream.indirect.gather [hbm4b:s20+s23], $0x1, s23, s23, $0xb8;
	[tilespmem:$0x2200] =	vst v63  }
0x81: {  	s1 =	sld [smem:$0x7E2]  }
0x82: {  	[tilespmem:s0], [sflag:$0x1] =	stream.indirect.gather [hbm4b:s21+s23], $0x1, s23, s23, $0xb8;
	[tilespmem:$0x2200] =	vst v63  }
0x83: {  	s0 =	sld [smem:$0x7E3]  }
0x84: {  	[tilespmem:s1], [sflag:$0x1] =	stream.indirect.gather [hbm4b:s22+s23], $0x1, s23, s23, $0xb8;
	[tilespmem:$0x2200] =	vst v63  }
0x85: {  	s1 =	sld [smem:$0x7E4]  }
0x86: {  	[tilespmem:s0], [sflag:$0x1] =	stream.indirect.gather [hbm4b:s5+s23], $0x1, s31, s23, $0xb8;
	[tilespmem:$0x2200] =	vst v63  }
0x87: {  	s0 =	sld [smem:$0x7E5]  }
0x88: {  	[tilespmem:s1], [sflag:$0x1] =	stream.indirect.gather [hbm4b:s6+s23], $0x1, s31, s23, $0xb8;
	[tilespmem:$0x2200] =	vst v63  }
0x89: {  	s1 =	sld [smem:$0x7E6]  }
0x8a: {  	[tilespmem:s0], [sflag:$0x1] =	stream.indirect.gather [hbm4b:s7+s23], $0x1, s31, s23, $0xb8;
	[tilespmem:$0x2200] =	vst v63  }
0x8b: {  	s0 =	sld [smem:$0x7E7]  }
0x8c: {  	[tilespmem:s1], [sflag:$0x1] =	stream.indirect.gather [hbm4b:s8+s23], $0x1, s31, s23, $0xb8;
	[tilespmem:$0x2200] =	vst v63  }
0x8d: {  	s1 =	sld [smem:$0x7E8]  }
0x8e: {  	[tilespmem:s0], [sflag:$0x1] =	stream.indirect.gather [hbm4b:s9+s23], $0x1, s31, s23, $0xb8;
	[tilespmem:$0x2200] =	vst v63  }
0x8f: {  	s0 =	sld [smem:$0x7E9]  }
0x90: {  	[tilespmem:s1], [sflag:$0x1] =	stream.indirect.gather [hbm4b:s10+s23], $0x1, s31, s23, $0xb8;
	[tilespmem:$0x2200] =	vst v63  }
0x91: {  	s1 =	sld [smem:$0x7EA]  }
0x92: {  	[tilespmem:s0], [sflag:$0x1] =	stream.indirect.gather [hbm4b:s11+s23], $0x1, s31, s23, $0xb8;
	[tilespmem:$0x2200] =	vst v63  }
0x93: {  	s0 =	sld [smem:$0x7EB]  }
0x94: {  	[tilespmem:s1], [sflag:$0x1] =	stream.indirect.gather [hbm4b:s12+s23], $0x1, s31, s23, $0xb8;
	[tilespmem:$0x2200] =	vst v63  }
0x95: {  	s1 =	sld [smem:$0x7EC]  }
0x96: {  	[tilespmem:s0], [sflag:$0x1] =	stream.indirect.gather [hbm4b:s13+s23], $0x1, s31, s23, $0xb8;
	[tilespmem:$0x2200] =	vst v63  }
0x97: {  	s0 =	sld [smem:$0x7ED]  }
0x98: {  	[tilespmem:s1], [sflag:$0x1] =	stream.indirect.gather [hbm4b:s14+s23], $0x1, s31, s23, $0xb8;
	[tilespmem:$0x2200] =	vst v63  }
0x99: {  	s1 =	sld [smem:$0x7EE]  }
0x9a: {  	[tilespmem:s0], [sflag:$0x1] =	stream.indirect.gather [hbm4b:s15+s23], $0x1, s31, s23, $0xb8;
	[tilespmem:$0x2200] =	vst v63  }
0x9b: {  	s0 =	sld [smem:$0x7EF]  }
0x9c: {  	[tilespmem:s1], [sflag:$0x1] =	stream.indirect.gather [hbm4b:s18+s23], $0x1, s31, s23, $0xb8;
	[tilespmem:$0x2200] =	vst v63  }
0x9d: {  	s1 =	sld [smem:$0x7F0]  }
0x9e: {  	[tilespmem:s0], [sflag:$0x1] =	stream.indirect.gather [hbm4b:s19+s23], $0x1, s31, s23, $0xb8;
	[tilespmem:$0x2200] =	vst v63  }
0x9f: {  	s0 =	sld [smem:$0x7F1]  }
0xa0: {  	[tilespmem:s1], [sflag:$0x1] =	stream.indirect.gather [hbm4b:s20+s23], $0x1, s31, s23, $0xb8;
	[tilespmem:$0x2200] =	vst v63  }
0xa1: {  	s1 =	sld [smem:$0x7F2]  }
0xa2: {  	[tilespmem:s0], [sflag:$0x1] =	stream.indirect.gather [hbm4b:s21+s23], $0x1, s31, s23, $0xb8;
	[tilespmem:$0x2200] =	vst v63  }
0xa3: {  	s0 =	sld [smem:$0x7F3]  }
0xa4: {  	[tilespmem:s1], [sflag:$0x1] =	stream.indirect.gather [hbm4b:s22+s23], $0x1, s31, s23, $0xb8;
	[tilespmem:$0x2200] =	vst v63  }
0xa5: {  	s1 =	sld [smem:$0x7F4]  }
0xa6: {  	[tilespmem:s0], [sflag:$0x1] =	stream.indirect.gather [hbm4b:s5+s23], $0x1, s24, s23, $0xb8;
	[tilespmem:$0x2200] =	vst v63  }
0xa7: {  	s0 =	sld [smem:$0x7F5]  }
0xa8: {  	[tilespmem:s1], [sflag:$0x1] =	stream.indirect.gather [hbm4b:s6+s23], $0x1, s24, s23, $0xb8;
	[tilespmem:$0x2200] =	vst v63  }
0xa9: {  	s1 =	sld [smem:$0x7F6]  }
0xaa: {  	[tilespmem:s0], [sflag:$0x1] =	stream.indirect.gather [hbm4b:s7+s23], $0x1, s24, s23, $0xb8;
	[tilespmem:$0x2200] =	vst v63  }
0xab: {  	s0 =	sld [smem:$0x7F7]  }
0xac: {  	[tilespmem:s1], [sflag:$0x1] =	stream.indirect.gather [hbm4b:s8+s23], $0x1, s24, s23, $0xb8;
	[tilespmem:$0x2200] =	vst v63  }
0xad: {  	s1 =	sld [smem:$0x7F8]  }
0xae: {  	[tilespmem:s0], [sflag:$0x1] =	stream.indirect.gather [hbm4b:s9+s23], $0x1, s24, s23, $0xb8;
	[tilespmem:$0x2200] =	vst v63  }
0xaf: {  	s0 =	sld [smem:$0x7F9]  }
0xb0: {  	[tilespmem:s1], [sflag:$0x1] =	stream.indirect.gather [hbm4b:s10+s23], $0x1, s24, s23, $0xb8;
	[tilespmem:$0x2200] =	vst v63  }
0xb1: {  	s1 =	sld [smem:$0x7FA]  }
0xb2: {  	[tilespmem:s0], [sflag:$0x1] =	stream.indirect.gather [hbm4b:s11+s23], $0x1, s24, s23, $0xb8;
	[tilespmem:$0x2200] =	vst v63  }
0xb3: {  	s0 =	sld [smem:$0x7FB]  }
0xb4: {  	[tilespmem:s1], [sflag:$0x1] =	stream.indirect.gather [hbm4b:s12+s23], $0x1, s24, s23, $0xb8;
	[tilespmem:$0x2200] =	vst v63  }
0xb5: {  	s1 =	sld [smem:$0x7FC]  }
0xb6: {  	[tilespmem:s0], [sflag:$0x1] =	stream.indirect.gather [hbm4b:s13+s23], $0x1, s24, s23, $0xb8;
	[tilespmem:$0x2200] =	vst v63  }
0xb7: {  	s0 =	sld [smem:$0x7FD]  }
0xb8: {  	[tilespmem:s1], [sflag:$0x1] =	stream.indirect.gather [hbm4b:s14+s23], $0x1, s24, s23, $0xb8;
	[tilespmem:$0x2200] =	vst v63  }
0xb9: {  	_ = 	snop  }
0xba: {  	[tilespmem:s0], [sflag:$0x1] =	stream.indirect.gather [hbm4b:s15+s23], $0x1, s24, s23, $0xb8;
	[tilespmem:$0x2200] =	vst v63  }
0xbb: {  	s1 =	simm.s32 $0x1980  }
0xbc: {  	[tilespmem:s1], [sflag:$0x1] =	stream.indirect.gather [hbm4b:s18+s23], $0x1, s24, s23, $0xb8;
	[tilespmem:$0x2200] =	vst v63  }
0xbd: {  	_ = 	snop  }
0xbe: {  	[tilespmem:s28], [sflag:$0x1] =	stream.indirect.gather [hbm4b:s19+s23], $0x1, s24, s23, $0xb8;
	[tilespmem:$0x2200] =	vst v63  }
0xbf: {  	_ = 	snop  }
0xc0: {  	[tilespmem:s29], [sflag:$0x1] =	stream.indirect.gather [hbm4b:s20+s23], $0x1, s24, s23, $0xb8;
	[tilespmem:$0x2200] =	vst v63  }
0xc1: {  	_ = 	snop  }
0xc2: {  	[tilespmem:s30], [sflag:$0x1] =	stream.indirect.gather [hbm4b:s21+s23], $0x1, s24, s23, $0xb8;
	[tilespmem:$0x2200] =	vst v63  }
0xc3: {  	_ = 	snop  }
0xc4: {  	[tilespmem:s26], [sflag:$0x1] =	stream.indirect.gather [hbm4b:s22+s23], $0x1, s24, s23, $0xb8;
	[tilespmem:$0x2200] =	vst v63  }
0xc5: {  	_ =	swait.ge [sflag:s16], $0x200  }
0xc6: {  	[sflag:s16] =	ssyncset.done $0x0  }
0xc7: {  	[sflag:s16] =	ssyncadd.s32 $0xFFFFFE00  }
0xc8: {  	_ =	swait.ge [sflag:s16], $0x200  }
0xc9: {  	[sflag:s16] =	ssyncset.done $0x0  }
0xca: {  	[sflag:s16] =	ssyncadd.s32 $0xFFFFFE00  }
0xcb: {  	_ =	swait.ge [sflag:s16], $0x200  }
0xcc: {  	[sflag:s16] =	ssyncset.done $0x0  }
0xcd: {  	[sflag:s16] =	ssyncadd.s32 $0xFFFFFE00  }
0xce: {  	_ =	swait.ge [sflag:s16], $0x200  }
0xcf: {  	[sflag:s16] =	ssyncset.done $0x0  }
0xd0: {  	[sflag:s16] =	ssyncadd.s32 $0xFFFFFE00  }
0xd1: {  	_ =	swait.ge [sflag:s16], $0x200  }
0xd2: {  	[sflag:s16] =	ssyncset.done $0x0  }
0xd3: {  	[sflag:s16] =	ssyncadd.s32 $0xFFFFFE00  }
0xd4: {  	_ =	swait.ge [sflag:s16], $0x200  }
0xd5: {  	[sflag:s16] =	ssyncset.done $0x0  }
0xd6: {  	[sflag:s16] =	ssyncadd.s32 $0xFFFFFE00  }
0xd7: {  	_ =	swait.ge [sflag:s16], $0x200  }
0xd8: {  	[sflag:s16] =	ssyncset.done $0x0  }
0xd9: {  	[sflag:s16] =	ssyncadd.s32 $0xFFFFFE00  }
0xda: {  	_ =	swait.ge [sflag:s16], $0x200  }
0xdb: {  	[sflag:s16] =	ssyncset.done $0x0  }
0xdc: {  	[sflag:s16] =	ssyncadd.s32 $0xFFFFFE00  }
0xdd: {  	_ =	swait.ge [sflag:s16], $0x200  }
0xde: {  	[sflag:s16] =	ssyncset.done $0x0  }
0xdf: {  	[sflag:s16] =	ssyncadd.s32 $0xFFFFFE00  }
0xe0: {  	_ =	swait.ge [sflag:s16], $0x200  }
0xe1: {  	[sflag:s16] =	ssyncset.done $0x0  }
0xe2: {  	[sflag:s16] =	ssyncadd.s32 $0xFFFFFE00  }
0xe3: {  	_ =	swait.ge [sflag:s16], $0x200  }
0xe4: {  	[sflag:s16] =	ssyncset.done $0x0  }
0xe5: {  	[sflag:s16] =	ssyncadd.s32 $0xFFFFFE00  }
0xe6: {  	_ =	swait.ge [sflag:s16], $0x200  }
0xe7: {  	[sflag:s16] =	ssyncset.done $0x0  }
0xe8: {  	[sflag:s16] =	ssyncadd.s32 $0xFFFFFE00  }
0xe9: {  	_ =	swait.ge [sflag:s16], $0x200  }
0xea: {  	[sflag:s16] =	ssyncset.done $0x0  }
0xeb: {  	[sflag:s16] =	ssyncadd.s32 $0xFFFFFE00  }
0xec: {  	_ =	swait.ge [sflag:s16], $0x200  }
0xed: {  	[sflag:s16] =	ssyncset.done $0x0  }
0xee: {  	[sflag:s16] =	ssyncadd.s32 $0xFFFFFE00  }
0xef: {  	_ =	swait.ge [sflag:s16], $0x200  }
0xf0: {  	[sflag:s16] =	ssyncset.done $0x0  }
0xf1: {  	[sflag:s16] =	ssyncadd.s32 $0xFFFFFE00  }
0xf2: {  	p1 =	sne.s32 s17, $0x1;
	_ =	swait.ge [sflag:s16], $0x200  }
.Ltmp1:
0xf3: {  	[sflag:s16] =	ssyncset.done $0x0;
	(pc) =	sbr.rel @!p1 .LBB2_3-.Ltmp1, $4  }
0xf4: {  	s1 =	rddreg [dreg:$0x4];
	[sflag:s16] =	ssyncadd.s32 $0xFFFFFE00  }
0xf5: {  	[hbm4b:s1+s4] =	stream.strided.scatter [tilespmem:s4], [sflag:$0x2], $0x2000, s25, s4, $0x38;
	[tilespmem:$0x2200] =	vst v63  }
0xf6: {  	p0 =	por $0x1, $0x1;
	_ =	swait.ge [sflag:s2], $0x2000  }
0xf7: {  	s0 =	sadd.s32 $0xFFFFFFFF, s17;
	s1 =	rddreg [dreg:$0x3];
	[sflag:s2] =	ssyncset.done $0x0  }
.LBB2_4:
0xf8: {  	[sflag:s2] =	ssyncadd.s32 $0xFFFFE000  }
0xf9: {  	[tilespmem:s3], [sflag:$0x2] =	stream.linear.gather [hbm4b:s1+s3], $0x200, $0x38;
	[tilespmem:$0x2200] =	vst v63  }
0xfa: {  	_ =	swait.ge [sflag:s2], $0x200  }
0xfb: {  	[sflag:s2] =	ssyncset.done $0x0  }
0xfc: {  	s1 =	rddreg [dreg:$0x5];
	[sflag:s2] =	ssyncadd.s32 $0xFFFFFE00  }
0xfd: {  	[tilespmem:s4], [sflag:$0x1] =	stream.indirect.gather [hbm4b:s5+s23], $0x1, s3, s23, $0xb8;
	[tilespmem:$0x2200] =	vst v63  }
0xfe: {  	s17 =	rddreg [dreg:$0x6]  }
0xff: {  	[tilespmem:s1], [sflag:$0x1] =	stream.indirect.gather [hbm4b:s6+s23], $0x1, s3, s23, $0xb8;
	[tilespmem:$0x2200] =	vst v63  }
0x100: {  	s1 =	rddreg [dreg:$0x7]  }
0x101: {  	[tilespmem:s17], [sflag:$0x1] =	stream.indirect.gather [hbm4b:s7+s23], $0x1, s3, s23, $0xb8;
	[tilespmem:$0x2200] =	vst v63  }
0x102: {  	s17 =	rddreg [dreg:$0x8]  }
0x103: {  	[tilespmem:s1], [sflag:$0x1] =	stream.indirect.gather [hbm4b:s8+s23], $0x1, s3, s23, $0xb8;
	[tilespmem:$0x2200] =	vst v63  }
0x104: {  	s1 =	rddreg [dreg:$0x9]  }
0x105: {  	[tilespmem:s17], [sflag:$0x1] =	stream.indirect.gather [hbm4b:s9+s23], $0x1, s3, s23, $0xb8;
	[tilespmem:$0x2200] =	vst v63  }
0x106: {  	s17 =	rddreg [dreg:$0xa]  }
0x107: {  	[tilespmem:s1], [sflag:$0x1] =	stream.indirect.gather [hbm4b:s10+s23], $0x1, s3, s23, $0xb8;
	[tilespmem:$0x2200] =	vst v63  }
0x108: {  	s1 =	rddreg [dreg:$0xb]  }
0x109: {  	[tilespmem:s17], [sflag:$0x1] =	stream.indirect.gather [hbm4b:s11+s23], $0x1, s3, s23, $0xb8;
	[tilespmem:$0x2200] =	vst v63  }
0x10a: {  	s17 =	rddreg [dreg:$0xc]  }
0x10b: {  	[tilespmem:s1], [sflag:$0x1] =	stream.indirect.gather [hbm4b:s12+s23], $0x1, s3, s23, $0xb8;
	[tilespmem:$0x2200] =	vst v63  }
0x10c: {  	s1 =	rddreg [dreg:$0xd]  }
0x10d: {  	[tilespmem:s17], [sflag:$0x1] =	stream.indirect.gather [hbm4b:s13+s23], $0x1, s3, s23, $0xb8;
	[tilespmem:$0x2200] =	vst v63  }
0x10e: {  	s17 =	rddreg [dreg:$0xe]  }
0x10f: {  	[tilespmem:s1], [sflag:$0x1] =	stream.indirect.gather [hbm4b:s14+s23], $0x1, s3, s23, $0xb8;
	[tilespmem:$0x2200] =	vst v63  }
0x110: {  	s1 =	rddreg [dreg:$0xf]  }
0x111: {  	[tilespmem:s17], [sflag:$0x1] =	stream.indirect.gather [hbm4b:s15+s23], $0x1, s3, s23, $0xb8;
	[tilespmem:$0x2200] =	vst v63  }
0x112: {  	s17 =	rddreg [dreg:$0x10]  }
0x113: {  	[tilespmem:s1], [sflag:$0x1] =	stream.indirect.gather [hbm4b:s18+s23], $0x1, s3, s23, $0xb8;
	[tilespmem:$0x2200] =	vst v63  }
0x114: {  	s1 =	rddreg [dreg:$0x11]  }
0x115: {  	[tilespmem:s17], [sflag:$0x1] =	stream.indirect.gather [hbm4b:s19+s23], $0x1, s3, s23, $0xb8;
	[tilespmem:$0x2200] =	vst v63  }
0x116: {  	s17 =	rddreg [dreg:$0x12]  }
0x117: {  	[tilespmem:s1], [sflag:$0x1] =	stream.indirect.gather [hbm4b:s20+s23], $0x1, s3, s23, $0xb8;
	[tilespmem:$0x2200] =	vst v63  }
0x118: {  	s1 =	rddreg [dreg:$0x13]  }
0x119: {  	[tilespmem:s17], [sflag:$0x1] =	stream.indirect.gather [hbm4b:s21+s23], $0x1, s3, s23, $0xb8;
	[tilespmem:$0x2200] =	vst v63  }
0x11a: {  	s17 =	rddreg [dreg:$0x14]  }
0x11b: {  	[tilespmem:s1], [sflag:$0x1] =	stream.indirect.gather [hbm4b:s22+s23], $0x1, s3, s23, $0xb8;
	[tilespmem:$0x2200] =	vst v63  }
0x11c: {  	s1 =	rddreg [dreg:$0x15]  }
0x11d: {  	[tilespmem:s17], [sflag:$0x1] =	stream.indirect.gather [hbm4b:s5+s23], $0x1, s23, s23, $0xb8;
	[tilespmem:$0x2200] =	vst v63  }
0x11e: {  	s17 =	rddreg [dreg:$0x16]  }
0x11f: {  	[tilespmem:s1], [sflag:$0x1] =	stream.indirect.gather [hbm4b:s6+s23], $0x1, s23, s23, $0xb8;
	[tilespmem:$0x2200] =	vst v63  }
0x120: {  	s1 =	rddreg [dreg:$0x17]  }
0x121: {  	[tilespmem:s17], [sflag:$0x1] =	stream.indirect.gather [hbm4b:s7+s23], $0x1, s23, s23, $0xb8;
	[tilespmem:$0x2200] =	vst v63  }
0x122: {  	s17 =	rddreg [dreg:$0x18]  }
0x123: {  	[tilespmem:s1], [sflag:$0x1] =	stream.indirect.gather [hbm4b:s8+s23], $0x1, s23, s23, $0xb8;
	[tilespmem:$0x2200] =	vst v63  }
0x124: {  	s1 =	rddreg [dreg:$0x19]  }
0x125: {  	[tilespmem:s17], [sflag:$0x1] =	stream.indirect.gather [hbm4b:s9+s23], $0x1, s23, s23, $0xb8;
	[tilespmem:$0x2200] =	vst v63  }
0x126: {  	s17 =	rddreg [dreg:$0x1a]  }
0x127: {  	[tilespmem:s1], [sflag:$0x1] =	stream.indirect.gather [hbm4b:s10+s23], $0x1, s23, s23, $0xb8;
	[tilespmem:$0x2200] =	vst v63  }
0x128: {  	s1 =	rddreg [dreg:$0x1b]  }
0x129: {  	[tilespmem:s17], [sflag:$0x1] =	stream.indirect.gather [hbm4b:s11+s23], $0x1, s23, s23, $0xb8;
	[tilespmem:$0x2200] =	vst v63  }
0x12a: {  	s17 =	rddreg [dreg:$0x1c]  }
0x12b: {  	[tilespmem:s1], [sflag:$0x1] =	stream.indirect.gather [hbm4b:s12+s23], $0x1, s23, s23, $0xb8;
	[tilespmem:$0x2200] =	vst v63  }
0x12c: {  	s1 =	rddreg [dreg:$0x1d]  }
0x12d: {  	[tilespmem:s17], [sflag:$0x1] =	stream.indirect.gather [hbm4b:s13+s23], $0x1, s23, s23, $0xb8;
	[tilespmem:$0x2200] =	vst v63  }
0x12e: {  	s17 =	rddreg [dreg:$0x1e]  }
0x12f: {  	[tilespmem:s1], [sflag:$0x1] =	stream.indirect.gather [hbm4b:s14+s23], $0x1, s23, s23, $0xb8;
	[tilespmem:$0x2200] =	vst v63  }
0x130: {  	s1 =	rddreg [dreg:$0x1f]  }
0x131: {  	[tilespmem:s17], [sflag:$0x1] =	stream.indirect.gather [hbm4b:s15+s23], $0x1, s23, s23, $0xb8;
	[tilespmem:$0x2200] =	vst v63  }
0x132: {  	s17 =	sld [smem:$0x7DF]  }
0x133: {  	[tilespmem:s1], [sflag:$0x1] =	stream.indirect.gather [hbm4b:s18+s23], $0x1, s23, s23, $0xb8;
	[tilespmem:$0x2200] =	vst v63  }
0x134: {  	s1 =	sld [smem:$0x7E0]  }
0x135: {  	[tilespmem:s17], [sflag:$0x1] =	stream.indirect.gather [hbm4b:s19+s23], $0x1, s23, s23, $0xb8;
	[tilespmem:$0x2200] =	vst v63  }
0x136: {  	s17 =	sld [smem:$0x7E1]  }
0x137: {  	[tilespmem:s1], [sflag:$0x1] =	stream.indirect.gather [hbm4b:s20+s23], $0x1, s23, s23, $0xb8;
	[tilespmem:$0x2200] =	vst v63  }
0x138: {  	s1 =	sld [smem:$0x7E2]  }
0x139: {  	[tilespmem:s17], [sflag:$0x1] =	stream.indirect.gather [hbm4b:s21+s23], $0x1, s23, s23, $0xb8;
	[tilespmem:$0x2200] =	vst v63  }
0x13a: {  	s17 =	sld [smem:$0x7E3]  }
0x13b: {  	[tilespmem:s1], [sflag:$0x1] =	stream.indirect.gather [hbm4b:s22+s23], $0x1, s23, s23, $0xb8;
	[tilespmem:$0x2200] =	vst v63  }
0x13c: {  	s1 =	sld [smem:$0x7E4]  }
0x13d: {  	[tilespmem:s17], [sflag:$0x1] =	stream.indirect.gather [hbm4b:s5+s23], $0x1, s31, s23, $0xb8;
	[tilespmem:$0x2200] =	vst v63  }
0x13e: {  	s17 =	sld [smem:$0x7E5]  }
0x13f: {  	[tilespmem:s1], [sflag:$0x1] =	stream.indirect.gather [hbm4b:s6+s23], $0x1, s31, s23, $0xb8;
	[tilespmem:$0x2200] =	vst v63  }
0x140: {  	s1 =	sld [smem:$0x7E6]  }
0x141: {  	[tilespmem:s17], [sflag:$0x1] =	stream.indirect.gather [hbm4b:s7+s23], $0x1, s31, s23, $0xb8;
	[tilespmem:$0x2200] =	vst v63  }
0x142: {  	s17 =	sld [smem:$0x7E7]  }
0x143: {  	[tilespmem:s1], [sflag:$0x1] =	stream.indirect.gather [hbm4b:s8+s23], $0x1, s31, s23, $0xb8;
	[tilespmem:$0x2200] =	vst v63  }
0x144: {  	s1 =	sld [smem:$0x7E8]  }
0x145: {  	[tilespmem:s17], [sflag:$0x1] =	stream.indirect.gather [hbm4b:s9+s23], $0x1, s31, s23, $0xb8;
	[tilespmem:$0x2200] =	vst v63  }
0x146: {  	s17 =	sld [smem:$0x7E9]  }
0x147: {  	[tilespmem:s1], [sflag:$0x1] =	stream.indirect.gather [hbm4b:s10+s23], $0x1, s31, s23, $0xb8;
	[tilespmem:$0x2200] =	vst v63  }
0x148: {  	s1 =	sld [smem:$0x7EA]  }
0x149: {  	[tilespmem:s17], [sflag:$0x1] =	stream.indirect.gather [hbm4b:s11+s23], $0x1, s31, s23, $0xb8;
	[tilespmem:$0x2200] =	vst v63  }
0x14a: {  	s17 =	sld [smem:$0x7EB]  }
0x14b: {  	[tilespmem:s1], [sflag:$0x1] =	stream.indirect.gather [hbm4b:s12+s23], $0x1, s31, s23, $0xb8;
	[tilespmem:$0x2200] =	vst v63  }
0x14c: {  	s1 =	sld [smem:$0x7EC]  }
0x14d: {  	[tilespmem:s17], [sflag:$0x1] =	stream.indirect.gather [hbm4b:s13+s23], $0x1, s31, s23, $0xb8;
	[tilespmem:$0x2200] =	vst v63  }
0x14e: {  	s17 =	sld [smem:$0x7ED]  }
0x14f: {  	[tilespmem:s1], [sflag:$0x1] =	stream.indirect.gather [hbm4b:s14+s23], $0x1, s31, s23, $0xb8;
	[tilespmem:$0x2200] =	vst v63  }
0x150: {  	s1 =	sld [smem:$0x7EE]  }
0x151: {  	[tilespmem:s17], [sflag:$0x1] =	stream.indirect.gather [hbm4b:s15+s23], $0x1, s31, s23, $0xb8;
	[tilespmem:$0x2200] =	vst v63  }
0x152: {  	s17 =	sld [smem:$0x7EF]  }
0x153: {  	[tilespmem:s1], [sflag:$0x1] =	stream.indirect.gather [hbm4b:s18+s23], $0x1, s31, s23, $0xb8;
	[tilespmem:$0x2200] =	vst v63  }
0x154: {  	s1 =	sld [smem:$0x7F0]  }
0x155: {  	[tilespmem:s17], [sflag:$0x1] =	stream.indirect.gather [hbm4b:s19+s23], $0x1, s31, s23, $0xb8;
	[tilespmem:$0x2200] =	vst v63  }
0x156: {  	s17 =	sld [smem:$0x7F1]  }
0x157: {  	[tilespmem:s1], [sflag:$0x1] =	stream.indirect.gather [hbm4b:s20+s23], $0x1, s31, s23, $0xb8;
	[tilespmem:$0x2200] =	vst v63  }
0x158: {  	s1 =	sld [smem:$0x7F2]  }
0x159: {  	[tilespmem:s17], [sflag:$0x1] =	stream.indirect.gather [hbm4b:s21+s23], $0x1, s31, s23, $0xb8;
	[tilespmem:$0x2200] =	vst v63  }
0x15a: {  	s17 =	sld [smem:$0x7F3]  }
0x15b: {  	[tilespmem:s1], [sflag:$0x1] =	stream.indirect.gather [hbm4b:s22+s23], $0x1, s31, s23, $0xb8;
	[tilespmem:$0x2200] =	vst v63  }
0x15c: {  	s1 =	sld [smem:$0x7F4]  }
0x15d: {  	[tilespmem:s17], [sflag:$0x1] =	stream.indirect.gather [hbm4b:s5+s23], $0x1, s24, s23, $0xb8;
	[tilespmem:$0x2200] =	vst v63  }
0x15e: {  	s17 =	sld [smem:$0x7F5]  }
0x15f: {  	[tilespmem:s1], [sflag:$0x1] =	stream.indirect.gather [hbm4b:s6+s23], $0x1, s24, s23, $0xb8;
	[tilespmem:$0x2200] =	vst v63  }
0x160: {  	s1 =	sld [smem:$0x7F6]  }
0x161: {  	[tilespmem:s17], [sflag:$0x1] =	stream.indirect.gather [hbm4b:s7+s23], $0x1, s24, s23, $0xb8;
	[tilespmem:$0x2200] =	vst v63  }
0x162: {  	s17 =	sld [smem:$0x7F7]  }
0x163: {  	[tilespmem:s1], [sflag:$0x1] =	stream.indirect.gather [hbm4b:s8+s23], $0x1, s24, s23, $0xb8;
	[tilespmem:$0x2200] =	vst v63  }
0x164: {  	s1 =	sld [smem:$0x7F8]  }
0x165: {  	[tilespmem:s17], [sflag:$0x1] =	stream.indirect.gather [hbm4b:s9+s23], $0x1, s24, s23, $0xb8;
	[tilespmem:$0x2200] =	vst v63  }
0x166: {  	s17 =	sld [smem:$0x7F9]  }
0x167: {  	[tilespmem:s1], [sflag:$0x1] =	stream.indirect.gather [hbm4b:s10+s23], $0x1, s24, s23, $0xb8;
	[tilespmem:$0x2200] =	vst v63  }
0x168: {  	s1 =	sld [smem:$0x7FA]  }
0x169: {  	[tilespmem:s17], [sflag:$0x1] =	stream.indirect.gather [hbm4b:s11+s23], $0x1, s24, s23, $0xb8;
	[tilespmem:$0x2200] =	vst v63  }
0x16a: {  	s17 =	sld [smem:$0x7FB]  }
0x16b: {  	[tilespmem:s1], [sflag:$0x1] =	stream.indirect.gather [hbm4b:s12+s23], $0x1, s24, s23, $0xb8;
	[tilespmem:$0x2200] =	vst v63  }
0x16c: {  	s1 =	sld [smem:$0x7FC]  }
0x16d: {  	[tilespmem:s17], [sflag:$0x1] =	stream.indirect.gather [hbm4b:s13+s23], $0x1, s24, s23, $0xb8;
	[tilespmem:$0x2200] =	vst v63  }
0x16e: {  	s17 =	sld [smem:$0x7FD]  }
0x16f: {  	[tilespmem:s1], [sflag:$0x1] =	stream.indirect.gather [hbm4b:s14+s23], $0x1, s24, s23, $0xb8;
	[tilespmem:$0x2200] =	vst v63  }
0x170: {  	_ = 	snop  }
0x171: {  	[tilespmem:s17], [sflag:$0x1] =	stream.indirect.gather [hbm4b:s15+s23], $0x1, s24, s23, $0xb8;
	[tilespmem:$0x2200] =	vst v63  }
0x172: {  	s17 =	simm.s32 $0x1980  }
0x173: {  	[tilespmem:s17], [sflag:$0x1] =	stream.indirect.gather [hbm4b:s18+s23], $0x1, s24, s23, $0xb8;
	[tilespmem:$0x2200] =	vst v63  }
0x174: {  	_ = 	snop  }
0x175: {  	[tilespmem:s28], [sflag:$0x1] =	stream.indirect.gather [hbm4b:s19+s23], $0x1, s24, s23, $0xb8;
	[tilespmem:$0x2200] =	vst v63  }
0x176: {  	_ = 	snop  }
0x177: {  	[tilespmem:s29], [sflag:$0x1] =	stream.indirect.gather [hbm4b:s20+s23], $0x1, s24, s23, $0xb8;
	[tilespmem:$0x2200] =	vst v63  }
0x178: {  	_ = 	snop  }
0x179: {  	[tilespmem:s30], [sflag:$0x1] =	stream.indirect.gather [hbm4b:s21+s23], $0x1, s24, s23, $0xb8;
	[tilespmem:$0x2200] =	vst v63  }
0x17a: {  	_ = 	snop  }
0x17b: {  	[tilespmem:s26], [sflag:$0x1] =	stream.indirect.gather [hbm4b:s22+s23], $0x1, s24, s23, $0xb8;
	[tilespmem:$0x2200] =	vst v63  }
0x17c: {  	_ =	swait.ge [sflag:s16], $0x200  }
0x17d: {  	[sflag:s16] =	ssyncset.done $0x0  }
0x17e: {  	[sflag:s16] =	ssyncadd.s32 $0xFFFFFE00  }
0x17f: {  	_ =	swait.ge [sflag:s16], $0x200  }
0x180: {  	[sflag:s16] =	ssyncset.done $0x0  }
0x181: {  	[sflag:s16] =	ssyncadd.s32 $0xFFFFFE00  }
0x182: {  	_ =	swait.ge [sflag:s16], $0x200  }
0x183: {  	[sflag:s16] =	ssyncset.done $0x0  }
0x184: {  	[sflag:s16] =	ssyncadd.s32 $0xFFFFFE00  }
0x185: {  	_ =	swait.ge [sflag:s16], $0x200  }
0x186: {  	[sflag:s16] =	ssyncset.done $0x0  }
0x187: {  	[sflag:s16] =	ssyncadd.s32 $0xFFFFFE00  }
0x188: {  	_ =	swait.ge [sflag:s16], $0x200  }
0x189: {  	[sflag:s16] =	ssyncset.done $0x0  }
0x18a: {  	[sflag:s16] =	ssyncadd.s32 $0xFFFFFE00  }
0x18b: {  	_ =	swait.ge [sflag:s16], $0x200  }
0x18c: {  	[sflag:s16] =	ssyncset.done $0x0  }
0x18d: {  	[sflag:s16] =	ssyncadd.s32 $0xFFFFFE00  }
0x18e: {  	_ =	swait.ge [sflag:s16], $0x200  }
0x18f: {  	[sflag:s16] =	ssyncset.done $0x0  }
0x190: {  	[sflag:s16] =	ssyncadd.s32 $0xFFFFFE00  }
0x191: {  	_ =	swait.ge [sflag:s16], $0x200  }
0x192: {  	[sflag:s16] =	ssyncset.done $0x0  }
0x193: {  	[sflag:s16] =	ssyncadd.s32 $0xFFFFFE00  }
0x194: {  	_ =	swait.ge [sflag:s16], $0x200  }
0x195: {  	[sflag:s16] =	ssyncset.done $0x0  }
0x196: {  	[sflag:s16] =	ssyncadd.s32 $0xFFFFFE00  }
0x197: {  	_ =	swait.ge [sflag:s16], $0x200  }
0x198: {  	[sflag:s16] =	ssyncset.done $0x0  }
0x199: {  	[sflag:s16] =	ssyncadd.s32 $0xFFFFFE00  }
0x19a: {  	_ =	swait.ge [sflag:s16], $0x200  }
0x19b: {  	[sflag:s16] =	ssyncset.done $0x0  }
0x19c: {  	[sflag:s16] =	ssyncadd.s32 $0xFFFFFE00  }
0x19d: {  	_ =	swait.ge [sflag:s16], $0x200  }
0x19e: {  	[sflag:s16] =	ssyncset.done $0x0  }
0x19f: {  	[sflag:s16] =	ssyncadd.s32 $0xFFFFFE00  }
0x1a0: {  	_ =	swait.ge [sflag:s16], $0x200  }
0x1a1: {  	[sflag:s16] =	ssyncset.done $0x0  }
0x1a2: {  	[sflag:s16] =	ssyncadd.s32 $0xFFFFFE00  }
0x1a3: {  	_ =	swait.ge [sflag:s16], $0x200  }
0x1a4: {  	[sflag:s16] =	ssyncset.done $0x0  }
0x1a5: {  	[sflag:s16] =	ssyncadd.s32 $0xFFFFFE00  }
0x1a6: {  	_ =	swait.ge [sflag:s16], $0x200  }
0x1a7: {  	[sflag:s16] =	ssyncset.done $0x0  }
0x1a8: {  	[sflag:s16] =	ssyncadd.s32 $0xFFFFFE00  }
0x1a9: {  	p1 =	sne.s32 s0, $0x1;
	_ =	swait.ge [sflag:s16], $0x200  }
.Ltmp2:
0x1aa: {  	[sflag:s16] =	ssyncset.done $0x0;
	(pc) =	sbr.rel @p1 .LBB2_4-.Ltmp2, $4  }
0x1ab: {  	s17 =	rddreg [dreg:$0x4];
	[sflag:s16] =	ssyncadd.s32 $0xFFFFFE00  }
0x1ac: {  	[hbm4b:s17+s4] =	stream.strided.scatter [tilespmem:s4], [sflag:$0x2], $0x2000, s25, s4, $0x38;
	[tilespmem:$0x2200] =	vst v63  }
0x1ad: {  	_ =	swait.ge [sflag:s2], $0x2000  }
0x1ae: {  	s0 =	sadd.s32 $0xFFFFFFFF, s0;
	s1 =	rddreg [dreg:$0x3];
	[sflag:s2] =	ssyncset.done $0x0  }
0x1af: {  	s25 =	simm.s32 $0x2180;
	s30 =	simm.s32 $0x1F80;
	s29 =	simm.s32 $0x1D80  }
0x1b0: {  	s28 =	simm.s32 $0x1B80;
	s26 =	simm.s32 $0x1980;
	s17 =	rddreg [dreg:$0x2]  }
.LBB2_6:
0x1b1: {  	[sflag:s2] =	ssyncadd.s32 @p0 $0xFFFFE000  }
0x1b2: {  	[tilespmem:s3], [sflag:$0x2] =	stream.linear.gather [hbm4b:s1+s3], $0x200, $0x38;
	[tilespmem:$0x2200] =	vst v63  }
0x1b3: {  	_ =	swait.ge [sflag:s2], $0x200  }
0x1b4: {  	[sflag:s2] =	ssyncset.done $0x0  }
0x1b5: {  	s0 =	rddreg [dreg:$0x5];
	[sflag:s2] =	ssyncadd.s32 $0xFFFFFE00  }
0x1b6: {  	[tilespmem:s4], [sflag:$0x1] =	stream.indirect.gather [hbm4b:s5+s23], $0x1, s3, s23, $0xb8;
	[tilespmem:$0x2200] =	vst v63  }
0x1b7: {  	s1 =	rddreg [dreg:$0x6]  }
0x1b8: {  	[tilespmem:s0], [sflag:$0x1] =	stream.indirect.gather [hbm4b:s6+s23], $0x1, s3, s23, $0xb8;
	[tilespmem:$0x2200] =	vst v63  }
0x1b9: {  	s0 =	rddreg [dreg:$0x7]  }
0x1ba: {  	[tilespmem:s1], [sflag:$0x1] =	stream.indirect.gather [hbm4b:s7+s23], $0x1, s3, s23, $0xb8;
	[tilespmem:$0x2200] =	vst v63  }
0x1bb: {  	s1 =	rddreg [dreg:$0x8]  }
0x1bc: {  	[tilespmem:s0], [sflag:$0x1] =	stream.indirect.gather [hbm4b:s8+s23], $0x1, s3, s23, $0xb8;
	[tilespmem:$0x2200] =	vst v63  }
0x1bd: {  	s0 =	rddreg [dreg:$0x9]  }
0x1be: {  	[tilespmem:s1], [sflag:$0x1] =	stream.indirect.gather [hbm4b:s9+s23], $0x1, s3, s23, $0xb8;
	[tilespmem:$0x2200] =	vst v63  }
0x1bf: {  	s1 =	rddreg [dreg:$0xa]  }
0x1c0: {  	[tilespmem:s0], [sflag:$0x1] =	stream.indirect.gather [hbm4b:s10+s23], $0x1, s3, s23, $0xb8;
	[tilespmem:$0x2200] =	vst v63  }
0x1c1: {  	s0 =	rddreg [dreg:$0xb]  }
0x1c2: {  	[tilespmem:s1], [sflag:$0x1] =	stream.indirect.gather [hbm4b:s11+s23], $0x1, s3, s23, $0xb8;
	[tilespmem:$0x2200] =	vst v63  }
0x1c3: {  	s1 =	rddreg [dreg:$0xc]  }
0x1c4: {  	[tilespmem:s0], [sflag:$0x1] =	stream.indirect.gather [hbm4b:s12+s23], $0x1, s3, s23, $0xb8;
	[tilespmem:$0x2200] =	vst v63  }
0x1c5: {  	s0 =	rddreg [dreg:$0xd]  }
0x1c6: {  	[tilespmem:s1], [sflag:$0x1] =	stream.indirect.gather [hbm4b:s13+s23], $0x1, s3, s23, $0xb8;
	[tilespmem:$0x2200] =	vst v63  }
0x1c7: {  	s1 =	rddreg [dreg:$0xe]  }
0x1c8: {  	[tilespmem:s0], [sflag:$0x1] =	stream.indirect.gather [hbm4b:s14+s23], $0x1, s3, s23, $0xb8;
	[tilespmem:$0x2200] =	vst v63  }
0x1c9: {  	s0 =	rddreg [dreg:$0xf]  }
0x1ca: {  	[tilespmem:s1], [sflag:$0x1] =	stream.indirect.gather [hbm4b:s15+s23], $0x1, s3, s23, $0xb8;
	[tilespmem:$0x2200] =	vst v63  }
0x1cb: {  	s1 =	rddreg [dreg:$0x10]  }
0x1cc: {  	[tilespmem:s0], [sflag:$0x1] =	stream.indirect.gather [hbm4b:s18+s23], $0x1, s3, s23, $0xb8;
	[tilespmem:$0x2200] =	vst v63  }
0x1cd: {  	s0 =	rddreg [dreg:$0x11]  }
0x1ce: {  	[tilespmem:s1], [sflag:$0x1] =	stream.indirect.gather [hbm4b:s19+s23], $0x1, s3, s23, $0xb8;
	[tilespmem:$0x2200] =	vst v63  }
0x1cf: {  	s1 =	rddreg [dreg:$0x12]  }
0x1d0: {  	[tilespmem:s0], [sflag:$0x1] =	stream.indirect.gather [hbm4b:s20+s23], $0x1, s3, s23, $0xb8;
	[tilespmem:$0x2200] =	vst v63  }
0x1d1: {  	s0 =	rddreg [dreg:$0x13]  }
0x1d2: {  	[tilespmem:s1], [sflag:$0x1] =	stream.indirect.gather [hbm4b:s21+s23], $0x1, s3, s23, $0xb8;
	[tilespmem:$0x2200] =	vst v63  }
0x1d3: {  	s1 =	rddreg [dreg:$0x14]  }
0x1d4: {  	[tilespmem:s0], [sflag:$0x1] =	stream.indirect.gather [hbm4b:s22+s23], $0x1, s3, s23, $0xb8;
	[tilespmem:$0x2200] =	vst v63  }
0x1d5: {  	s3 =	rddreg [dreg:$0x15]  }
0x1d6: {  	[tilespmem:s1], [sflag:$0x1] =	stream.indirect.gather [hbm4b:s5+s23], $0x1, s23, s23, $0xb8;
	[tilespmem:$0x2200] =	vst v63  }
0x1d7: {  	s1 =	rddreg [dreg:$0x16]  }
0x1d8: {  	[tilespmem:s3], [sflag:$0x1] =	stream.indirect.gather [hbm4b:s6+s23], $0x1, s23, s23, $0xb8;
	[tilespmem:$0x2200] =	vst v63  }
0x1d9: {  	s3 =	rddreg [dreg:$0x17]  }
0x1da: {  	[tilespmem:s1], [sflag:$0x1] =	stream.indirect.gather [hbm4b:s7+s23], $0x1, s23, s23, $0xb8;
	[tilespmem:$0x2200] =	vst v63  }
0x1db: {  	s1 =	rddreg [dreg:$0x18]  }
0x1dc: {  	[tilespmem:s3], [sflag:$0x1] =	stream.indirect.gather [hbm4b:s8+s23], $0x1, s23, s23, $0xb8;
	[tilespmem:$0x2200] =	vst v63  }
0x1dd: {  	s3 =	rddreg [dreg:$0x19]  }
0x1de: {  	[tilespmem:s1], [sflag:$0x1] =	stream.indirect.gather [hbm4b:s9+s23], $0x1, s23, s23, $0xb8;
	[tilespmem:$0x2200] =	vst v63  }
0x1df: {  	s1 =	rddreg [dreg:$0x1a]  }
0x1e0: {  	[tilespmem:s3], [sflag:$0x1] =	stream.indirect.gather [hbm4b:s10+s23], $0x1, s23, s23, $0xb8;
	[tilespmem:$0x2200] =	vst v63  }
0x1e1: {  	s3 =	rddreg [dreg:$0x1b]  }
0x1e2: {  	[tilespmem:s1], [sflag:$0x1] =	stream.indirect.gather [hbm4b:s11+s23], $0x1, s23, s23, $0xb8;
	[tilespmem:$0x2200] =	vst v63  }
0x1e3: {  	s1 =	rddreg [dreg:$0x1c]  }
0x1e4: {  	[tilespmem:s3], [sflag:$0x1] =	stream.indirect.gather [hbm4b:s12+s23], $0x1, s23, s23, $0xb8;
	[tilespmem:$0x2200] =	vst v63  }
0x1e5: {  	s3 =	rddreg [dreg:$0x1d]  }
0x1e6: {  	[tilespmem:s1], [sflag:$0x1] =	stream.indirect.gather [hbm4b:s13+s23], $0x1, s23, s23, $0xb8;
	[tilespmem:$0x2200] =	vst v63  }
0x1e7: {  	s1 =	rddreg [dreg:$0x1e]  }
0x1e8: {  	[tilespmem:s3], [sflag:$0x1] =	stream.indirect.gather [hbm4b:s14+s23], $0x1, s23, s23, $0xb8;
	[tilespmem:$0x2200] =	vst v63  }
0x1e9: {  	s3 =	rddreg [dreg:$0x1f]  }
0x1ea: {  	[tilespmem:s1], [sflag:$0x1] =	stream.indirect.gather [hbm4b:s15+s23], $0x1, s23, s23, $0xb8;
	[tilespmem:$0x2200] =	vst v63  }
0x1eb: {  	s1 =	sld [smem:$0x7DF]  }
0x1ec: {  	[tilespmem:s3], [sflag:$0x1] =	stream.indirect.gather [hbm4b:s18+s23], $0x1, s23, s23, $0xb8;
	[tilespmem:$0x2200] =	vst v63  }
0x1ed: {  	s3 =	sld [smem:$0x7E0]  }
0x1ee: {  	[tilespmem:s1], [sflag:$0x1] =	stream.indirect.gather [hbm4b:s19+s23], $0x1, s23, s23, $0xb8;
	[tilespmem:$0x2200] =	vst v63  }
0x1ef: {  	s1 =	sld [smem:$0x7E1]  }
0x1f0: {  	[tilespmem:s3], [sflag:$0x1] =	stream.indirect.gather [hbm4b:s20+s23], $0x1, s23, s23, $0xb8;
	[tilespmem:$0x2200] =	vst v63  }
0x1f1: {  	s3 =	sld [smem:$0x7E2]  }
0x1f2: {  	[tilespmem:s1], [sflag:$0x1] =	stream.indirect.gather [hbm4b:s21+s23], $0x1, s23, s23, $0xb8;
	[tilespmem:$0x2200] =	vst v63  }
0x1f3: {  	s1 =	sld [smem:$0x7E3]  }
0x1f4: {  	[tilespmem:s3], [sflag:$0x1] =	stream.indirect.gather [hbm4b:s22+s23], $0x1, s23, s23, $0xb8;
	[tilespmem:$0x2200] =	vst v63  }
0x1f5: {  	s3 =	sld [smem:$0x7E4]  }
0x1f6: {  	[tilespmem:s1], [sflag:$0x1] =	stream.indirect.gather [hbm4b:s5+s23], $0x1, s31, s23, $0xb8;
	[tilespmem:$0x2200] =	vst v63  }
0x1f7: {  	s1 =	sld [smem:$0x7E5]  }
0x1f8: {  	[tilespmem:s3], [sflag:$0x1] =	stream.indirect.gather [hbm4b:s6+s23], $0x1, s31, s23, $0xb8;
	[tilespmem:$0x2200] =	vst v63  }
0x1f9: {  	s3 =	sld [smem:$0x7E6]  }
0x1fa: {  	[tilespmem:s1], [sflag:$0x1] =	stream.indirect.gather [hbm4b:s7+s23], $0x1, s31, s23, $0xb8;
	[tilespmem:$0x2200] =	vst v63  }
0x1fb: {  	s1 =	sld [smem:$0x7E7]  }
0x1fc: {  	[tilespmem:s3], [sflag:$0x1] =	stream.indirect.gather [hbm4b:s8+s23], $0x1, s31, s23, $0xb8;
	[tilespmem:$0x2200] =	vst v63  }
0x1fd: {  	s3 =	sld [smem:$0x7E8]  }
0x1fe: {  	[tilespmem:s1], [sflag:$0x1] =	stream.indirect.gather [hbm4b:s9+s23], $0x1, s31, s23, $0xb8;
	[tilespmem:$0x2200] =	vst v63  }
0x1ff: {  	s1 =	sld [smem:$0x7E9]  }
0x200: {  	[tilespmem:s3], [sflag:$0x1] =	stream.indirect.gather [hbm4b:s10+s23], $0x1, s31, s23, $0xb8;
	[tilespmem:$0x2200] =	vst v63  }
0x201: {  	s3 =	sld [smem:$0x7EA]  }
0x202: {  	[tilespmem:s1], [sflag:$0x1] =	stream.indirect.gather [hbm4b:s11+s23], $0x1, s31, s23, $0xb8;
	[tilespmem:$0x2200] =	vst v63  }
0x203: {  	s1 =	sld [smem:$0x7EB]  }
0x204: {  	[tilespmem:s3], [sflag:$0x1] =	stream.indirect.gather [hbm4b:s12+s23], $0x1, s31, s23, $0xb8;
	[tilespmem:$0x2200] =	vst v63  }
0x205: {  	s3 =	sld [smem:$0x7EC]  }
0x206: {  	[tilespmem:s1], [sflag:$0x1] =	stream.indirect.gather [hbm4b:s13+s23], $0x1, s31, s23, $0xb8;
	[tilespmem:$0x2200] =	vst v63  }
0x207: {  	s1 =	sld [smem:$0x7ED]  }
0x208: {  	[tilespmem:s3], [sflag:$0x1] =	stream.indirect.gather [hbm4b:s14+s23], $0x1, s31, s23, $0xb8;
	[tilespmem:$0x2200] =	vst v63  }
0x209: {  	s3 =	sld [smem:$0x7EE]  }
0x20a: {  	[tilespmem:s1], [sflag:$0x1] =	stream.indirect.gather [hbm4b:s15+s23], $0x1, s31, s23, $0xb8;
	[tilespmem:$0x2200] =	vst v63  }
0x20b: {  	s1 =	sld [smem:$0x7EF]  }
0x20c: {  	[tilespmem:s3], [sflag:$0x1] =	stream.indirect.gather [hbm4b:s18+s23], $0x1, s31, s23, $0xb8;
	[tilespmem:$0x2200] =	vst v63  }
0x20d: {  	s3 =	sld [smem:$0x7F0]  }
0x20e: {  	[tilespmem:s1], [sflag:$0x1] =	stream.indirect.gather [hbm4b:s19+s23], $0x1, s31, s23, $0xb8;
	[tilespmem:$0x2200] =	vst v63  }
0x20f: {  	s1 =	sld [smem:$0x7F1]  }
0x210: {  	[tilespmem:s3], [sflag:$0x1] =	stream.indirect.gather [hbm4b:s20+s23], $0x1, s31, s23, $0xb8;
	[tilespmem:$0x2200] =	vst v63  }
0x211: {  	s3 =	sld [smem:$0x7F2]  }
0x212: {  	[tilespmem:s1], [sflag:$0x1] =	stream.indirect.gather [hbm4b:s21+s23], $0x1, s31, s23, $0xb8;
	[tilespmem:$0x2200] =	vst v63  }
0x213: {  	s1 =	sld [smem:$0x7F3]  }
0x214: {  	[tilespmem:s3], [sflag:$0x1] =	stream.indirect.gather [hbm4b:s22+s23], $0x1, s31, s23, $0xb8;
	[tilespmem:$0x2200] =	vst v63  }
0x215: {  	s3 =	sld [smem:$0x7F4]  }
0x216: {  	[tilespmem:s1], [sflag:$0x1] =	stream.indirect.gather [hbm4b:s5+s23], $0x1, s24, s23, $0xb8;
	[tilespmem:$0x2200] =	vst v63  }
0x217: {  	s5 =	sld [smem:$0x7F5]  }
0x218: {  	[tilespmem:s3], [sflag:$0x1] =	stream.indirect.gather [hbm4b:s6+s23], $0x1, s24, s23, $0xb8;
	[tilespmem:$0x2200] =	vst v63  }
0x219: {  	s6 =	sld [smem:$0x7F6]  }
0x21a: {  	[tilespmem:s5], [sflag:$0x1] =	stream.indirect.gather [hbm4b:s7+s23], $0x1, s24, s23, $0xb8;
	[tilespmem:$0x2200] =	vst v63  }
0x21b: {  	s7 =	sld [smem:$0x7F7]  }
0x21c: {  	[tilespmem:s6], [sflag:$0x1] =	stream.indirect.gather [hbm4b:s8+s23], $0x1, s24, s23, $0xb8;
	[tilespmem:$0x2200] =	vst v63  }
0x21d: {  	s8 =	sld [smem:$0x7F8]  }
0x21e: {  	[tilespmem:s7], [sflag:$0x1] =	stream.indirect.gather [hbm4b:s9+s23], $0x1, s24, s23, $0xb8;
	[tilespmem:$0x2200] =	vst v63  }
0x21f: {  	s9 =	sld [smem:$0x7F9]  }
0x220: {  	[tilespmem:s8], [sflag:$0x1] =	stream.indirect.gather [hbm4b:s10+s23], $0x1, s24, s23, $0xb8;
	[tilespmem:$0x2200] =	vst v63  }
0x221: {  	s10 =	sld [smem:$0x7FA]  }
0x222: {  	[tilespmem:s9], [sflag:$0x1] =	stream.indirect.gather [hbm4b:s11+s23], $0x1, s24, s23, $0xb8;
	[tilespmem:$0x2200] =	vst v63  }
0x223: {  	s11 =	sld [smem:$0x7FB]  }
0x224: {  	[tilespmem:s10], [sflag:$0x1] =	stream.indirect.gather [hbm4b:s12+s23], $0x1, s24, s23, $0xb8;
	[tilespmem:$0x2200] =	vst v63  }
0x225: {  	s12 =	sld [smem:$0x7FC]  }
0x226: {  	[tilespmem:s11], [sflag:$0x1] =	stream.indirect.gather [hbm4b:s13+s23], $0x1, s24, s23, $0xb8;
	[tilespmem:$0x2200] =	vst v63  }
0x227: {  	s13 =	sld [smem:$0x7FD]  }
0x228: {  	[tilespmem:s12], [sflag:$0x1] =	stream.indirect.gather [hbm4b:s14+s23], $0x1, s24, s23, $0xb8;
	[tilespmem:$0x2200] =	vst v63  }
0x229: {  	_ = 	snop  }
0x22a: {  	[tilespmem:s13], [sflag:$0x1] =	stream.indirect.gather [hbm4b:s15+s23], $0x1, s24, s23, $0xb8;
	[tilespmem:$0x2200] =	vst v63  }
0x22b: {  	_ = 	snop  }
0x22c: {  	[tilespmem:s26], [sflag:$0x1] =	stream.indirect.gather [hbm4b:s18+s23], $0x1, s24, s23, $0xb8;
	[tilespmem:$0x2200] =	vst v63  }
0x22d: {  	_ = 	snop  }
0x22e: {  	[tilespmem:s28], [sflag:$0x1] =	stream.indirect.gather [hbm4b:s19+s23], $0x1, s24, s23, $0xb8;
	[tilespmem:$0x2200] =	vst v63  }
0x22f: {  	_ = 	snop  }
0x230: {  	[tilespmem:s29], [sflag:$0x1] =	stream.indirect.gather [hbm4b:s20+s23], $0x1, s24, s23, $0xb8;
	[tilespmem:$0x2200] =	vst v63  }
0x231: {  	_ = 	snop  }
0x232: {  	[tilespmem:s30], [sflag:$0x1] =	stream.indirect.gather [hbm4b:s21+s23], $0x1, s24, s23, $0xb8;
	[tilespmem:$0x2200] =	vst v63  }
0x233: {  	_ = 	snop  }
0x234: {  	[tilespmem:s25], [sflag:$0x1] =	stream.indirect.gather [hbm4b:s22+s23], $0x1, s24, s23, $0xb8;
	[tilespmem:$0x2200] =	vst v63  }
0x235: {  	_ =	swait.ge [sflag:s16], $0x200  }
0x236: {  	[sflag:s16] =	ssyncset.done $0x0  }
0x237: {  	[sflag:s16] =	ssyncadd.s32 $0xFFFFFE00  }
0x238: {  	_ =	swait.ge [sflag:s16], $0x200  }
0x239: {  	[sflag:s16] =	ssyncset.done $0x0  }
0x23a: {  	[sflag:s16] =	ssyncadd.s32 $0xFFFFFE00  }
0x23b: {  	_ =	swait.ge [sflag:s16], $0x200  }
0x23c: {  	[sflag:s16] =	ssyncset.done $0x0  }
0x23d: {  	[sflag:s16] =	ssyncadd.s32 $0xFFFFFE00  }
0x23e: {  	_ =	swait.ge [sflag:s16], $0x200  }
0x23f: {  	[sflag:s16] =	ssyncset.done $0x0  }
0x240: {  	[sflag:s16] =	ssyncadd.s32 $0xFFFFFE00  }
0x241: {  	_ =	swait.ge [sflag:s16], $0x200  }
0x242: {  	[sflag:s16] =	ssyncset.done $0x0  }
0x243: {  	[sflag:s16] =	ssyncadd.s32 $0xFFFFFE00  }
0x244: {  	_ =	swait.ge [sflag:s16], $0x200  }
0x245: {  	[sflag:s16] =	ssyncset.done $0x0  }
0x246: {  	[sflag:s16] =	ssyncadd.s32 $0xFFFFFE00  }
0x247: {  	_ =	swait.ge [sflag:s16], $0x200  }
0x248: {  	[sflag:s16] =	ssyncset.done $0x0  }
0x249: {  	[sflag:s16] =	ssyncadd.s32 $0xFFFFFE00  }
0x24a: {  	_ =	swait.ge [sflag:s16], $0x200  }
0x24b: {  	[sflag:s16] =	ssyncset.done $0x0  }
0x24c: {  	[sflag:s16] =	ssyncadd.s32 $0xFFFFFE00  }
0x24d: {  	_ =	swait.ge [sflag:s16], $0x200  }
0x24e: {  	[sflag:s16] =	ssyncset.done $0x0  }
0x24f: {  	[sflag:s16] =	ssyncadd.s32 $0xFFFFFE00  }
0x250: {  	_ =	swait.ge [sflag:s16], $0x200  }
0x251: {  	[sflag:s16] =	ssyncset.done $0x0  }
0x252: {  	[sflag:s16] =	ssyncadd.s32 $0xFFFFFE00  }
0x253: {  	_ =	swait.ge [sflag:s16], $0x200  }
0x254: {  	[sflag:s16] =	ssyncset.done $0x0  }
0x255: {  	[sflag:s16] =	ssyncadd.s32 $0xFFFFFE00  }
0x256: {  	_ =	swait.ge [sflag:s16], $0x200  }
0x257: {  	[sflag:s16] =	ssyncset.done $0x0  }
0x258: {  	[sflag:s16] =	ssyncadd.s32 $0xFFFFFE00  }
0x259: {  	_ =	swait.ge [sflag:s16], $0x200  }
0x25a: {  	[sflag:s16] =	ssyncset.done $0x0  }
0x25b: {  	[sflag:s16] =	ssyncadd.s32 $0xFFFFFE00  }
0x25c: {  	_ =	swait.ge [sflag:s16], $0x200  }
0x25d: {  	[sflag:s16] =	ssyncset.done $0x0  }
0x25e: {  	[sflag:s16] =	ssyncadd.s32 $0xFFFFFE00  }
0x25f: {  	_ =	swait.ge [sflag:s16], $0x200  }
0x260: {  	[sflag:s16] =	ssyncset.done $0x0  }
0x261: {  	[sflag:s16] =	ssyncadd.s32 $0xFFFFFE00  }
0x262: {  	_ =	swait.ge [sflag:s16], $0x200  }
0x263: {  	[sflag:s16] =	ssyncset.done $0x0  }
0x264: {  	s30 =	simm.s32 $0x4000;
	s29 =	rddreg [dreg:$0x4];
	[sflag:s16] =	ssyncadd.s32 $0xFFFFFE00  }
0x265: {  	[hbm4b:s29+s4] =	stream.strided.scatter [tilespmem:s4], [sflag:$0x2], $0x2000, s30, s4, $0x38;
	[tilespmem:$0x2200] =	vst v63  }
0x266: {  	_ =	swait.ge [sflag:s2], $0x2000  }
0x267: {  	[sflag:s2] =	ssyncset.done $0x0  }
0x268: {  	[sflag:s2] =	ssyncadd.s32 $0xFFFFE000  }
0x269: {  	_ =	sfence.sel $0x180000  }
0x26a: {  	s31 =	stileid.u32;
	[bflag:$0x0] =	sbarrier.arrive $0xFFFF  }
0x26b: {  	p0 =	sne.s32 s31, $0x0;
	_ =	strace $0x9000004A  }
0x26c: {  	s0 =	sadd.s32 @!p0 $0x100000, s17;
	[bflag:$0x2] =	sbarrier.arrive $0xFFFF  }
0x26d: {  	[sflag:s0] =	ssyncadd.tile.s32 @!p0 $0x1;
	_ =	shalt  }
.LBB2_1:
.Ltmp3:
0x26e: {  	(pc) =	sbr.rel .LBB2_6-.Ltmp3, $3  }
0x26f: {  	_ =	sdelay $0x1  }
0x270: {  	s25 =	simm.s32 $0x2180;
	s30 =	simm.s32 $0x1F80  }
0x271: {  	s29 =	simm.s32 $0x1D80;
	s28 =	simm.s32 $0x1B80;
	s26 =	simm.s32 $0x1980  }
.LBB2_3:
.Ltmp4:
0x272: {  	(pc) =	sbr.rel .LBB2_6-.Ltmp4, $3  }
0x273: {  	_ =	sdelay $0x1  }
0x274: {  	s25 =	simm.s32 $0x2180;
	s30 =	simm.s32 $0x1F80;
	s29 =	simm.s32 $0x1D80  }
0x275: {  	s28 =	simm.s32 $0x1B80;
	s26 =	simm.s32 $0x1980;
	s17 =	rddreg [dreg:$0x2]  }
.Lfunc_end2:
_tile_overlayer_lowered:
.L_overlay_start_2:
0x276: {  	(tag) =	ssettag $0x2  }
0x277: {  	s0 =	rddreg [dreg:$0x0];
	s2 =	stileid.u32  }
0x278: {  	s1 =	rddreg [dreg:$0x1];
	p0 =	sne.s32 s2, $0x0  }
0x279: {  	s3 =	rddreg [dreg:$0x2];
	[bflag:$0x3] =	sbarrier.arrive $0xFFFF;
	s2 =	simm.s32 @!p0 $0x1C02  }
0x27a: {  	[timem:s3], [sflag:s2] =	dma.local @!p0 [hbm:s0], s1  }
0x27b: {  	s0 =	simm.s32 @!p0 $0x2  }
0x27c: {  	_ =	swait.ge @!p0 [sflag:s0], s1  }
0x27d: {  	s1 =	ssub.s32 @!p0 $0x0, s1;
	[sflag:s0] =	ssyncset.done @!p0 $0x0  }
0x27e: {  	[sflag:s0] =	ssyncadd.s32 @!p0 s1  }
0x27f: {  	[bflag:$0x3] =	sbarrier.arrive $0xFFFF  }
0x280: {  	_ =	shalt  }

// kernel: kernel.7.cloned.1.call-start
scs
__scs_entry_jumppad:
0x0: {  	(pc) =	sbr.rel $0x88, $3  }
0x1: {  	(tag) =	ssettag $0x0;
	lr =	simm.s32 $0x1  }
0x2: {  	[smem:$0x3F92] =	sst lr;
	_ =	strace $0xD0000000  }
0x3: {  	_ = 	snop  }
0x4: {  	_ = 	snop  }
0x5: {  	_ = 	snop  }
0x6: {  	_ = 	snop  }
0x7: {  	_ = 	snop  }
__scs_overlays_trampoline_lowered:
0x8: {  	[smem:$0x3FA1] =	sst s0  }
0x9: {  	[smem:$0x3FA2] =	sst s1  }
0xa: {  	[smem:$0x3FA3] =	sst s2  }
0xb: {  	[smem:$0x3FA4] =	sst s3  }
0xc: {  	[smem:$0x3FA5] =	sst s4  }
0xd: {  	[smem:$0x3FA6] =	sst s5  }
0xe: {  	[smem:$0x3FA7] =	sst s6  }
0xf: {  	[smem:$0x3FA8] =	sst s7  }
0x10: {  	[smem:$0x3FA9] =	sst s8  }
0x11: {  	[smem:$0x3FAA] =	sst s9;
	s0 =	simm.s32 @!p0 $0x0  }
0x12: {  	s1 =	sld [smem:$0x3F90];
	s0 =	simm.s32 @p0 $0x1  }
0x13: {  	[smem:$0x3FAB] =	sst s0;
	s0 =	simm.s32 @!p1 $0x0  }
0x14: {  	s2 =	sld [smem:$0x3F8F];
	s0 =	simm.s32 @p1 $0x1  }
0x15: {  	[smem:$0x3FAC] =	sst s0;
	s0 =	simm.s32 @!p2 $0x0  }
0x16: {  	s3 =	sld [smem:$0x3FDB];
	s0 =	simm.s32 @p2 $0x1  }
0x17: {  	s4 =	simm.s32 $0x1BF5;
	[smem:$0x3FAE] =	sst s0  }
0x18: {  	s0 =	sld [smem:$0x3F91];
	_ =	swait.ge [sflag:s4], $0x0  }
0x19: {  	s7 =	sld [smem:$0x3F92]  }
0x1a: {  	s8 =	sadd.s32 $0xFFFFE003, lr  }
0x1b: {  	s9 =	sadd.s32 $0xFFFFFEF7, lr;
	s5 =	simm.s32 $0xFFFFFFFF;
	p2 =	slt.u32 s8, $0xFFFFF086  }
0x1c: {  	p1 =	slt.u32 s9, $0xF7A;
	s5 =	simm.s32 @!p2 $0x0  }
0x1d: {  	s5 =	simm.s32 @p1 $0x1;
	p0 =	seq.s32 s7, s2  }
0x1e: {  	s7 =	smul.u32 @!p0 $0xF7A, s2;
	p2 =	seq.s32 @!p0 s5, $0x0  }
0x1f: {  	s9 =	smul.u32 $0xF7A, s1;
	s8 =	simm.s32 @!p0 $0x1BF5;
	p2 =	por !p2, p0  }
0x20: {  	[sflag:s8] =	ssyncset.s32 @!p0 $0xFFFFF086;
	s6 =	sadd.s32 @!p0 s3, s7;
	s7 =	simm.s32 @!p0 $0x108  }
0x21: {  	s3 =	sadd.s32 s3, s9;
	s6 =	sadd.s32 @!p0 $0x88, s6;
	s7 =	simm.s32 @p2 $0x1082  }
0x22: {  	[simem:s7], [sflag:s8] =	dma.local @!p0 [hbm:s6], $0xF7A  }
0x23: {  	s9 =	sor.u32 $0xD0000000, s2;
	s6 =	simm.s32 $0x108;
	_ =	swait.ge @!p0 [sflag:s8], $0x0  }
0x24: {  	s3 =	sadd.s32 $0x88, s3;
	s6 =	simm.s32 @!p1 $0x1082;
	[sflag:s4] =	ssyncset.s32 $0xFFFFF086  }
0x25: {  	[simem:s6], [sflag:s4] =	dma.local [hbm:s3], $0xF7A  }
0x26: {  	[smem:$0x3F92] =	sst s1;
	(tag) =	ssettag s2;
	_ =	strace s9  }
0x27: {  	s1 =	sld [smem:$0x3FA2]  }
0x28: {  	s2 =	sld [smem:$0x3FA3]  }
0x29: {  	s4 =	sld [smem:$0x3FA5]  }
0x2a: {  	p0 =	seq.s32 s5, $0x0;
	s5 =	sld [smem:$0x3FA6]  }
0x2b: {  	s6 =	sld [smem:$0x3FA7]  }
0x2c: {  	s7 =	sld [smem:$0x3FA8]  }
0x2d: {  	s3 =	simm.s32 $0x108;
	s8 =	sld [smem:$0x3FA9]  }
0x2e: {  	s3 =	simm.s32 @!p0 $0x1082;
	s9 =	sld [smem:$0x3FAA]  }
0x2f: {  	lr =	sadd.s32 s0, s3;
	s0 =	sld [smem:$0x3FA1]  }
0x30: {  	s3 =	sld [smem:$0x3FA4]  }
0x31: {  	[smem:$0x3FAD] =	sst s10  }
0x32: {  	s10 =	sld [smem:$0x3FAB];
	_ =	sdelay $0x3  }
0x33: {  	p0 =	seq.s32 s10, $0x1;
	s10 =	sld [smem:$0x3FAD];
	_ =	sdelay $0x3  }
0x34: {  	[smem:$0x3FAD] =	sst s10  }
0x35: {  	s10 =	sld [smem:$0x3FAC];
	_ =	sdelay $0x3  }
0x36: {  	p1 =	seq.s32 s10, $0x1;
	s10 =	sld [smem:$0x3FAD];
	_ =	sdelay $0x3  }
0x37: {  	[smem:$0x3FAD] =	sst s10  }
0x38: {  	s10 =	sld [smem:$0x3FAE]  }
0x39: {  	_ = 	snop;
	(pc) =	sbr.ind lr, $3  }
0x3a: {  	_ = 	snop  }
0x3b: {  	_ = 	snop  }
0x3c: {  	p2 =	seq.s32 s10, $0x1;
	s10 =	sld [smem:$0x3FAD]  }
0x3d: {  	_ =	shalt  }
0x3e: {  	_ =	shalt  }
0x3f: {  	_ =	shalt  }
0x40: {  	_ =	shalt  }
0x41: {  	_ =	shalt  }
0x42: {  	_ =	shalt  }
0x43: {  	_ =	shalt  }
0x44: {  	_ =	shalt  }
0x45: {  	_ =	shalt  }
0x46: {  	_ =	shalt  }
0x47: {  	_ =	shalt  }
0x48: {  	_ =	shalt  }
0x49: {  	_ =	shalt  }
0x4a: {  	_ =	shalt  }
0x4b: {  	_ =	shalt  }
0x4c: {  	_ =	shalt  }
0x4d: {  	_ =	shalt  }
0x4e: {  	_ =	shalt  }
0x4f: {  	_ =	shalt  }
0x50: {  	_ =	shalt  }
0x51: {  	_ =	shalt  }
0x52: {  	_ =	shalt  }
0x53: {  	_ =	shalt  }
0x54: {  	_ =	shalt  }
0x55: {  	_ =	shalt  }
0x56: {  	_ =	shalt  }
0x57: {  	_ =	shalt  }
0x58: {  	_ =	shalt  }
0x59: {  	_ =	shalt  }
0x5a: {  	_ =	shalt  }
0x5b: {  	_ =	shalt  }
0x5c: {  	_ =	shalt  }
0x5d: {  	_ =	shalt  }
0x5e: {  	_ =	shalt  }
0x5f: {  	_ =	shalt  }
0x60: {  	_ =	shalt  }
0x61: {  	_ =	shalt  }
0x62: {  	_ =	shalt  }
0x63: {  	_ =	shalt  }
0x64: {  	_ =	shalt  }
0x65: {  	_ =	shalt  }
0x66: {  	_ =	shalt  }
0x67: {  	_ =	shalt  }
0x68: {  	_ =	shalt  }
0x69: {  	_ =	shalt  }
0x6a: {  	_ =	shalt  }
0x6b: {  	_ =	shalt  }
0x6c: {  	_ =	shalt  }
0x6d: {  	_ =	shalt  }
0x6e: {  	_ =	shalt  }
0x6f: {  	_ =	shalt  }
0x70: {  	_ =	shalt  }
0x71: {  	_ =	shalt  }
0x72: {  	_ =	shalt  }
0x73: {  	_ =	shalt  }
0x74: {  	_ =	shalt  }
0x75: {  	_ =	shalt  }
0x76: {  	_ =	shalt  }
0x77: {  	_ =	shalt  }
0x78: {  	_ =	shalt  }
0x79: {  	_ =	shalt  }
0x7a: {  	_ =	shalt  }
0x7b: {  	_ =	shalt  }
0x7c: {  	_ =	shalt  }
0x7d: {  	_ =	shalt  }
0x7e: {  	_ =	shalt  }
0x7f: {  	_ =	shalt  }
0x80: {  	_ =	shalt  }
0x81: {  	_ =	shalt  }
0x82: {  	_ =	shalt  }
0x83: {  	_ =	shalt  }
0x84: {  	_ =	shalt  }
0x85: {  	_ =	shalt  }
0x86: {  	_ =	shalt  }
0x87: {  	_ =	shalt  }
.Lfunc_end0:
.L_simem_size_0:
called_computation_lowered:
.L_overlay_start_0:
0x88: {  	s2 =	sld [smem:$0x3FD9]  }
0x89: {  	s3 =	sld [smem:$0x3FFE];
	_ =	sdelay $0x1  }
0x8a: {  	s1 =	srdreg.scid  }
0x8b: {  	s0 =	sand.u32 $0x1, s1  }
0x8c: {  	s17 =	sshll.u32 s0, $0xA;
	s2 =	sadd.s32 s3, s2  }
0x8d: {  	s2 =	sadd.s32 s2, s17  }
0x8e: {  	[smem:$0x3FB9] =	sst s2  }
0x8f: {  	_ = 	snop  }
0x90: {  	s2 =	sld [smem:$0x3FC7];
	(tm) =	ssettm $0x1  }
0x91: {  	s18 =	sld [smem:$0x3FFB];
	_ =	sdelay $0x3  }
0x92: {  	_ =	strace s18  }
0x93: {  	s3 =	sld [smem:$0x3FFC];
	_ =	sdelay $0x3  }
0x94: {  	_ =	strace s3  }
0x95: {  	s3 =	sld [smem:$0x3FFD];
	_ =	sdelay $0x3  }
0x96: {  	_ =	strace s3  }
0x97: {  	_ =	strace $0x8FFFFFFF  }
0x98: {  	s19 =	sld [smem:$0x3FDB];
	_ =	sdelay $0x1  }
0x99: {  	s4 =	simm.s32 $_scs_section_size  }
0x9a: {  	s5 =	simm.s32 $_size__tile_overlayer_lowered;
	s6 =	simm.s32 $_tile_overlayer_lowered  }
0x9b: {  	s22 =	simm.s32 $0x1BFF;
	s21 =	sshll.u32 s6, $0x1;
	s3 =	sadd.s32 s4, s19  }
0x9c: {  	s7 =	simm.s32 $0x0;
	s20 =	sshll.u32 s5, $0x1;
	s5 =	sadd.s32 s21, s3  }
0x9d: {  	[timem:s7], [sflag:s22] =	dma.local [hbm:s5], s20  }
0x9e: {  	_ =	swait.ge [sflag:s22], s20  }
0x9f: {  	s4 =	ssub.s32 $0x0, s20;
	[sflag:s22] =	ssyncset.done $0x0  }
0xa0: {  	[sflag:s22] =	ssyncadd.s32 s4;
	_ =	sdelay $0x1  }
0xa1: {  	s23 =	simm.s32 $0x1B8B  }
0xa2: {  	_ =	swait.ge [sflag:s23], $0x1  }
0xa3: {  	[sflag:s23] =	ssyncset.done $0x0  }
0xa4: {  	s25 =	simm.s32 $0x1B8E;
	s24 =	sld [smem:$0x3FFE];
	[sflag:s23] =	ssyncadd.s32 $0xFFFFFFFF  }
0xa5: {  	s26 =	simm.s32 $execute0_lowered;
	[smem:$0x3FD2] =	sst s25  }
0xa6: {  	s5 =	sshll.u32 s26, $0x1;
	_ =	strace $0x80000046;
	[dreg:$0x1] =	wrdreg $0xFFFFFFFF  }
0xa7: {  	s28 =	simm.s32 $_size_execute0_lowered;
	s3 =	sadd.s32 s3, s5;
	[dreg:$0x0] =	wrdreg $0x0  }
0xa8: {  	s5 =	sshll.u32 s28, $0x1;
	[dreg:$0x2] =	wrdreg s3  }
0xa9: {  	[dreg:$0x3] =	wrdreg s5  }
0xaa: {  	[dreg:$0x4] =	wrdreg $0xC0  }
0xab: {  	_ =	task [dreg:s7], $0x5FFFF  }
0xac: {  	[dreg:$0x1] =	wrdreg $0xFFFFFFFF  }
0xad: {  	[dreg:$0x0] =	wrdreg $0x60  }
0xae: {  	[dreg:$0x2] =	wrdreg s24  }
0xaf: {  	[dreg:$0x3] =	wrdreg s2  }
0xb0: {  	[dreg:$0x4] =	wrdreg $0x9  }
0xb1: {  	_ =	task.clear_ibuf [dreg:s7], $0x5FFFF;
	_ =	strace $0x90000046  }
0xb2: {  	s29 =	simm.s32 $0x9;
	_ =	strace $0x80000048  }
0xb3: {  	_ =	swait.ge [sflag:s29], $0x1  }
0xb4: {  	[sflag:s29] =	ssyncadd.s32 $0xFFFFFFFF  }
0xb5: {  	_ =	strace $0x90000048  }
0xb6: {  	_ =	sfence  }
0xb7: {  	s30 =	sld [smem:$0x0];
	_ =	sdelay $0x2  }
0xb8: {  	s31 =	sshll.u32 s1, $0xD;
	s1 =	sshrl.u32 s1, $0x2  }
0xb9: {  	s3 =	sand.u32 $0x4000, s31;
	s1 =	sadd.s32 s1, s30  }
0xba: {  	s0 =	sor.u32 s3, s0;
	s1 =	sshll.u32 s1, $0x11  }
0xbb: {  	s0 =	sor.u32 s1, s0  }
0xbc: {  	s0 =	sadd.s32 $0x8F2B, s0  }
0xbd: {  	[sflag:s0] =	ssyncadd.remote.s32 $0x1  }
0xbe: {  	_ =	sfence.sel $0xFFFF  }
0xbf: {  	[dreg:$0x0] =	wrdreg $0xFFFFFFFF;
	(pc) =	sbr.abs _section_cstart, $3  }
0xc0: {  	[dreg:$0x1] =	wrdreg $0xFFFFFFFF  }
0xc1: {  	_ =	task.clear_ibuf [dreg:s7], $0x2FFFF;
	_ =	strace $0x9FFFFFFF  }
0xc2: {  	(tm) =	ssettm $0x7FFFFFFF  }
0xc3: {  	_ =	shalt  }
tec
execute0_lowered:
.L_overlay_start_1:
0x0: {  	(tag) =	ssettag $0x1  }
0x1: {  	s0 =	rddreg [dreg:$0x0]  }
0x2: {  	s1 =	rddreg [dreg:$0x1]  }
0x3: {  	s17 =	rddreg [dreg:$0x2];
	s3 =	simm.s32 $0x0  }
0x4: {  	s23 =	simm.s32 $0x400;
	[smem:$0x7FF] =	sst s3  }
0x5: {  	s24 =	simm.s32 $0x600;
	_ =	strace $0x80000047;
	[dreg:$0x5] =	wrdreg s23  }
0x6: {  	s25 =	simm.s32 $0x800;
	[dreg:$0x6] =	wrdreg s24  }
0x7: {  	s26 =	simm.s32 $0xA00;
	[dreg:$0x7] =	wrdreg s25  }
0x8: {  	s6 =	simm.s32 $0x1000;
	[dreg:$0x8] =	wrdreg s26  }
0x9: {  	s7 =	simm.s32 $0x1200;
	[dreg:$0xb] =	wrdreg s6  }
0xa: {  	s8 =	simm.s32 $0x1400;
	[dreg:$0xc] =	wrdreg s7  }
0xb: {  	s9 =	simm.s32 $0x1600;
	[dreg:$0xd] =	wrdreg s8  }
0xc: {  	s10 =	simm.s32 $0x1800;
	[dreg:$0xe] =	wrdreg s9  }
0xd: {  	s11 =	simm.s32 $0x1A00;
	[dreg:$0xf] =	wrdreg s10  }
0xe: {  	s12 =	simm.s32 $0x1C00;
	[dreg:$0x10] =	wrdreg s11  }
0xf: {  	s13 =	simm.s32 $0x1E00;
	[dreg:$0x11] =	wrdreg s12  }
0x10: {  	s14 =	simm.s32 $0x2000;
	[dreg:$0x12] =	wrdreg s13  }
0x11: {  	s15 =	simm.s32 $0x280;
	[dreg:$0x13] =	wrdreg s14  }
0x12: {  	s16 =	simm.s32 $0x480;
	[dreg:$0x14] =	wrdreg s15  }
0x13: {  	s18 =	simm.s32 $0x680;
	[dreg:$0x15] =	wrdreg s16  }
0x14: {  	s19 =	simm.s32 $0x880;
	[dreg:$0x16] =	wrdreg s18  }
0x15: {  	s20 =	simm.s32 $0xA80;
	[dreg:$0x17] =	wrdreg s19  }
0x16: {  	s21 =	simm.s32 $0xC80;
	[dreg:$0x18] =	wrdreg s20  }
0x17: {  	[dreg:$0x19] =	wrdreg s21;
	s23 =	simm.s32 $0x1080  }
0x18: {  	s24 =	simm.s32 $0x1280;
	[dreg:$0x1b] =	wrdreg s23  }
0x19: {  	s25 =	simm.s32 $0x1480;
	[dreg:$0x1c] =	wrdreg s24  }
0x1a: {  	s2 =	srdreg.scid;
	s26 =	simm.s32 $0x1680;
	[dreg:$0x1d] =	wrdreg s25  }
0x1b: {  	s4 =	stileid.u32;
	s6 =	simm.s32 $0x1C80;
	[dreg:$0x1e] =	wrdreg s26  }
0x1c: {  	s31 =	simm.s32 $0x100;
	s7 =	simm.s32 $0x1E80;
	[smem:$0x7E0] =	sst s6  }
0x1d: {  	p0 =	por $0x0, $0x0;
	s8 =	simm.s32 $0x2080;
	[smem:$0x7E1] =	sst s7  }
0x1e: {  	s28 =	simm.s32 $0x1B80;
	s9 =	simm.s32 $0x300;
	[smem:$0x7E2] =	sst s8  }
0x1f: {  	s29 =	simm.s32 $0x1D80;
	s10 =	simm.s32 $0x500;
	[smem:$0x7E3] =	sst s9  }
0x20: {  	s30 =	simm.s32 $0x1F80;
	s11 =	simm.s32 $0x700;
	[smem:$0x7E4] =	sst s10  }
0x21: {  	s2 =	sand.u32 $0x1, s2;
	s12 =	simm.s32 $0x900;
	[smem:$0x7E5] =	sst s11  }
0x22: {  	s4 =	sshll.u32 s4, $0x7;
	s13 =	simm.s32 $0xB00;
	[smem:$0x7E6] =	sst s12  }
0x23: {  	s5 =	sshll.u32 s2, $0x6;
	s14 =	simm.s32 $0xD00;
	[smem:$0x7E7] =	sst s13  }
0x24: {  	s15 =	simm.s32 $0xF00;
	s16 =	simm.s32 $0x1100;
	[smem:$0x7E8] =	sst s14  }
0x25: {  	s18 =	simm.s32 $0x1300;
	s19 =	simm.s32 $0x1500;
	[smem:$0x7E9] =	sst s15  }
0x26: {  	s20 =	simm.s32 $0x1700;
	s21 =	simm.s32 $0x1900;
	[smem:$0x7EA] =	sst s16  }
0x27: {  	s4 =	sor.u32 s5, s4;
	s6 =	sadd.s32 $0x8000, s0;
	[smem:$0x7EB] =	sst s18  }
0x28: {  	s7 =	sadd.s32 $0xB200, s0;
	s8 =	sadd.s32 $0xE400, s0;
	[smem:$0x7EC] =	sst s19  }
0x29: {  	s9 =	sadd.s32 $0x11600, s0;
	s10 =	sadd.s32 $0x14800, s0;
	[smem:$0x7ED] =	sst s20  }
0x2a: {  	s11 =	sadd.s32 $0x17A00, s0;
	[smem:$0x7EE] =	sst s21;
	s23 =	simm.s32 $0x1D00  }
0x2b: {  	s12 =	sadd.s32 $0x1AC00, s0;
	s24 =	simm.s32 $0x1F00;
	[smem:$0x7F0] =	sst s23  }
0x2c: {  	s13 =	sadd.s32 $0x1DE00, s0;
	s25 =	simm.s32 $0x2100;
	[smem:$0x7F1] =	sst s24  }
0x2d: {  	s14 =	sadd.s32 $0x21000, s0;
	s26 =	simm.s32 $0x380;
	[smem:$0x7F2] =	sst s25  }
0x2e: {  	s15 =	sadd.s32 $0x24200, s0;
	s1 =	sadd.s32 s1, s4;
	[smem:$0x7F3] =	sst s26  }
0x2f: {  	s5 =	sadd.s32 s4, s0;
	s4 =	simm.s32 $0xC00;
	[dreg:$0x3] =	wrdreg s1  }
0x30: {  	s18 =	sadd.s32 $0x27400, s0;
	s23 =	simm.s32 $0x780;
	[dreg:$0x9] =	wrdreg s4  }
0x31: {  	s19 =	sadd.s32 $0x2A600, s0;
	s24 =	simm.s32 $0x980;
	[smem:$0x7F5] =	sst s23  }
0x32: {  	s20 =	sadd.s32 $0x2D800, s0;
	s25 =	simm.s32 $0xB80;
	[smem:$0x7F6] =	sst s24  }
0x33: {  	s21 =	sadd.s32 $0x30A00, s0;
	s26 =	simm.s32 $0xD80;
	[smem:$0x7F7] =	sst s25  }
0x34: {  	s16 =	ssub.s32 $0x2, s2;
	s22 =	sadd.s32 $0x36E00, s5;
	[smem:$0x7F8] =	sst s26  }
0x35: {  	s2 =	sshrl.u32 s16, $0x1;
	s5 =	simm.s32 $0xE00;
	[dreg:$0x4] =	wrdreg s22  }
0x36: {  	s4 =	simm.s32 $0x1880;
	s1 =	ssub.s32 s16, s2;
	[dreg:$0xa] =	wrdreg s5  }
0x37: {  	s2 =	simm.s32 $0x2;
	s16 =	simm.s32 $0x1180;
	[dreg:$0x1f] =	wrdreg s4  }
0x38: {  	s23 =	simm.s32 $0x80;
	s24 =	simm.s32 $0x1380;
	[smem:$0x7FA] =	sst s16  }
0x39: {  	s25 =	simm.s32 $0x1580;
	s26 =	simm.s32 $0x1780;
	[smem:$0x7FB] =	sst s24  }
0x3a: {  	s22 =	simm.s32 $0xE80;
	s5 =	simm.s32 $0x1A80;
	[smem:$0x7FC] =	sst s25  }
0x3b: {  	s4 =	simm.s32 $0x580;
	s1 =	smax.u32 s1, $0x1;
	[smem:$0x7FD] =	sst s26  }
0x3c: {  	s24 =	simm.s32 $0x180;
	[dreg:$0x1a] =	wrdreg s22;
	p1 =	sne.s32 s1, $0x1  }
.Ltmp0:
0x3d: {  	s26 =	simm.s32 $0x2180;
	[smem:$0x7DF] =	sst s5;
	(pc) =	sbr.rel @!p1 .LBB2_1-.Ltmp0, $4  }
0x3e: {  	s16 =	simm.s32 $0x1;
	s22 =	simm.s32 $0x1B00;
	[smem:$0x7F4] =	sst s4  }
0x3f: {  	s25 =	simm.s32 $0x4000;
	s4 =	simm.s32 $0xF80;
	[smem:$0x7EF] =	sst s22  }
0x40: {  	s5 =	sadd.s32 $0x4E00, s0;
	s22 =	sadd.s32 $0x33C00, s0;
	[smem:$0x7F9] =	sst s4  }
0x41: {  	s4 =	simm.s32 $0x200;
	s0 =	sadd.s32 $0xFFFFFFFF, s1;
	s1 =	rddreg [dreg:$0x3]  }
0x42: {  	[tilespmem:s3], [sflag:$0x2] =	stream.linear.gather [hbm4b:s1+s3], $0x200, $0x38;
	[tilespmem:$0x2200] =	vst v63  }
0x43: {  	_ =	swait.ge [sflag:s2], $0x200  }
0x44: {  	[sflag:s2] =	ssyncset.done $0x0  }
0x45: {  	s1 =	rddreg [dreg:$0x5];
	[sflag:s2] =	ssyncadd.s32 $0xFFFFFE00  }
0x46: {  	[tilespmem:s4], [sflag:$0x1] =	stream.indirect.gather [hbm4b:s5+s23], $0x1, s3, s23, $0xb8;
	[tilespmem:$0x2200] =	vst v63  }
0x47: {  	s17 =	smov.u32 s0;
	s0 =	rddreg [dreg:$0x6]  }
0x48: {  	[tilespmem:s1], [sflag:$0x1] =	stream.indirect.gather [hbm4b:s6+s23], $0x1, s3, s23, $0xb8;
	[tilespmem:$0x2200] =	vst v63  }
0x49: {  	s1 =	rddreg [dreg:$0x7]  }
0x4a: {  	[tilespmem:s0], [sflag:$0x1] =	stream.indirect.gather [hbm4b:s7+s23], $0x1, s3, s23, $0xb8;
	[tilespmem:$0x2200] =	vst v63  }
0x4b: {  	s0 =	rddreg [dreg:$0x8]  }
0x4c: {  	[tilespmem:s1], [sflag:$0x1] =	stream.indirect.gather [hbm4b:s8+s23], $0x1, s3, s23, $0xb8;
	[tilespmem:$0x2200] =	vst v63  }
0x4d: {  	s1 =	rddreg [dreg:$0x9]  }
0x4e: {  	[tilespmem:s0], [sflag:$0x1] =	stream.indirect.gather [hbm4b:s9+s23], $0x1, s3, s23, $0xb8;
	[tilespmem:$0x2200] =	vst v63  }
0x4f: {  	s0 =	rddreg [dreg:$0xa]  }
0x50: {  	[tilespmem:s1], [sflag:$0x1] =	stream.indirect.gather [hbm4b:s10+s23], $0x1, s3, s23, $0xb8;
	[tilespmem:$0x2200] =	vst v63  }
0x51: {  	s1 =	rddreg [dreg:$0xb]  }
0x52: {  	[tilespmem:s0], [sflag:$0x1] =	stream.indirect.gather [hbm4b:s11+s23], $0x1, s3, s23, $0xb8;
	[tilespmem:$0x2200] =	vst v63  }
0x53: {  	s0 =	rddreg [dreg:$0xc]  }
0x54: {  	[tilespmem:s1], [sflag:$0x1] =	stream.indirect.gather [hbm4b:s12+s23], $0x1, s3, s23, $0xb8;
	[tilespmem:$0x2200] =	vst v63  }
0x55: {  	s1 =	rddreg [dreg:$0xd]  }
0x56: {  	[tilespmem:s0], [sflag:$0x1] =	stream.indirect.gather [hbm4b:s13+s23], $0x1, s3, s23, $0xb8;
	[tilespmem:$0x2200] =	vst v63  }
0x57: {  	s0 =	rddreg [dreg:$0xe]  }
0x58: {  	[tilespmem:s1], [sflag:$0x1] =	stream.indirect.gather [hbm4b:s14+s23], $0x1, s3, s23, $0xb8;
	[tilespmem:$0x2200] =	vst v63  }
0x59: {  	s1 =	rddreg [dreg:$0xf]  }
0x5a: {  	[tilespmem:s0], [sflag:$0x1] =	stream.indirect.gather [hbm4b:s15+s23], $0x1, s3, s23, $0xb8;
	[tilespmem:$0x2200] =	vst v63  }
0x5b: {  	s0 =	rddreg [dreg:$0x10]  }
0x5c: {  	[tilespmem:s1], [sflag:$0x1] =	stream.indirect.gather [hbm4b:s18+s23], $0x1, s3, s23, $0xb8;
	[tilespmem:$0x2200] =	vst v63  }
0x5d: {  	s1 =	rddreg [dreg:$0x11]  }
0x5e: {  	[tilespmem:s0], [sflag:$0x1] =	stream.indirect.gather [hbm4b:s19+s23], $0x1, s3, s23, $0xb8;
	[tilespmem:$0x2200] =	vst v63  }
0x5f: {  	s0 =	rddreg [dreg:$0x12]  }
0x60: {  	[tilespmem:s1], [sflag:$0x1] =	stream.indirect.gather [hbm4b:s20+s23], $0x1, s3, s23, $0xb8;
	[tilespmem:$0x2200] =	vst v63  }
0x61: {  	s1 =	rddreg [dreg:$0x13]  }
0x62: {  	[tilespmem:s0], [sflag:$0x1] =	stream.indirect.gather [hbm4b:s21+s23], $0x1, s3, s23, $0xb8;
	[tilespmem:$0x2200] =	vst v63  }
0x63: {  	s0 =	rddreg [dreg:$0x14]  }
0x64: {  	[tilespmem:s1], [sflag:$0x1] =	stream.indirect.gather [hbm4b:s22+s23], $0x1, s3, s23, $0xb8;
	[tilespmem:$0x2200] =	vst v63  }
0x65: {  	s1 =	rddreg [dreg:$0x15]  }
0x66: {  	[tilespmem:s0], [sflag:$0x1] =	stream.indirect.gather [hbm4b:s5+s23], $0x1, s23, s23, $0xb8;
	[tilespmem:$0x2200] =	vst v63  }
0x67: {  	s0 =	rddreg [dreg:$0x16]  }
0x68: {  	[tilespmem:s1], [sflag:$0x1] =	stream.indirect.gather [hbm4b:s6+s23], $0x1, s23, s23, $0xb8;
	[tilespmem:$0x2200] =	vst v63  }
0x69: {  	s1 =	rddreg [dreg:$0x17]  }
0x6a: {  	[tilespmem:s0], [sflag:$0x1] =	stream.indirect.gather [hbm4b:s7+s23], $0x1, s23, s23, $0xb8;
	[tilespmem:$0x2200] =	vst v63  }
0x6b: {  	s0 =	rddreg [dreg:$0x18]  }
0x6c: {  	[tilespmem:s1], [sflag:$0x1] =	stream.indirect.gather [hbm4b:s8+s23], $0x1, s23, s23, $0xb8;
	[tilespmem:$0x2200] =	vst v63  }
0x6d: {  	s1 =	rddreg [dreg:$0x19]  }
0x6e: {  	[tilespmem:s0], [sflag:$0x1] =	stream.indirect.gather [hbm4b:s9+s23], $0x1, s23, s23, $0xb8;
	[tilespmem:$0x2200] =	vst v63  }
0x6f: {  	s0 =	rddreg [dreg:$0x1a]  }
0x70: {  	[tilespmem:s1], [sflag:$0x1] =	stream.indirect.gather [hbm4b:s10+s23], $0x1, s23, s23, $0xb8;
	[tilespmem:$0x2200] =	vst v63  }
0x71: {  	s1 =	rddreg [dreg:$0x1b]  }
0x72: {  	[tilespmem:s0], [sflag:$0x1] =	stream.indirect.gather [hbm4b:s11+s23], $0x1, s23, s23, $0xb8;
	[tilespmem:$0x2200] =	vst v63  }
0x73: {  	s0 =	rddreg [dreg:$0x1c]  }
0x74: {  	[tilespmem:s1], [sflag:$0x1] =	stream.indirect.gather [hbm4b:s12+s23], $0x1, s23, s23, $0xb8;
	[tilespmem:$0x2200] =	vst v63  }
0x75: {  	s1 =	rddreg [dreg:$0x1d]  }
0x76: {  	[tilespmem:s0], [sflag:$0x1] =	stream.indirect.gather [hbm4b:s13+s23], $0x1, s23, s23, $0xb8;
	[tilespmem:$0x2200] =	vst v63  }
0x77: {  	s0 =	rddreg [dreg:$0x1e]  }
0x78: {  	[tilespmem:s1], [sflag:$0x1] =	stream.indirect.gather [hbm4b:s14+s23], $0x1, s23, s23, $0xb8;
	[tilespmem:$0x2200] =	vst v63  }
0x79: {  	s1 =	rddreg [dreg:$0x1f]  }
0x7a: {  	[tilespmem:s0], [sflag:$0x1] =	stream.indirect.gather [hbm4b:s15+s23], $0x1, s23, s23, $0xb8;
	[tilespmem:$0x2200] =	vst v63  }
0x7b: {  	s0 =	sld [smem:$0x7DF]  }
0x7c: {  	[tilespmem:s1], [sflag:$0x1] =	stream.indirect.gather [hbm4b:s18+s23], $0x1, s23, s23, $0xb8;
	[tilespmem:$0x2200] =	vst v63  }
0x7d: {  	s1 =	sld [smem:$0x7E0]  }
0x7e: {  	[tilespmem:s0], [sflag:$0x1] =	stream.indirect.gather [hbm4b:s19+s23], $0x1, s23, s23, $0xb8;
	[tilespmem:$0x2200] =	vst v63  }
0x7f: {  	s0 =	sld [smem:$0x7E1]  }
0x80: {  	[tilespmem:s1], [sflag:$0x1] =	stream.indirect.gather [hbm4b:s20+s23], $0x1, s23, s23, $0xb8;
	[tilespmem:$0x2200] =	vst v63  }
0x81: {  	s1 =	sld [smem:$0x7E2]  }
0x82: {  	[tilespmem:s0], [sflag:$0x1] =	stream.indirect.gather [hbm4b:s21+s23], $0x1, s23, s23, $0xb8;
	[tilespmem:$0x2200] =	vst v63  }
0x83: {  	s0 =	sld [smem:$0x7E3]  }
0x84: {  	[tilespmem:s1], [sflag:$0x1] =	stream.indirect.gather [hbm4b:s22+s23], $0x1, s23, s23, $0xb8;
	[tilespmem:$0x2200] =	vst v63  }
0x85: {  	s1 =	sld [smem:$0x7E4]  }
0x86: {  	[tilespmem:s0], [sflag:$0x1] =	stream.indirect.gather [hbm4b:s5+s23], $0x1, s31, s23, $0xb8;
	[tilespmem:$0x2200] =	vst v63  }
0x87: {  	s0 =	sld [smem:$0x7E5]  }
0x88: {  	[tilespmem:s1], [sflag:$0x1] =	stream.indirect.gather [hbm4b:s6+s23], $0x1, s31, s23, $0xb8;
	[tilespmem:$0x2200] =	vst v63  }
0x89: {  	s1 =	sld [smem:$0x7E6]  }
0x8a: {  	[tilespmem:s0], [sflag:$0x1] =	stream.indirect.gather [hbm4b:s7+s23], $0x1, s31, s23, $0xb8;
	[tilespmem:$0x2200] =	vst v63  }
0x8b: {  	s0 =	sld [smem:$0x7E7]  }
0x8c: {  	[tilespmem:s1], [sflag:$0x1] =	stream.indirect.gather [hbm4b:s8+s23], $0x1, s31, s23, $0xb8;
	[tilespmem:$0x2200] =	vst v63  }
0x8d: {  	s1 =	sld [smem:$0x7E8]  }
0x8e: {  	[tilespmem:s0], [sflag:$0x1] =	stream.indirect.gather [hbm4b:s9+s23], $0x1, s31, s23, $0xb8;
	[tilespmem:$0x2200] =	vst v63  }
0x8f: {  	s0 =	sld [smem:$0x7E9]  }
0x90: {  	[tilespmem:s1], [sflag:$0x1] =	stream.indirect.gather [hbm4b:s10+s23], $0x1, s31, s23, $0xb8;
	[tilespmem:$0x2200] =	vst v63  }
0x91: {  	s1 =	sld [smem:$0x7EA]  }
0x92: {  	[tilespmem:s0], [sflag:$0x1] =	stream.indirect.gather [hbm4b:s11+s23], $0x1, s31, s23, $0xb8;
	[tilespmem:$0x2200] =	vst v63  }
0x93: {  	s0 =	sld [smem:$0x7EB]  }
0x94: {  	[tilespmem:s1], [sflag:$0x1] =	stream.indirect.gather [hbm4b:s12+s23], $0x1, s31, s23, $0xb8;
	[tilespmem:$0x2200] =	vst v63  }
0x95: {  	s1 =	sld [smem:$0x7EC]  }
0x96: {  	[tilespmem:s0], [sflag:$0x1] =	stream.indirect.gather [hbm4b:s13+s23], $0x1, s31, s23, $0xb8;
	[tilespmem:$0x2200] =	vst v63  }
0x97: {  	s0 =	sld [smem:$0x7ED]  }
0x98: {  	[tilespmem:s1], [sflag:$0x1] =	stream.indirect.gather [hbm4b:s14+s23], $0x1, s31, s23, $0xb8;
	[tilespmem:$0x2200] =	vst v63  }
0x99: {  	s1 =	sld [smem:$0x7EE]  }
0x9a: {  	[tilespmem:s0], [sflag:$0x1] =	stream.indirect.gather [hbm4b:s15+s23], $0x1, s31, s23, $0xb8;
	[tilespmem:$0x2200] =	vst v63  }
0x9b: {  	s0 =	sld [smem:$0x7EF]  }
0x9c: {  	[tilespmem:s1], [sflag:$0x1] =	stream.indirect.gather [hbm4b:s18+s23], $0x1, s31, s23, $0xb8;
	[tilespmem:$0x2200] =	vst v63  }
0x9d: {  	s1 =	sld [smem:$0x7F0]  }
0x9e: {  	[tilespmem:s0], [sflag:$0x1] =	stream.indirect.gather [hbm4b:s19+s23], $0x1, s31, s23, $0xb8;
	[tilespmem:$0x2200] =	vst v63  }
0x9f: {  	s0 =	sld [smem:$0x7F1]  }
0xa0: {  	[tilespmem:s1], [sflag:$0x1] =	stream.indirect.gather [hbm4b:s20+s23], $0x1, s31, s23, $0xb8;
	[tilespmem:$0x2200] =	vst v63  }
0xa1: {  	s1 =	sld [smem:$0x7F2]  }
0xa2: {  	[tilespmem:s0], [sflag:$0x1] =	stream.indirect.gather [hbm4b:s21+s23], $0x1, s31, s23, $0xb8;
	[tilespmem:$0x2200] =	vst v63  }
0xa3: {  	s0 =	sld [smem:$0x7F3]  }
0xa4: {  	[tilespmem:s1], [sflag:$0x1] =	stream.indirect.gather [hbm4b:s22+s23], $0x1, s31, s23, $0xb8;
	[tilespmem:$0x2200] =	vst v63  }
0xa5: {  	s1 =	sld [smem:$0x7F4]  }
0xa6: {  	[tilespmem:s0], [sflag:$0x1] =	stream.indirect.gather [hbm4b:s5+s23], $0x1, s24, s23, $0xb8;
	[tilespmem:$0x2200] =	vst v63  }
0xa7: {  	s0 =	sld [smem:$0x7F5]  }
0xa8: {  	[tilespmem:s1], [sflag:$0x1] =	stream.indirect.gather [hbm4b:s6+s23], $0x1, s24, s23, $0xb8;
	[tilespmem:$0x2200] =	vst v63  }
0xa9: {  	s1 =	sld [smem:$0x7F6]  }
0xaa: {  	[tilespmem:s0], [sflag:$0x1] =	stream.indirect.gather [hbm4b:s7+s23], $0x1, s24, s23, $0xb8;
	[tilespmem:$0x2200] =	vst v63  }
0xab: {  	s0 =	sld [smem:$0x7F7]  }
0xac: {  	[tilespmem:s1], [sflag:$0x1] =	stream.indirect.gather [hbm4b:s8+s23], $0x1, s24, s23, $0xb8;
	[tilespmem:$0x2200] =	vst v63  }
0xad: {  	s1 =	sld [smem:$0x7F8]  }
0xae: {  	[tilespmem:s0], [sflag:$0x1] =	stream.indirect.gather [hbm4b:s9+s23], $0x1, s24, s23, $0xb8;
	[tilespmem:$0x2200] =	vst v63  }
0xaf: {  	s0 =	sld [smem:$0x7F9]  }
0xb0: {  	[tilespmem:s1], [sflag:$0x1] =	stream.indirect.gather [hbm4b:s10+s23], $0x1, s24, s23, $0xb8;
	[tilespmem:$0x2200] =	vst v63  }
0xb1: {  	s1 =	sld [smem:$0x7FA]  }
0xb2: {  	[tilespmem:s0], [sflag:$0x1] =	stream.indirect.gather [hbm4b:s11+s23], $0x1, s24, s23, $0xb8;
	[tilespmem:$0x2200] =	vst v63  }
0xb3: {  	s0 =	sld [smem:$0x7FB]  }
0xb4: {  	[tilespmem:s1], [sflag:$0x1] =	stream.indirect.gather [hbm4b:s12+s23], $0x1, s24, s23, $0xb8;
	[tilespmem:$0x2200] =	vst v63  }
0xb5: {  	s1 =	sld [smem:$0x7FC]  }
0xb6: {  	[tilespmem:s0], [sflag:$0x1] =	stream.indirect.gather [hbm4b:s13+s23], $0x1, s24, s23, $0xb8;
	[tilespmem:$0x2200] =	vst v63  }
0xb7: {  	s0 =	sld [smem:$0x7FD]  }
0xb8: {  	[tilespmem:s1], [sflag:$0x1] =	stream.indirect.gather [hbm4b:s14+s23], $0x1, s24, s23, $0xb8;
	[tilespmem:$0x2200] =	vst v63  }
0xb9: {  	_ = 	snop  }
0xba: {  	[tilespmem:s0], [sflag:$0x1] =	stream.indirect.gather [hbm4b:s15+s23], $0x1, s24, s23, $0xb8;
	[tilespmem:$0x2200] =	vst v63  }
0xbb: {  	s1 =	simm.s32 $0x1980  }
0xbc: {  	[tilespmem:s1], [sflag:$0x1] =	stream.indirect.gather [hbm4b:s18+s23], $0x1, s24, s23, $0xb8;
	[tilespmem:$0x2200] =	vst v63  }
0xbd: {  	_ = 	snop  }
0xbe: {  	[tilespmem:s28], [sflag:$0x1] =	stream.indirect.gather [hbm4b:s19+s23], $0x1, s24, s23, $0xb8;
	[tilespmem:$0x2200] =	vst v63  }
0xbf: {  	_ = 	snop  }
0xc0: {  	[tilespmem:s29], [sflag:$0x1] =	stream.indirect.gather [hbm4b:s20+s23], $0x1, s24, s23, $0xb8;
	[tilespmem:$0x2200] =	vst v63  }
0xc1: {  	_ = 	snop  }
0xc2: {  	[tilespmem:s30], [sflag:$0x1] =	stream.indirect.gather [hbm4b:s21+s23], $0x1, s24, s23, $0xb8;
	[tilespmem:$0x2200] =	vst v63  }
0xc3: {  	_ = 	snop  }
0xc4: {  	[tilespmem:s26], [sflag:$0x1] =	stream.indirect.gather [hbm4b:s22+s23], $0x1, s24, s23, $0xb8;
	[tilespmem:$0x2200] =	vst v63  }
0xc5: {  	_ =	swait.ge [sflag:s16], $0x200  }
0xc6: {  	[sflag:s16] =	ssyncset.done $0x0  }
0xc7: {  	[sflag:s16] =	ssyncadd.s32 $0xFFFFFE00  }
0xc8: {  	_ =	swait.ge [sflag:s16], $0x200  }
0xc9: {  	[sflag:s16] =	ssyncset.done $0x0  }
0xca: {  	[sflag:s16] =	ssyncadd.s32 $0xFFFFFE00  }
0xcb: {  	_ =	swait.ge [sflag:s16], $0x200  }
0xcc: {  	[sflag:s16] =	ssyncset.done $0x0  }
0xcd: {  	[sflag:s16] =	ssyncadd.s32 $0xFFFFFE00  }
0xce: {  	_ =	swait.ge [sflag:s16], $0x200  }
0xcf: {  	[sflag:s16] =	ssyncset.done $0x0  }
0xd0: {  	[sflag:s16] =	ssyncadd.s32 $0xFFFFFE00  }
0xd1: {  	_ =	swait.ge [sflag:s16], $0x200  }
0xd2: {  	[sflag:s16] =	ssyncset.done $0x0  }
0xd3: {  	[sflag:s16] =	ssyncadd.s32 $0xFFFFFE00  }
0xd4: {  	_ =	swait.ge [sflag:s16], $0x200  }
0xd5: {  	[sflag:s16] =	ssyncset.done $0x0  }
0xd6: {  	[sflag:s16] =	ssyncadd.s32 $0xFFFFFE00  }
0xd7: {  	_ =	swait.ge [sflag:s16], $0x200  }
0xd8: {  	[sflag:s16] =	ssyncset.done $0x0  }
0xd9: {  	[sflag:s16] =	ssyncadd.s32 $0xFFFFFE00  }
0xda: {  	_ =	swait.ge [sflag:s16], $0x200  }
0xdb: {  	[sflag:s16] =	ssyncset.done $0x0  }
0xdc: {  	[sflag:s16] =	ssyncadd.s32 $0xFFFFFE00  }
0xdd: {  	_ =	swait.ge [sflag:s16], $0x200  }
0xde: {  	[sflag:s16] =	ssyncset.done $0x0  }
0xdf: {  	[sflag:s16] =	ssyncadd.s32 $0xFFFFFE00  }
0xe0: {  	_ =	swait.ge [sflag:s16], $0x200  }
0xe1: {  	[sflag:s16] =	ssyncset.done $0x0  }
0xe2: {  	[sflag:s16] =	ssyncadd.s32 $0xFFFFFE00  }
0xe3: {  	_ =	swait.ge [sflag:s16], $0x200  }
0xe4: {  	[sflag:s16] =	ssyncset.done $0x0  }
0xe5: {  	[sflag:s16] =	ssyncadd.s32 $0xFFFFFE00  }
0xe6: {  	_ =	swait.ge [sflag:s16], $0x200  }
0xe7: {  	[sflag:s16] =	ssyncset.done $0x0  }
0xe8: {  	[sflag:s16] =	ssyncadd.s32 $0xFFFFFE00  }
0xe9: {  	_ =	swait.ge [sflag:s16], $0x200  }
0xea: {  	[sflag:s16] =	ssyncset.done $0x0  }
0xeb: {  	[sflag:s16] =	ssyncadd.s32 $0xFFFFFE00  }
0xec: {  	_ =	swait.ge [sflag:s16], $0x200  }
0xed: {  	[sflag:s16] =	ssyncset.done $0x0  }
0xee: {  	[sflag:s16] =	ssyncadd.s32 $0xFFFFFE00  }
0xef: {  	_ =	swait.ge [sflag:s16], $0x200  }
0xf0: {  	[sflag:s16] =	ssyncset.done $0x0  }
0xf1: {  	[sflag:s16] =	ssyncadd.s32 $0xFFFFFE00  }
0xf2: {  	p1 =	sne.s32 s17, $0x1;
	_ =	swait.ge [sflag:s16], $0x200  }
.Ltmp1:
0xf3: {  	[sflag:s16] =	ssyncset.done $0x0;
	(pc) =	sbr.rel @!p1 .LBB2_3-.Ltmp1, $4  }
0xf4: {  	s1 =	rddreg [dreg:$0x4];
	[sflag:s16] =	ssyncadd.s32 $0xFFFFFE00  }
0xf5: {  	[hbm4b:s1+s4] =	stream.strided.scatter [tilespmem:s4], [sflag:$0x2], $0x2000, s25, s4, $0x38;
	[tilespmem:$0x2200] =	vst v63  }
0xf6: {  	p0 =	por $0x1, $0x1;
	_ =	swait.ge [sflag:s2], $0x2000  }
0xf7: {  	s0 =	sadd.s32 $0xFFFFFFFF, s17;
	s1 =	rddreg [dreg:$0x3];
	[sflag:s2] =	ssyncset.done $0x0  }
.LBB2_4:
0xf8: {  	[sflag:s2] =	ssyncadd.s32 $0xFFFFE000  }
0xf9: {  	[tilespmem:s3], [sflag:$0x2] =	stream.linear.gather [hbm4b:s1+s3], $0x200, $0x38;
	[tilespmem:$0x2200] =	vst v63  }
0xfa: {  	_ =	swait.ge [sflag:s2], $0x200  }
0xfb: {  	[sflag:s2] =	ssyncset.done $0x0  }
0xfc: {  	s1 =	rddreg [dreg:$0x5];
	[sflag:s2] =	ssyncadd.s32 $0xFFFFFE00  }
0xfd: {  	[tilespmem:s4], [sflag:$0x1] =	stream.indirect.gather [hbm4b:s5+s23], $0x1, s3, s23, $0xb8;
	[tilespmem:$0x2200] =	vst v63  }
0xfe: {  	s17 =	rddreg [dreg:$0x6]  }
0xff: {  	[tilespmem:s1], [sflag:$0x1] =	stream.indirect.gather [hbm4b:s6+s23], $0x1, s3, s23, $0xb8;
	[tilespmem:$0x2200] =	vst v63  }
0x100: {  	s1 =	rddreg [dreg:$0x7]  }
0x101: {  	[tilespmem:s17], [sflag:$0x1] =	stream.indirect.gather [hbm4b:s7+s23], $0x1, s3, s23, $0xb8;
	[tilespmem:$0x2200] =	vst v63  }
0x102: {  	s17 =	rddreg [dreg:$0x8]  }
0x103: {  	[tilespmem:s1], [sflag:$0x1] =	stream.indirect.gather [hbm4b:s8+s23], $0x1, s3, s23, $0xb8;
	[tilespmem:$0x2200] =	vst v63  }
0x104: {  	s1 =	rddreg [dreg:$0x9]  }
0x105: {  	[tilespmem:s17], [sflag:$0x1] =	stream.indirect.gather [hbm4b:s9+s23], $0x1, s3, s23, $0xb8;
	[tilespmem:$0x2200] =	vst v63  }
0x106: {  	s17 =	rddreg [dreg:$0xa]  }
0x107: {  	[tilespmem:s1], [sflag:$0x1] =	stream.indirect.gather [hbm4b:s10+s23], $0x1, s3, s23, $0xb8;
	[tilespmem:$0x2200] =	vst v63  }
0x108: {  	s1 =	rddreg [dreg:$0xb]  }
0x109: {  	[tilespmem:s17], [sflag:$0x1] =	stream.indirect.gather [hbm4b:s11+s23], $0x1, s3, s23, $0xb8;
	[tilespmem:$0x2200] =	vst v63  }
0x10a: {  	s17 =	rddreg [dreg:$0xc]  }
0x10b: {  	[tilespmem:s1], [sflag:$0x1] =	stream.indirect.gather [hbm4b:s12+s23], $0x1, s3, s23, $0xb8;
	[tilespmem:$0x2200] =	vst v63  }
0x10c: {  	s1 =	rddreg [dreg:$0xd]  }
0x10d: {  	[tilespmem:s17], [sflag:$0x1] =	stream.indirect.gather [hbm4b:s13+s23], $0x1, s3, s23, $0xb8;
	[tilespmem:$0x2200] =	vst v63  }
0x10e: {  	s17 =	rddreg [dreg:$0xe]  }
0x10f: {  	[tilespmem:s1], [sflag:$0x1] =	stream.indirect.gather [hbm4b:s14+s23], $0x1, s3, s23, $0xb8;
	[tilespmem:$0x2200] =	vst v63  }
0x110: {  	s1 =	rddreg [dreg:$0xf]  }
0x111: {  	[tilespmem:s17], [sflag:$0x1] =	stream.indirect.gather [hbm4b:s15+s23], $0x1, s3, s23, $0xb8;
	[tilespmem:$0x2200] =	vst v63  }
0x112: {  	s17 =	rddreg [dreg:$0x10]  }
0x113: {  	[tilespmem:s1], [sflag:$0x1] =	stream.indirect.gather [hbm4b:s18+s23], $0x1, s3, s23, $0xb8;
	[tilespmem:$0x2200] =	vst v63  }
0x114: {  	s1 =	rddreg [dreg:$0x11]  }
0x115: {  	[tilespmem:s17], [sflag:$0x1] =	stream.indirect.gather [hbm4b:s19+s23], $0x1, s3, s23, $0xb8;
	[tilespmem:$0x2200] =	vst v63  }
0x116: {  	s17 =	rddreg [dreg:$0x12]  }
0x117: {  	[tilespmem:s1], [sflag:$0x1] =	stream.indirect.gather [hbm4b:s20+s23], $0x1, s3, s23, $0xb8;
	[tilespmem:$0x2200] =	vst v63  }
0x118: {  	s1 =	rddreg [dreg:$0x13]  }
0x119: {  	[tilespmem:s17], [sflag:$0x1] =	stream.indirect.gather [hbm4b:s21+s23], $0x1, s3, s23, $0xb8;
	[tilespmem:$0x2200] =	vst v63  }
0x11a: {  	s17 =	rddreg [dreg:$0x14]  }
0x11b: {  	[tilespmem:s1], [sflag:$0x1] =	stream.indirect.gather [hbm4b:s22+s23], $0x1, s3, s23, $0xb8;
	[tilespmem:$0x2200] =	vst v63  }
0x11c: {  	s1 =	rddreg [dreg:$0x15]  }
0x11d: {  	[tilespmem:s17], [sflag:$0x1] =	stream.indirect.gather [hbm4b:s5+s23], $0x1, s23, s23, $0xb8;
	[tilespmem:$0x2200] =	vst v63  }
0x11e: {  	s17 =	rddreg [dreg:$0x16]  }
0x11f: {  	[tilespmem:s1], [sflag:$0x1] =	stream.indirect.gather [hbm4b:s6+s23], $0x1, s23, s23, $0xb8;
	[tilespmem:$0x2200] =	vst v63  }
0x120: {  	s1 =	rddreg [dreg:$0x17]  }
0x121: {  	[tilespmem:s17], [sflag:$0x1] =	stream.indirect.gather [hbm4b:s7+s23], $0x1, s23, s23, $0xb8;
	[tilespmem:$0x2200] =	vst v63  }
0x122: {  	s17 =	rddreg [dreg:$0x18]  }
0x123: {  	[tilespmem:s1], [sflag:$0x1] =	stream.indirect.gather [hbm4b:s8+s23], $0x1, s23, s23, $0xb8;
	[tilespmem:$0x2200] =	vst v63  }
0x124: {  	s1 =	rddreg [dreg:$0x19]  }
0x125: {  	[tilespmem:s17], [sflag:$0x1] =	stream.indirect.gather [hbm4b:s9+s23], $0x1, s23, s23, $0xb8;
	[tilespmem:$0x2200] =	vst v63  }
0x126: {  	s17 =	rddreg [dreg:$0x1a]  }
0x127: {  	[tilespmem:s1], [sflag:$0x1] =	stream.indirect.gather [hbm4b:s10+s23], $0x1, s23, s23, $0xb8;
	[tilespmem:$0x2200] =	vst v63  }
0x128: {  	s1 =	rddreg [dreg:$0x1b]  }
0x129: {  	[tilespmem:s17], [sflag:$0x1] =	stream.indirect.gather [hbm4b:s11+s23], $0x1, s23, s23, $0xb8;
	[tilespmem:$0x2200] =	vst v63  }
0x12a: {  	s17 =	rddreg [dreg:$0x1c]  }
0x12b: {  	[tilespmem:s1], [sflag:$0x1] =	stream.indirect.gather [hbm4b:s12+s23], $0x1, s23, s23, $0xb8;
	[tilespmem:$0x2200] =	vst v63  }
0x12c: {  	s1 =	rddreg [dreg:$0x1d]  }
0x12d: {  	[tilespmem:s17], [sflag:$0x1] =	stream.indirect.gather [hbm4b:s13+s23], $0x1, s23, s23, $0xb8;
	[tilespmem:$0x2200] =	vst v63  }
0x12e: {  	s17 =	rddreg [dreg:$0x1e]  }
0x12f: {  	[tilespmem:s1], [sflag:$0x1] =	stream.indirect.gather [hbm4b:s14+s23], $0x1, s23, s23, $0xb8;
	[tilespmem:$0x2200] =	vst v63  }
0x130: {  	s1 =	rddreg [dreg:$0x1f]  }
0x131: {  	[tilespmem:s17], [sflag:$0x1] =	stream.indirect.gather [hbm4b:s15+s23], $0x1, s23, s23, $0xb8;
	[tilespmem:$0x2200] =	vst v63  }
0x132: {  	s17 =	sld [smem:$0x7DF]  }
0x133: {  	[tilespmem:s1], [sflag:$0x1] =	stream.indirect.gather [hbm4b:s18+s23], $0x1, s23, s23, $0xb8;
	[tilespmem:$0x2200] =	vst v63  }
0x134: {  	s1 =	sld [smem:$0x7E0]  }
0x135: {  	[tilespmem:s17], [sflag:$0x1] =	stream.indirect.gather [hbm4b:s19+s23], $0x1, s23, s23, $0xb8;
	[tilespmem:$0x2200] =	vst v63  }
0x136: {  	s17 =	sld [smem:$0x7E1]  }
0x137: {  	[tilespmem:s1], [sflag:$0x1] =	stream.indirect.gather [hbm4b:s20+s23], $0x1, s23, s23, $0xb8;
	[tilespmem:$0x2200] =	vst v63  }
0x138: {  	s1 =	sld [smem:$0x7E2]  }
0x139: {  	[tilespmem:s17], [sflag:$0x1] =	stream.indirect.gather [hbm4b:s21+s23], $0x1, s23, s23, $0xb8;
	[tilespmem:$0x2200] =	vst v63  }
0x13a: {  	s17 =	sld [smem:$0x7E3]  }
0x13b: {  	[tilespmem:s1], [sflag:$0x1] =	stream.indirect.gather [hbm4b:s22+s23], $0x1, s23, s23, $0xb8;
	[tilespmem:$0x2200] =	vst v63  }
0x13c: {  	s1 =	sld [smem:$0x7E4]  }
0x13d: {  	[tilespmem:s17], [sflag:$0x1] =	stream.indirect.gather [hbm4b:s5+s23], $0x1, s31, s23, $0xb8;
	[tilespmem:$0x2200] =	vst v63  }
0x13e: {  	s17 =	sld [smem:$0x7E5]  }
0x13f: {  	[tilespmem:s1], [sflag:$0x1] =	stream.indirect.gather [hbm4b:s6+s23], $0x1, s31, s23, $0xb8;
	[tilespmem:$0x2200] =	vst v63  }
0x140: {  	s1 =	sld [smem:$0x7E6]  }
0x141: {  	[tilespmem:s17], [sflag:$0x1] =	stream.indirect.gather [hbm4b:s7+s23], $0x1, s31, s23, $0xb8;
	[tilespmem:$0x2200] =	vst v63  }
0x142: {  	s17 =	sld [smem:$0x7E7]  }
0x143: {  	[tilespmem:s1], [sflag:$0x1] =	stream.indirect.gather [hbm4b:s8+s23], $0x1, s31, s23, $0xb8;
	[tilespmem:$0x2200] =	vst v63  }
0x144: {  	s1 =	sld [smem:$0x7E8]  }
0x145: {  	[tilespmem:s17], [sflag:$0x1] =	stream.indirect.gather [hbm4b:s9+s23], $0x1, s31, s23, $0xb8;
	[tilespmem:$0x2200] =	vst v63  }
0x146: {  	s17 =	sld [smem:$0x7E9]  }
0x147: {  	[tilespmem:s1], [sflag:$0x1] =	stream.indirect.gather [hbm4b:s10+s23], $0x1, s31, s23, $0xb8;
	[tilespmem:$0x2200] =	vst v63  }
0x148: {  	s1 =	sld [smem:$0x7EA]  }
0x149: {  	[tilespmem:s17], [sflag:$0x1] =	stream.indirect.gather [hbm4b:s11+s23], $0x1, s31, s23, $0xb8;
	[tilespmem:$0x2200] =	vst v63  }
0x14a: {  	s17 =	sld [smem:$0x7EB]  }
0x14b: {  	[tilespmem:s1], [sflag:$0x1] =	stream.indirect.gather [hbm4b:s12+s23], $0x1, s31, s23, $0xb8;
	[tilespmem:$0x2200] =	vst v63  }
0x14c: {  	s1 =	sld [smem:$0x7EC]  }
0x14d: {  	[tilespmem:s17], [sflag:$0x1] =	stream.indirect.gather [hbm4b:s13+s23], $0x1, s31, s23, $0xb8;
	[tilespmem:$0x2200] =	vst v63  }
0x14e: {  	s17 =	sld [smem:$0x7ED]  }
0x14f: {  	[tilespmem:s1], [sflag:$0x1] =	stream.indirect.gather [hbm4b:s14+s23], $0x1, s31, s23, $0xb8;
	[tilespmem:$0x2200] =	vst v63  }
0x150: {  	s1 =	sld [smem:$0x7EE]  }
0x151: {  	[tilespmem:s17], [sflag:$0x1] =	stream.indirect.gather [hbm4b:s15+s23], $0x1, s31, s23, $0xb8;
	[tilespmem:$0x2200] =	vst v63  }
0x152: {  	s17 =	sld [smem:$0x7EF]  }
0x153: {  	[tilespmem:s1], [sflag:$0x1] =	stream.indirect.gather [hbm4b:s18+s23], $0x1, s31, s23, $0xb8;
	[tilespmem:$0x2200] =	vst v63  }
0x154: {  	s1 =	sld [smem:$0x7F0]  }
0x155: {  	[tilespmem:s17], [sflag:$0x1] =	stream.indirect.gather [hbm4b:s19+s23], $0x1, s31, s23, $0xb8;
	[tilespmem:$0x2200] =	vst v63  }
0x156: {  	s17 =	sld [smem:$0x7F1]  }
0x157: {  	[tilespmem:s1], [sflag:$0x1] =	stream.indirect.gather [hbm4b:s20+s23], $0x1, s31, s23, $0xb8;
	[tilespmem:$0x2200] =	vst v63  }
0x158: {  	s1 =	sld [smem:$0x7F2]  }
0x159: {  	[tilespmem:s17], [sflag:$0x1] =	stream.indirect.gather [hbm4b:s21+s23], $0x1, s31, s23, $0xb8;
	[tilespmem:$0x2200] =	vst v63  }
0x15a: {  	s17 =	sld [smem:$0x7F3]  }
0x15b: {  	[tilespmem:s1], [sflag:$0x1] =	stream.indirect.gather [hbm4b:s22+s23], $0x1, s31, s23, $0xb8;
	[tilespmem:$0x2200] =	vst v63  }
0x15c: {  	s1 =	sld [smem:$0x7F4]  }
0x15d: {  	[tilespmem:s17], [sflag:$0x1] =	stream.indirect.gather [hbm4b:s5+s23], $0x1, s24, s23, $0xb8;
	[tilespmem:$0x2200] =	vst v63  }
0x15e: {  	s17 =	sld [smem:$0x7F5]  }
0x15f: {  	[tilespmem:s1], [sflag:$0x1] =	stream.indirect.gather [hbm4b:s6+s23], $0x1, s24, s23, $0xb8;
	[tilespmem:$0x2200] =	vst v63  }
0x160: {  	s1 =	sld [smem:$0x7F6]  }
0x161: {  	[tilespmem:s17], [sflag:$0x1] =	stream.indirect.gather [hbm4b:s7+s23], $0x1, s24, s23, $0xb8;
	[tilespmem:$0x2200] =	vst v63  }
0x162: {  	s17 =	sld [smem:$0x7F7]  }
0x163: {  	[tilespmem:s1], [sflag:$0x1] =	stream.indirect.gather [hbm4b:s8+s23], $0x1, s24, s23, $0xb8;
	[tilespmem:$0x2200] =	vst v63  }
0x164: {  	s1 =	sld [smem:$0x7F8]  }
0x165: {  	[tilespmem:s17], [sflag:$0x1] =	stream.indirect.gather [hbm4b:s9+s23], $0x1, s24, s23, $0xb8;
	[tilespmem:$0x2200] =	vst v63  }
0x166: {  	s17 =	sld [smem:$0x7F9]  }
0x167: {  	[tilespmem:s1], [sflag:$0x1] =	stream.indirect.gather [hbm4b:s10+s23], $0x1, s24, s23, $0xb8;
	[tilespmem:$0x2200] =	vst v63  }
0x168: {  	s1 =	sld [smem:$0x7FA]  }
0x169: {  	[tilespmem:s17], [sflag:$0x1] =	stream.indirect.gather [hbm4b:s11+s23], $0x1, s24, s23, $0xb8;
	[tilespmem:$0x2200] =	vst v63  }
0x16a: {  	s17 =	sld [smem:$0x7FB]  }
0x16b: {  	[tilespmem:s1], [sflag:$0x1] =	stream.indirect.gather [hbm4b:s12+s23], $0x1, s24, s23, $0xb8;
	[tilespmem:$0x2200] =	vst v63  }
0x16c: {  	s1 =	sld [smem:$0x7FC]  }
0x16d: {  	[tilespmem:s17], [sflag:$0x1] =	stream.indirect.gather [hbm4b:s13+s23], $0x1, s24, s23, $0xb8;
	[tilespmem:$0x2200] =	vst v63  }
0x16e: {  	s17 =	sld [smem:$0x7FD]  }
0x16f: {  	[tilespmem:s1], [sflag:$0x1] =	stream.indirect.gather [hbm4b:s14+s23], $0x1, s24, s23, $0xb8;
	[tilespmem:$0x2200] =	vst v63  }
0x170: {  	_ = 	snop  }
0x171: {  	[tilespmem:s17], [sflag:$0x1] =	stream.indirect.gather [hbm4b:s15+s23], $0x1, s24, s23, $0xb8;
	[tilespmem:$0x2200] =	vst v63  }
0x172: {  	s17 =	simm.s32 $0x1980  }
0x173: {  	[tilespmem:s17], [sflag:$0x1] =	stream.indirect.gather [hbm4b:s18+s23], $0x1, s24, s23, $0xb8;
	[tilespmem:$0x2200] =	vst v63  }
0x174: {  	_ = 	snop  }
0x175: {  	[tilespmem:s28], [sflag:$0x1] =	stream.indirect.gather [hbm4b:s19+s23], $0x1, s24, s23, $0xb8;
	[tilespmem:$0x2200] =	vst v63  }
0x176: {  	_ = 	snop  }
0x177: {  	[tilespmem:s29], [sflag:$0x1] =	stream.indirect.gather [hbm4b:s20+s23], $0x1, s24, s23, $0xb8;
	[tilespmem:$0x2200] =	vst v63  }
0x178: {  	_ = 	snop  }
0x179: {  	[tilespmem:s30], [sflag:$0x1] =	stream.indirect.gather [hbm4b:s21+s23], $0x1, s24, s23, $0xb8;
	[tilespmem:$0x2200] =	vst v63  }
0x17a: {  	_ = 	snop  }
0x17b: {  	[tilespmem:s26], [sflag:$0x1] =	stream.indirect.gather [hbm4b:s22+s23], $0x1, s24, s23, $0xb8;
	[tilespmem:$0x2200] =	vst v63  }
0x17c: {  	_ =	swait.ge [sflag:s16], $0x200  }
0x17d: {  	[sflag:s16] =	ssyncset.done $0x0  }
0x17e: {  	[sflag:s16] =	ssyncadd.s32 $0xFFFFFE00  }
0x17f: {  	_ =	swait.ge [sflag:s16], $0x200  }
0x180: {  	[sflag:s16] =	ssyncset.done $0x0  }
0x181: {  	[sflag:s16] =	ssyncadd.s32 $0xFFFFFE00  }
0x182: {  	_ =	swait.ge [sflag:s16], $0x200  }
0x183: {  	[sflag:s16] =	ssyncset.done $0x0  }
0x184: {  	[sflag:s16] =	ssyncadd.s32 $0xFFFFFE00  }
0x185: {  	_ =	swait.ge [sflag:s16], $0x200  }
0x186: {  	[sflag:s16] =	ssyncset.done $0x0  }
0x187: {  	[sflag:s16] =	ssyncadd.s32 $0xFFFFFE00  }
0x188: {  	_ =	swait.ge [sflag:s16], $0x200  }
0x189: {  	[sflag:s16] =	ssyncset.done $0x0  }
0x18a: {  	[sflag:s16] =	ssyncadd.s32 $0xFFFFFE00  }
0x18b: {  	_ =	swait.ge [sflag:s16], $0x200  }
0x18c: {  	[sflag:s16] =	ssyncset.done $0x0  }
0x18d: {  	[sflag:s16] =	ssyncadd.s32 $0xFFFFFE00  }
0x18e: {  	_ =	swait.ge [sflag:s16], $0x200  }
0x18f: {  	[sflag:s16] =	ssyncset.done $0x0  }
0x190: {  	[sflag:s16] =	ssyncadd.s32 $0xFFFFFE00  }
0x191: {  	_ =	swait.ge [sflag:s16], $0x200  }
0x192: {  	[sflag:s16] =	ssyncset.done $0x0  }
0x193: {  	[sflag:s16] =	ssyncadd.s32 $0xFFFFFE00  }
0x194: {  	_ =	swait.ge [sflag:s16], $0x200  }
0x195: {  	[sflag:s16] =	ssyncset.done $0x0  }
0x196: {  	[sflag:s16] =	ssyncadd.s32 $0xFFFFFE00  }
0x197: {  	_ =	swait.ge [sflag:s16], $0x200  }
0x198: {  	[sflag:s16] =	ssyncset.done $0x0  }
0x199: {  	[sflag:s16] =	ssyncadd.s32 $0xFFFFFE00  }
0x19a: {  	_ =	swait.ge [sflag:s16], $0x200  }
0x19b: {  	[sflag:s16] =	ssyncset.done $0x0  }
0x19c: {  	[sflag:s16] =	ssyncadd.s32 $0xFFFFFE00  }
0x19d: {  	_ =	swait.ge [sflag:s16], $0x200  }
0x19e: {  	[sflag:s16] =	ssyncset.done $0x0  }
0x19f: {  	[sflag:s16] =	ssyncadd.s32 $0xFFFFFE00  }
0x1a0: {  	_ =	swait.ge [sflag:s16], $0x200  }
0x1a1: {  	[sflag:s16] =	ssyncset.done $0x0  }
0x1a2: {  	[sflag:s16] =	ssyncadd.s32 $0xFFFFFE00  }
0x1a3: {  	_ =	swait.ge [sflag:s16], $0x200  }
0x1a4: {  	[sflag:s16] =	ssyncset.done $0x0  }
0x1a5: {  	[sflag:s16] =	ssyncadd.s32 $0xFFFFFE00  }
0x1a6: {  	_ =	swait.ge [sflag:s16], $0x200  }
0x1a7: {  	[sflag:s16] =	ssyncset.done $0x0  }
0x1a8: {  	[sflag:s16] =	ssyncadd.s32 $0xFFFFFE00  }
0x1a9: {  	p1 =	sne.s32 s0, $0x1;
	_ =	swait.ge [sflag:s16], $0x200  }
.Ltmp2:
0x1aa: {  	[sflag:s16] =	ssyncset.done $0x0;
	(pc) =	sbr.rel @p1 .LBB2_4-.Ltmp2, $4  }
0x1ab: {  	s17 =	rddreg [dreg:$0x4];
	[sflag:s16] =	ssyncadd.s32 $0xFFFFFE00  }
0x1ac: {  	[hbm4b:s17+s4] =	stream.strided.scatter [tilespmem:s4], [sflag:$0x2], $0x2000, s25, s4, $0x38;
	[tilespmem:$0x2200] =	vst v63  }
0x1ad: {  	_ =	swait.ge [sflag:s2], $0x2000  }
0x1ae: {  	s0 =	sadd.s32 $0xFFFFFFFF, s0;
	s1 =	rddreg [dreg:$0x3];
	[sflag:s2] =	ssyncset.done $0x0  }
0x1af: {  	s25 =	simm.s32 $0x2180;
	s30 =	simm.s32 $0x1F80;
	s29 =	simm.s32 $0x1D80  }
0x1b0: {  	s28 =	simm.s32 $0x1B80;
	s26 =	simm.s32 $0x1980;
	s17 =	rddreg [dreg:$0x2]  }
.LBB2_6:
0x1b1: {  	[sflag:s2] =	ssyncadd.s32 @p0 $0xFFFFE000  }
0x1b2: {  	[tilespmem:s3], [sflag:$0x2] =	stream.linear.gather [hbm4b:s1+s3], $0x200, $0x38;
	[tilespmem:$0x2200] =	vst v63  }
0x1b3: {  	_ =	swait.ge [sflag:s2], $0x200  }
0x1b4: {  	[sflag:s2] =	ssyncset.done $0x0  }
0x1b5: {  	s0 =	rddreg [dreg:$0x5];
	[sflag:s2] =	ssyncadd.s32 $0xFFFFFE00  }
0x1b6: {  	[tilespmem:s4], [sflag:$0x1] =	stream.indirect.gather [hbm4b:s5+s23], $0x1, s3, s23, $0xb8;
	[tilespmem:$0x2200] =	vst v63  }
0x1b7: {  	s1 =	rddreg [dreg:$0x6]  }
0x1b8: {  	[tilespmem:s0], [sflag:$0x1] =	stream.indirect.gather [hbm4b:s6+s23], $0x1, s3, s23, $0xb8;
	[tilespmem:$0x2200] =	vst v63  }
0x1b9: {  	s0 =	rddreg [dreg:$0x7]  }
0x1ba: {  	[tilespmem:s1], [sflag:$0x1] =	stream.indirect.gather [hbm4b:s7+s23], $0x1, s3, s23, $0xb8;
	[tilespmem:$0x2200] =	vst v63  }
0x1bb: {  	s1 =	rddreg [dreg:$0x8]  }
0x1bc: {  	[tilespmem:s0], [sflag:$0x1] =	stream.indirect.gather [hbm4b:s8+s23], $0x1, s3, s23, $0xb8;
	[tilespmem:$0x2200] =	vst v63  }
0x1bd: {  	s0 =	rddreg [dreg:$0x9]  }
0x1be: {  	[tilespmem:s1], [sflag:$0x1] =	stream.indirect.gather [hbm4b:s9+s23], $0x1, s3, s23, $0xb8;
	[tilespmem:$0x2200] =	vst v63  }
0x1bf: {  	s1 =	rddreg [dreg:$0xa]  }
0x1c0: {  	[tilespmem:s0], [sflag:$0x1] =	stream.indirect.gather [hbm4b:s10+s23], $0x1, s3, s23, $0xb8;
	[tilespmem:$0x2200] =	vst v63  }
0x1c1: {  	s0 =	rddreg [dreg:$0xb]  }
0x1c2: {  	[tilespmem:s1], [sflag:$0x1] =	stream.indirect.gather [hbm4b:s11+s23], $0x1, s3, s23, $0xb8;
	[tilespmem:$0x2200] =	vst v63  }
0x1c3: {  	s1 =	rddreg [dreg:$0xc]  }
0x1c4: {  	[tilespmem:s0], [sflag:$0x1] =	stream.indirect.gather [hbm4b:s12+s23], $0x1, s3, s23, $0xb8;
	[tilespmem:$0x2200] =	vst v63  }
0x1c5: {  	s0 =	rddreg [dreg:$0xd]  }
0x1c6: {  	[tilespmem:s1], [sflag:$0x1] =	stream.indirect.gather [hbm4b:s13+s23], $0x1, s3, s23, $0xb8;
	[tilespmem:$0x2200] =	vst v63  }
0x1c7: {  	s1 =	rddreg [dreg:$0xe]  }
0x1c8: {  	[tilespmem:s0], [sflag:$0x1] =	stream.indirect.gather [hbm4b:s14+s23], $0x1, s3, s23, $0xb8;
	[tilespmem:$0x2200] =	vst v63  }
0x1c9: {  	s0 =	rddreg [dreg:$0xf]  }
0x1ca: {  	[tilespmem:s1], [sflag:$0x1] =	stream.indirect.gather [hbm4b:s15+s23], $0x1, s3, s23, $0xb8;
	[tilespmem:$0x2200] =	vst v63  }
0x1cb: {  	s1 =	rddreg [dreg:$0x10]  }
0x1cc: {  	[tilespmem:s0], [sflag:$0x1] =	stream.indirect.gather [hbm4b:s18+s23], $0x1, s3, s23, $0xb8;
	[tilespmem:$0x2200] =	vst v63  }
0x1cd: {  	s0 =	rddreg [dreg:$0x11]  }
0x1ce: {  	[tilespmem:s1], [sflag:$0x1] =	stream.indirect.gather [hbm4b:s19+s23], $0x1, s3, s23, $0xb8;
	[tilespmem:$0x2200] =	vst v63  }
0x1cf: {  	s1 =	rddreg [dreg:$0x12]  }
0x1d0: {  	[tilespmem:s0], [sflag:$0x1] =	stream.indirect.gather [hbm4b:s20+s23], $0x1, s3, s23, $0xb8;
	[tilespmem:$0x2200] =	vst v63  }
0x1d1: {  	s0 =	rddreg [dreg:$0x13]  }
0x1d2: {  	[tilespmem:s1], [sflag:$0x1] =	stream.indirect.gather [hbm4b:s21+s23], $0x1, s3, s23, $0xb8;
	[tilespmem:$0x2200] =	vst v63  }
0x1d3: {  	s1 =	rddreg [dreg:$0x14]  }
0x1d4: {  	[tilespmem:s0], [sflag:$0x1] =	stream.indirect.gather [hbm4b:s22+s23], $0x1, s3, s23, $0xb8;
	[tilespmem:$0x2200] =	vst v63  }
0x1d5: {  	s3 =	rddreg [dreg:$0x15]  }
0x1d6: {  	[tilespmem:s1], [sflag:$0x1] =	stream.indirect.gather [hbm4b:s5+s23], $0x1, s23, s23, $0xb8;
	[tilespmem:$0x2200] =	vst v63  }
0x1d7: {  	s1 =	rddreg [dreg:$0x16]  }
0x1d8: {  	[tilespmem:s3], [sflag:$0x1] =	stream.indirect.gather [hbm4b:s6+s23], $0x1, s23, s23, $0xb8;
	[tilespmem:$0x2200] =	vst v63  }
0x1d9: {  	s3 =	rddreg [dreg:$0x17]  }
0x1da: {  	[tilespmem:s1], [sflag:$0x1] =	stream.indirect.gather [hbm4b:s7+s23], $0x1, s23, s23, $0xb8;
	[tilespmem:$0x2200] =	vst v63  }
0x1db: {  	s1 =	rddreg [dreg:$0x18]  }
0x1dc: {  	[tilespmem:s3], [sflag:$0x1] =	stream.indirect.gather [hbm4b:s8+s23], $0x1, s23, s23, $0xb8;
	[tilespmem:$0x2200] =	vst v63  }
0x1dd: {  	s3 =	rddreg [dreg:$0x19]  }
0x1de: {  	[tilespmem:s1], [sflag:$0x1] =	stream.indirect.gather [hbm4b:s9+s23], $0x1, s23, s23, $0xb8;
	[tilespmem:$0x2200] =	vst v63  }
0x1df: {  	s1 =	rddreg [dreg:$0x1a]  }
0x1e0: {  	[tilespmem:s3], [sflag:$0x1] =	stream.indirect.gather [hbm4b:s10+s23], $0x1, s23, s23, $0xb8;
	[tilespmem:$0x2200] =	vst v63  }
0x1e1: {  	s3 =	rddreg [dreg:$0x1b]  }
0x1e2: {  	[tilespmem:s1], [sflag:$0x1] =	stream.indirect.gather [hbm4b:s11+s23], $0x1, s23, s23, $0xb8;
	[tilespmem:$0x2200] =	vst v63  }
0x1e3: {  	s1 =	rddreg [dreg:$0x1c]  }
0x1e4: {  	[tilespmem:s3], [sflag:$0x1] =	stream.indirect.gather [hbm4b:s12+s23], $0x1, s23, s23, $0xb8;
	[tilespmem:$0x2200] =	vst v63  }
0x1e5: {  	s3 =	rddreg [dreg:$0x1d]  }
0x1e6: {  	[tilespmem:s1], [sflag:$0x1] =	stream.indirect.gather [hbm4b:s13+s23], $0x1, s23, s23, $0xb8;
	[tilespmem:$0x2200] =	vst v63  }
0x1e7: {  	s1 =	rddreg [dreg:$0x1e]  }
0x1e8: {  	[tilespmem:s3], [sflag:$0x1] =	stream.indirect.gather [hbm4b:s14+s23], $0x1, s23, s23, $0xb8;
	[tilespmem:$0x2200] =	vst v63  }
0x1e9: {  	s3 =	rddreg [dreg:$0x1f]  }
0x1ea: {  	[tilespmem:s1], [sflag:$0x1] =	stream.indirect.gather [hbm4b:s15+s23], $0x1, s23, s23, $0xb8;
	[tilespmem:$0x2200] =	vst v63  }
0x1eb: {  	s1 =	sld [smem:$0x7DF]  }
0x1ec: {  	[tilespmem:s3], [sflag:$0x1] =	stream.indirect.gather [hbm4b:s18+s23], $0x1, s23, s23, $0xb8;
	[tilespmem:$0x2200] =	vst v63  }
0x1ed: {  	s3 =	sld [smem:$0x7E0]  }
0x1ee: {  	[tilespmem:s1], [sflag:$0x1] =	stream.indirect.gather [hbm4b:s19+s23], $0x1, s23, s23, $0xb8;
	[tilespmem:$0x2200] =	vst v63  }
0x1ef: {  	s1 =	sld [smem:$0x7E1]  }
0x1f0: {  	[tilespmem:s3], [sflag:$0x1] =	stream.indirect.gather [hbm4b:s20+s23], $0x1, s23, s23, $0xb8;
	[tilespmem:$0x2200] =	vst v63  }
0x1f1: {  	s3 =	sld [smem:$0x7E2]  }
0x1f2: {  	[tilespmem:s1], [sflag:$0x1] =	stream.indirect.gather [hbm4b:s21+s23], $0x1, s23, s23, $0xb8;
	[tilespmem:$0x2200] =	vst v63  }
0x1f3: {  	s1 =	sld [smem:$0x7E3]  }
0x1f4: {  	[tilespmem:s3], [sflag:$0x1] =	stream.indirect.gather [hbm4b:s22+s23], $0x1, s23, s23, $0xb8;
	[tilespmem:$0x2200] =	vst v63  }
0x1f5: {  	s3 =	sld [smem:$0x7E4]  }
0x1f6: {  	[tilespmem:s1], [sflag:$0x1] =	stream.indirect.gather [hbm4b:s5+s23], $0x1, s31, s23, $0xb8;
	[tilespmem:$0x2200] =	vst v63  }
0x1f7: {  	s1 =	sld [smem:$0x7E5]  }
0x1f8: {  	[tilespmem:s3], [sflag:$0x1] =	stream.indirect.gather [hbm4b:s6+s23], $0x1, s31, s23, $0xb8;
	[tilespmem:$0x2200] =	vst v63  }
0x1f9: {  	s3 =	sld [smem:$0x7E6]  }
0x1fa: {  	[tilespmem:s1], [sflag:$0x1] =	stream.indirect.gather [hbm4b:s7+s23], $0x1, s31, s23, $0xb8;
	[tilespmem:$0x2200] =	vst v63  }
0x1fb: {  	s1 =	sld [smem:$0x7E7]  }
0x1fc: {  	[tilespmem:s3], [sflag:$0x1] =	stream.indirect.gather [hbm4b:s8+s23], $0x1, s31, s23, $0xb8;
	[tilespmem:$0x2200] =	vst v63  }
0x1fd: {  	s3 =	sld [smem:$0x7E8]  }
0x1fe: {  	[tilespmem:s1], [sflag:$0x1] =	stream.indirect.gather [hbm4b:s9+s23], $0x1, s31, s23, $0xb8;
	[tilespmem:$0x2200] =	vst v63  }
0x1ff: {  	s1 =	sld [smem:$0x7E9]  }
0x200: {  	[tilespmem:s3], [sflag:$0x1] =	stream.indirect.gather [hbm4b:s10+s23], $0x1, s31, s23, $0xb8;
	[tilespmem:$0x2200] =	vst v63  }
0x201: {  	s3 =	sld [smem:$0x7EA]  }
0x202: {  	[tilespmem:s1], [sflag:$0x1] =	stream.indirect.gather [hbm4b:s11+s23], $0x1, s31, s23, $0xb8;
	[tilespmem:$0x2200] =	vst v63  }
0x203: {  	s1 =	sld [smem:$0x7EB]  }
0x204: {  	[tilespmem:s3], [sflag:$0x1] =	stream.indirect.gather [hbm4b:s12+s23], $0x1, s31, s23, $0xb8;
	[tilespmem:$0x2200] =	vst v63  }
0x205: {  	s3 =	sld [smem:$0x7EC]  }
0x206: {  	[tilespmem:s1], [sflag:$0x1] =	stream.indirect.gather [hbm4b:s13+s23], $0x1, s31, s23, $0xb8;
	[tilespmem:$0x2200] =	vst v63  }
0x207: {  	s1 =	sld [smem:$0x7ED]  }
0x208: {  	[tilespmem:s3], [sflag:$0x1] =	stream.indirect.gather [hbm4b:s14+s23], $0x1, s31, s23, $0xb8;
	[tilespmem:$0x2200] =	vst v63  }
0x209: {  	s3 =	sld [smem:$0x7EE]  }
0x20a: {  	[tilespmem:s1], [sflag:$0x1] =	stream.indirect.gather [hbm4b:s15+s23], $0x1, s31, s23, $0xb8;
	[tilespmem:$0x2200] =	vst v63  }
0x20b: {  	s1 =	sld [smem:$0x7EF]  }
0x20c: {  	[tilespmem:s3], [sflag:$0x1] =	stream.indirect.gather [hbm4b:s18+s23], $0x1, s31, s23, $0xb8;
	[tilespmem:$0x2200] =	vst v63  }
0x20d: {  	s3 =	sld [smem:$0x7F0]  }
0x20e: {  	[tilespmem:s1], [sflag:$0x1] =	stream.indirect.gather [hbm4b:s19+s23], $0x1, s31, s23, $0xb8;
	[tilespmem:$0x2200] =	vst v63  }
0x20f: {  	s1 =	sld [smem:$0x7F1]  }
0x210: {  	[tilespmem:s3], [sflag:$0x1] =	stream.indirect.gather [hbm4b:s20+s23], $0x1, s31, s23, $0xb8;
	[tilespmem:$0x2200] =	vst v63  }
0x211: {  	s3 =	sld [smem:$0x7F2]  }
0x212: {  	[tilespmem:s1], [sflag:$0x1] =	stream.indirect.gather [hbm4b:s21+s23], $0x1, s31, s23, $0xb8;
	[tilespmem:$0x2200] =	vst v63  }
0x213: {  	s1 =	sld [smem:$0x7F3]  }
0x214: {  	[tilespmem:s3], [sflag:$0x1] =	stream.indirect.gather [hbm4b:s22+s23], $0x1, s31, s23, $0xb8;
	[tilespmem:$0x2200] =	vst v63  }
0x215: {  	s3 =	sld [smem:$0x7F4]  }
0x216: {  	[tilespmem:s1], [sflag:$0x1] =	stream.indirect.gather [hbm4b:s5+s23], $0x1, s24, s23, $0xb8;
	[tilespmem:$0x2200] =	vst v63  }
0x217: {  	s5 =	sld [smem:$0x7F5]  }
0x218: {  	[tilespmem:s3], [sflag:$0x1] =	stream.indirect.gather [hbm4b:s6+s23], $0x1, s24, s23, $0xb8;
	[tilespmem:$0x2200] =	vst v63  }
0x219: {  	s6 =	sld [smem:$0x7F6]  }
0x21a: {  	[tilespmem:s5], [sflag:$0x1] =	stream.indirect.gather [hbm4b:s7+s23], $0x1, s24, s23, $0xb8;
	[tilespmem:$0x2200] =	vst v63  }
0x21b: {  	s7 =	sld [smem:$0x7F7]  }
0x21c: {  	[tilespmem:s6], [sflag:$0x1] =	stream.indirect.gather [hbm4b:s8+s23], $0x1, s24, s23, $0xb8;
	[tilespmem:$0x2200] =	vst v63  }
0x21d: {  	s8 =	sld [smem:$0x7F8]  }
0x21e: {  	[tilespmem:s7], [sflag:$0x1] =	stream.indirect.gather [hbm4b:s9+s23], $0x1, s24, s23, $0xb8;
	[tilespmem:$0x2200] =	vst v63  }
0x21f: {  	s9 =	sld [smem:$0x7F9]  }
0x220: {  	[tilespmem:s8], [sflag:$0x1] =	stream.indirect.gather [hbm4b:s10+s23], $0x1, s24, s23, $0xb8;
	[tilespmem:$0x2200] =	vst v63  }
0x221: {  	s10 =	sld [smem:$0x7FA]  }
0x222: {  	[tilespmem:s9], [sflag:$0x1] =	stream.indirect.gather [hbm4b:s11+s23], $0x1, s24, s23, $0xb8;
	[tilespmem:$0x2200] =	vst v63  }
0x223: {  	s11 =	sld [smem:$0x7FB]  }
0x224: {  	[tilespmem:s10], [sflag:$0x1] =	stream.indirect.gather [hbm4b:s12+s23], $0x1, s24, s23, $0xb8;
	[tilespmem:$0x2200] =	vst v63  }
0x225: {  	s12 =	sld [smem:$0x7FC]  }
0x226: {  	[tilespmem:s11], [sflag:$0x1] =	stream.indirect.gather [hbm4b:s13+s23], $0x1, s24, s23, $0xb8;
	[tilespmem:$0x2200] =	vst v63  }
0x227: {  	s13 =	sld [smem:$0x7FD]  }
0x228: {  	[tilespmem:s12], [sflag:$0x1] =	stream.indirect.gather [hbm4b:s14+s23], $0x1, s24, s23, $0xb8;
	[tilespmem:$0x2200] =	vst v63  }
0x229: {  	_ = 	snop  }
0x22a: {  	[tilespmem:s13], [sflag:$0x1] =	stream.indirect.gather [hbm4b:s15+s23], $0x1, s24, s23, $0xb8;
	[tilespmem:$0x2200] =	vst v63  }
0x22b: {  	_ = 	snop  }
0x22c: {  	[tilespmem:s26], [sflag:$0x1] =	stream.indirect.gather [hbm4b:s18+s23], $0x1, s24, s23, $0xb8;
	[tilespmem:$0x2200] =	vst v63  }
0x22d: {  	_ = 	snop  }
0x22e: {  	[tilespmem:s28], [sflag:$0x1] =	stream.indirect.gather [hbm4b:s19+s23], $0x1, s24, s23, $0xb8;
	[tilespmem:$0x2200] =	vst v63  }
0x22f: {  	_ = 	snop  }
0x230: {  	[tilespmem:s29], [sflag:$0x1] =	stream.indirect.gather [hbm4b:s20+s23], $0x1, s24, s23, $0xb8;
	[tilespmem:$0x2200] =	vst v63  }
0x231: {  	_ = 	snop  }
0x232: {  	[tilespmem:s30], [sflag:$0x1] =	stream.indirect.gather [hbm4b:s21+s23], $0x1, s24, s23, $0xb8;
	[tilespmem:$0x2200] =	vst v63  }
0x233: {  	_ = 	snop  }
0x234: {  	[tilespmem:s25], [sflag:$0x1] =	stream.indirect.gather [hbm4b:s22+s23], $0x1, s24, s23, $0xb8;
	[tilespmem:$0x2200] =	vst v63  }
0x235: {  	_ =	swait.ge [sflag:s16], $0x200  }
0x236: {  	[sflag:s16] =	ssyncset.done $0x0  }
0x237: {  	[sflag:s16] =	ssyncadd.s32 $0xFFFFFE00  }
0x238: {  	_ =	swait.ge [sflag:s16], $0x200  }
0x239: {  	[sflag:s16] =	ssyncset.done $0x0  }
0x23a: {  	[sflag:s16] =	ssyncadd.s32 $0xFFFFFE00  }
0x23b: {  	_ =	swait.ge [sflag:s16], $0x200  }
0x23c: {  	[sflag:s16] =	ssyncset.done $0x0  }
0x23d: {  	[sflag:s16] =	ssyncadd.s32 $0xFFFFFE00  }
0x23e: {  	_ =	swait.ge [sflag:s16], $0x200  }
0x23f: {  	[sflag:s16] =	ssyncset.done $0x0  }
0x240: {  	[sflag:s16] =	ssyncadd.s32 $0xFFFFFE00  }
0x241: {  	_ =	swait.ge [sflag:s16], $0x200  }
0x242: {  	[sflag:s16] =	ssyncset.done $0x0  }
0x243: {  	[sflag:s16] =	ssyncadd.s32 $0xFFFFFE00  }
0x244: {  	_ =	swait.ge [sflag:s16], $0x200  }
0x245: {  	[sflag:s16] =	ssyncset.done $0x0  }
0x246: {  	[sflag:s16] =	ssyncadd.s32 $0xFFFFFE00  }
0x247: {  	_ =	swait.ge [sflag:s16], $0x200  }
0x248: {  	[sflag:s16] =	ssyncset.done $0x0  }
0x249: {  	[sflag:s16] =	ssyncadd.s32 $0xFFFFFE00  }
0x24a: {  	_ =	swait.ge [sflag:s16], $0x200  }
0x24b: {  	[sflag:s16] =	ssyncset.done $0x0  }
0x24c: {  	[sflag:s16] =	ssyncadd.s32 $0xFFFFFE00  }
0x24d: {  	_ =	swait.ge [sflag:s16], $0x200  }
0x24e: {  	[sflag:s16] =	ssyncset.done $0x0  }
0x24f: {  	[sflag:s16] =	ssyncadd.s32 $0xFFFFFE00  }
0x250: {  	_ =	swait.ge [sflag:s16], $0x200  }
0x251: {  	[sflag:s16] =	ssyncset.done $0x0  }
0x252: {  	[sflag:s16] =	ssyncadd.s32 $0xFFFFFE00  }
0x253: {  	_ =	swait.ge [sflag:s16], $0x200  }
0x254: {  	[sflag:s16] =	ssyncset.done $0x0  }
0x255: {  	[sflag:s16] =	ssyncadd.s32 $0xFFFFFE00  }
0x256: {  	_ =	swait.ge [sflag:s16], $0x200  }
0x257: {  	[sflag:s16] =	ssyncset.done $0x0  }
0x258: {  	[sflag:s16] =	ssyncadd.s32 $0xFFFFFE00  }
0x259: {  	_ =	swait.ge [sflag:s16], $0x200  }
0x25a: {  	[sflag:s16] =	ssyncset.done $0x0  }
0x25b: {  	[sflag:s16] =	ssyncadd.s32 $0xFFFFFE00  }
0x25c: {  	_ =	swait.ge [sflag:s16], $0x200  }
0x25d: {  	[sflag:s16] =	ssyncset.done $0x0  }
0x25e: {  	[sflag:s16] =	ssyncadd.s32 $0xFFFFFE00  }
0x25f: {  	_ =	swait.ge [sflag:s16], $0x200  }
0x260: {  	[sflag:s16] =	ssyncset.done $0x0  }
0x261: {  	[sflag:s16] =	ssyncadd.s32 $0xFFFFFE00  }
0x262: {  	_ =	swait.ge [sflag:s16], $0x200  }
0x263: {  	[sflag:s16] =	ssyncset.done $0x0  }
0x264: {  	s30 =	simm.s32 $0x4000;
	s29 =	rddreg [dreg:$0x4];
	[sflag:s16] =	ssyncadd.s32 $0xFFFFFE00  }
0x265: {  	[hbm4b:s29+s4] =	stream.strided.scatter [tilespmem:s4], [sflag:$0x2], $0x2000, s30, s4, $0x38;
	[tilespmem:$0x2200] =	vst v63  }
0x266: {  	_ =	swait.ge [sflag:s2], $0x2000  }
0x267: {  	[sflag:s2] =	ssyncset.done $0x0  }
0x268: {  	[sflag:s2] =	ssyncadd.s32 $0xFFFFE000  }
0x269: {  	_ =	sfence.sel $0x180000  }
0x26a: {  	s31 =	stileid.u32;
	[bflag:$0x0] =	sbarrier.arrive $0xFFFF  }
0x26b: {  	p0 =	sne.s32 s31, $0x0;
	_ =	strace $0x90000047  }
0x26c: {  	s0 =	sadd.s32 @!p0 $0x100000, s17;
	[bflag:$0x2] =	sbarrier.arrive $0xFFFF  }
0x26d: {  	[sflag:s0] =	ssyncadd.tile.s32 @!p0 $0x1;
	_ =	shalt  }
.LBB2_1:
.Ltmp3:
0x26e: {  	(pc) =	sbr.rel .LBB2_6-.Ltmp3, $3  }
0x26f: {  	_ =	sdelay $0x1  }
0x270: {  	s25 =	simm.s32 $0x2180;
	s30 =	simm.s32 $0x1F80  }
0x271: {  	s29 =	simm.s32 $0x1D80;
	s28 =	simm.s32 $0x1B80;
	s26 =	simm.s32 $0x1980  }
.LBB2_3:
.Ltmp4:
0x272: {  	(pc) =	sbr.rel .LBB2_6-.Ltmp4, $3  }
0x273: {  	_ =	sdelay $0x1  }
0x274: {  	s25 =	simm.s32 $0x2180;
	s30 =	simm.s32 $0x1F80;
	s29 =	simm.s32 $0x1D80  }
0x275: {  	s28 =	simm.s32 $0x1B80;
	s26 =	simm.s32 $0x1980;
	s17 =	rddreg [dreg:$0x2]  }
.Lfunc_end2:
_tile_overlayer_lowered:
.L_overlay_start_2:
0x276: {  	(tag) =	ssettag $0x2  }
0x277: {  	s0 =	rddreg [dreg:$0x0];
	s2 =	stileid.u32  }
0x278: {  	s1 =	rddreg [dreg:$0x1];
	p0 =	sne.s32 s2, $0x0  }
0x279: {  	s3 =	rddreg [dreg:$0x2];
	[bflag:$0x3] =	sbarrier.arrive $0xFFFF;
	s2 =	simm.s32 @!p0 $0x1C02  }
0x27a: {  	[timem:s3], [sflag:s2] =	dma.local @!p0 [hbm:s0], s1  }
0x27b: {  	s0 =	simm.s32 @!p0 $0x2  }
0x27c: {  	_ =	swait.ge @!p0 [sflag:s0], s1  }
0x27d: {  	s1 =	ssub.s32 @!p0 $0x0, s1;
	[sflag:s0] =	ssyncset.done @!p0 $0x0  }
0x27e: {  	[sflag:s0] =	ssyncadd.s32 @!p0 s1  }
0x27f: {  	[bflag:$0x3] =	sbarrier.arrive $0xFFFF  }
0x280: {  	_ =	shalt  }

</sc_bundles>
